<compile_context>
chip_gen: v7x
topology: tpu7x:2x2x1
jax: 0.10.2.dev20260603
libtpu: 0.0.44.dev20260713+nightly
codegen_flags: <defaults>
</compile_context>

<pallas_src>
import functools

import jax
import jax.numpy as jnp
from jax import lax
from jax.experimental import pallas as pl
from jax.experimental.pallas import tpu as pltpu
from jax.experimental.pallas import tpu_sc as plsc

N = 10000
E = 320000
NCORE = 2
NSUB = 16
NW = NCORE * NSUB
CH = 128
ECH = E // CH
NP = 10112
EPW = E // NW
C1B = 78
C1XT = 14
C2B = 156
C2XT = 12
NSLOT = 3
CS2 = 3
ZROWS = NP // NSUB
OROWS = 624
OTAIL = N - OROWS * NSUB

_mesh = plsc.VectorSubcoreMesh(core_axis_name="c", subcore_axis_name="s")
_params = pltpu.CompilerParams(use_tc_tiling_on_sc=False)
_params_head = pltpu.CompilerParams(use_tc_tiling_on_sc=False,
                                    needs_layout_passes=False)


def _copy_out(aggsh, out_hbm, cid, sid):
    pltpu.sync_copy(aggsh.at[pl.ds(sid * OROWS, OROWS)],
                    out_hbm.at[cid, pl.ds(sid * OROWS, OROWS)])

    @pl.when(sid == 0)
    def _():
        pltpu.sync_copy(aggsh.at[pl.ds(OROWS * NSUB, OTAIL)],
                        out_hbm.at[cid, pl.ds(OROWS * NSUB, OTAIL)])


@functools.partial(
    pl.kernel,
    out_type=(jax.ShapeDtypeStruct((NCORE, N, 16), jnp.float32),
              jax.ShapeDtypeStruct((NCORE, N, 16), jnp.float32)),
    mesh=_mesh,
    scratch_types=[
        pltpu.VMEM((C1B + 1, CH), jnp.int32),
        pltpu.VMEM((C1B + 1, CH), jnp.int32),
    ]
    + [pltpu.VMEM((CH, 16), jnp.float32) for _ in range(NSLOT)]
    + [pltpu.VMEM((CH, 16), jnp.float32)]
    + [pltpu.VMEM_SHARED((N, 16), jnp.float32)]
    + [pltpu.VMEM_SHARED((NP, 16), jnp.float32)]
    + [pltpu.VMEM_SHARED((NP, 16), jnp.float32)]
    + [pltpu.SemaphoreType.DMA for _ in range(NSLOT)],
    compiler_params=_params,
)
def _sc_conv1(h0_hbm, ei_hbm, z_hbm, fout_hbm, cout_hbm,
              srcv, dstv, *rest):
    bufs = rest[:NSLOT]
    cbuf = rest[NSLOT]
    h0sh = rest[NSLOT + 1]
    featsh = rest[NSLOT + 2]
    cntsh = rest[NSLOT + 3]
    gsems = rest[NSLOT + 4:]
    cid = lax.axis_index("c")
    sid = lax.axis_index("s")
    base = (cid * (ECH // 2) + sid * C1B
            + jnp.maximum(sid - C1XT, 0).astype(jnp.int32))
    pltpu.sync_copy(ei_hbm.at[0, pl.ds(base, C1B)],
                    srcv.at[pl.ds(0, C1B)])
    pltpu.sync_copy(ei_hbm.at[1, pl.ds(base, C1B)],
                    dstv.at[pl.ds(0, C1B)])

    @pl.when(sid >= C1XT)
    def _():
        pltpu.sync_copy(ei_hbm.at[0, pl.ds(base + C1B, 1)],
                        srcv.at[pl.ds(C1B, 1)])
        pltpu.sync_copy(ei_hbm.at[1, pl.ds(base + C1B, 1)],
                        dstv.at[pl.ds(C1B, 1)])

    pltpu.sync_copy(h0_hbm.at[pl.ds(sid * OROWS, OROWS)],
                    h0sh.at[pl.ds(sid * OROWS, OROWS)])
    pltpu.sync_copy(z_hbm.at[pl.ds(sid * ZROWS, ZROWS)],
                    featsh.at[pl.ds(sid * ZROWS, ZROWS)])
    pltpu.sync_copy(z_hbm.at[pl.ds(sid * ZROWS, ZROWS)],
                    cntsh.at[pl.ds(sid * ZROWS, ZROWS)])

    @pl.when(sid == 0)
    def _():
        pltpu.sync_copy(h0_hbm.at[pl.ds(OROWS * NSUB, OTAIL)],
                        h0sh.at[pl.ds(OROWS * NSUB, OTAIL)])

    ones_col = jnp.where(lax.iota(jnp.int32, 16) == 0, 1.0, 0.0)

    def fill(r, carry):
        cbuf[r] = ones_col
        return carry

    lax.fori_loop(0, CH, fill, 0)
    plsc.subcore_barrier()
    for k in range(NSLOT):
        pltpu.async_copy(h0sh.at[srcv.at[k]], bufs[k], gsems[k])

    def body(t, carry):
        b0 = t * NSLOT
        for k in range(NSLOT):
            j = b0 + k
            pltpu.make_async_copy(h0sh.at[srcv.at[j]],
                                  bufs[k], gsems[k]).wait()
            pltpu.sync_copy(bufs[k], featsh.at[dstv.at[j]], add=True)
            pltpu.sync_copy(cbuf, cntsh.at[dstv.at[j]], add=True)
            nxt = j + NSLOT

            @pl.when(nxt < C1B)
            def _():
                pltpu.async_copy(h0sh.at[srcv.at[nxt]], bufs[k], gsems[k])
        return carry

    lax.fori_loop(0, C1B // NSLOT, body, 0)

    @pl.when(sid >= C1XT)
    def _():
        pltpu.async_copy(h0sh.at[srcv.at[C1B]], bufs[0], gsems[0]).wait()
        pltpu.sync_copy(bufs[0], featsh.at[dstv.at[C1B]], add=True)
        pltpu.sync_copy(cbuf, cntsh.at[dstv.at[C1B]], add=True)

    plsc.subcore_barrier()
    _copy_out(featsh, fout_hbm, cid, sid)
    _copy_out(cntsh, cout_hbm, cid, sid)


@functools.partial(
    pl.kernel,
    out_type=jax.ShapeDtypeStruct((NCORE, N, 64), jnp.float32),
    mesh=_mesh,
    scratch_types=[
        pltpu.VMEM((C2B + 1, CH), jnp.int32),
    ]
    + [pltpu.VMEM((CS2, CH), jnp.int32)]
    + [pltpu.VMEM((CH, 64), jnp.float32) for _ in range(CS2)]
    + [pltpu.VMEM_SHARED((N, 64), jnp.float32)]
    + [pltpu.VMEM_SHARED((NP, 64), jnp.float32)]
    + [pltpu.SemaphoreType.DMA for _ in range(2 * CS2)],
    compiler_params=_params,
)
def _sc_conv2(h1p_hbm, ei_hbm, z_hbm, out_hbm,
              srcv, *rest):
    didx = rest[0]
    bufs = rest[1:CS2 + 1]
    h1sh = rest[CS2 + 1]
    aggsh = rest[CS2 + 2]
    gsems = rest[CS2 + 3:2 * CS2 + 3]
    dsems = rest[2 * CS2 + 3:]
    cid = lax.axis_index("c")
    sid = lax.axis_index("s")
    base = sid * C2B + jnp.maximum(sid - C2XT, 0).astype(jnp.int32)
    pltpu.sync_copy(ei_hbm.at[0, pl.ds(base, C2B)],
                    srcv.at[pl.ds(0, C2B)])

    @pl.when(sid >= C2XT)
    def _():
        pltpu.sync_copy(ei_hbm.at[0, pl.ds(base + C2B, 1)],
                        srcv.at[pl.ds(C2B, 1)])

    pltpu.sync_copy(h1p_hbm.at[cid, pl.ds(sid * OROWS, OROWS)],
                    h1sh.at[pl.ds(sid * OROWS, OROWS)])
    pltpu.sync_copy(z_hbm.at[pl.ds(sid * ZROWS, ZROWS)],
                    aggsh.at[pl.ds(sid * ZROWS, ZROWS)])

    @pl.when(sid == 0)
    def _():
        pltpu.sync_copy(h1p_hbm.at[cid, pl.ds(OROWS * NSUB, OTAIL)],
                        h1sh.at[pl.ds(OROWS * NSUB, OTAIL)])

    plsc.subcore_barrier()
    for k in range(CS2):
        pltpu.async_copy(ei_hbm.at[1, base + k], didx.at[k], dsems[k])
        pltpu.async_copy(h1sh.at[srcv.at[k]], bufs[k], gsems[k])

    def body(t, carry):
        b0 = t * CS2
        for k in range(CS2):
            j = b0 + k
            pltpu.make_async_copy(h1sh.at[srcv.at[j]],
                                  bufs[k], gsems[k]).wait()
            pltpu.make_async_copy(ei_hbm.at[1, base + j],
                                  didx.at[k], dsems[k]).wait()
            pltpu.sync_copy(bufs[k], aggsh.at[didx.at[k]], add=True)
            nxt = j + CS2

            @pl.when(nxt < C2B)
            def _():
                pltpu.async_copy(ei_hbm.at[1, base + nxt], didx.at[k],
                                 dsems[k])
                pltpu.async_copy(h1sh.at[srcv.at[nxt]], bufs[k], gsems[k])
        return carry

    lax.fori_loop(0, C2B // CS2, body, 0)

    @pl.when(sid >= C2XT)
    def _():
        pltpu.async_copy(ei_hbm.at[1, base + C2B], didx.at[0],
                         dsems[0]).wait()
        pltpu.async_copy(h1sh.at[srcv.at[C2B]], bufs[0], gsems[0]).wait()
        pltpu.sync_copy(bufs[0], aggsh.at[didx.at[0]], add=True)

    plsc.subcore_barrier()
    _copy_out(aggsh, out_hbm, cid, sid)


@functools.partial(
    pl.kernel,
    out_type=(jax.ShapeDtypeStruct((E,), jnp.float32),
              jax.ShapeDtypeStruct((E,), jnp.float32)),
    mesh=_mesh,
    scratch_types=[
        pltpu.VMEM((EPW,), jnp.int32),
        pltpu.VMEM((EPW,), jnp.int32),
        pltpu.VMEM((N,), jnp.float32),
        pltpu.VMEM((N,), jnp.float32),
        pltpu.VMEM((EPW,), jnp.float32),
        pltpu.VMEM((EPW,), jnp.float32),
    ],
    compiler_params=_params_head,
)
def _sc_head(sl_hbm, sr_hbm, ei_hbm, raw_hbm, sig_hbm,
             srcv, dstv, slv, srv, rawv, sigv):
    cid = lax.axis_index("c")
    sid = lax.axis_index("s")
    wid = sid * NCORE + cid
    pltpu.sync_copy(ei_hbm.at[0, pl.ds(wid * EPW, EPW)], srcv)
    pltpu.sync_copy(ei_hbm.at[1, pl.ds(wid * EPW, EPW)], dstv)
    pltpu.sync_copy(sl_hbm, slv)
    pltpu.sync_copy(sr_hbm, srv)

    def body(i, carry):
        o = i * 16
        s = srcv[pl.ds(o, 16)]
        d = dstv[pl.ds(o, 16)]
        raw = plsc.load_gather(slv, [s]) + plsc.load_gather(srv, [d])
        rawv[pl.ds(o, 16)] = raw
        sigv[pl.ds(o, 16)] = 1.0 / (1.0 + jnp.exp(-raw))
        return carry

    lax.fori_loop(0, EPW // 16, body, 0)
    pltpu.sync_copy(rawv, raw_hbm.at[pl.ds(wid * EPW, EPW)])
    pltpu.sync_copy(sigv, sig_hbm.at[pl.ds(wid * EPW, EPW)])


def _tc_lin0_body(x_ref, w_ref, b_ref, o_ref):
    o_ref[...] = (jnp.dot(x_ref[...], w_ref[...],
                          preferred_element_type=jnp.float32)
                  + b_ref[...][None, :])


def _tc_mid_body(f_ref, c_ref, h0_ref, wl_ref, wr_ref, b_ref,
                 h1p_ref, cnt_ref):
    cnt = jnp.maximum(c_ref[0][:, :1] + c_ref[1][:, :1], 1.0)
    mean = (f_ref[0] + f_ref[1]) / cnt
    h1 = (jnp.dot(mean, wl_ref[...], preferred_element_type=jnp.float32)
          + jnp.dot(h0_ref[...], wr_ref[...],
                    preferred_element_type=jnp.float32)
          + b_ref[...][None, :])
    h1 = jnp.maximum(h1, 0.0)
    h1p_ref[0] = h1[:, :64]
    h1p_ref[1] = h1[:, 64:]
    cnt_ref[...] = cnt


def _tc_out_body(p_ref, cnt_ref, h1p_ref, wl_ref, wr_ref, b_ref,
                 wpl_ref, wpr_ref, bp_ref, sl_ref, sr_ref):
    cnt = cnt_ref[...]
    h2 = (jnp.dot(p_ref[0] / cnt, wl_ref[...][:64],
                  preferred_element_type=jnp.float32)
          + jnp.dot(p_ref[1] / cnt, wl_ref[...][64:],
                    preferred_element_type=jnp.float32)
          + jnp.dot(h1p_ref[0], wr_ref[...][:64],
                    preferred_element_type=jnp.float32)
          + jnp.dot(h1p_ref[1], wr_ref[...][64:],
                    preferred_element_type=jnp.float32)
          + b_ref[...][None, :])
    sl_ref[...] = jnp.sum(h2 * wpl_ref[...][None, :], axis=1) + bp_ref[...]
    sr_ref[...] = jnp.sum(h2 * wpr_ref[...][None, :], axis=1)


def kernel(x, edge_index, edge_attr, W0, b0, Wl1, Wr1, b1,
           Wl2, Wr2, b2, Wp, bp):
    f32 = jnp.float32
    ei3 = edge_index.reshape(2, ECH, CH)

    h0 = pl.pallas_call(
        _tc_lin0_body,
        out_shape=jax.ShapeDtypeStruct((N, 16), f32),
    )(x, W0.T, b0)

    fparts, cparts = _sc_conv1(h0, ei3, jnp.zeros((NP, 16), f32))

    h1p, cntcol = pl.pallas_call(
        _tc_mid_body,
        out_shape=(jax.ShapeDtypeStruct((NCORE, N, 64), f32),
                   jax.ShapeDtypeStruct((N, 1), f32)),
    )(fparts, cparts, h0, Wl1.T, Wr1.T, b1)

    parts2 = _sc_conv2(h1p, ei3, jnp.zeros((NP, 64), f32))

    sl, sr = pl.pallas_call(
        _tc_out_body,
        out_shape=(jax.ShapeDtypeStruct((N,), f32),
                   jax.ShapeDtypeStruct((N,), f32)),
    )(parts2, cntcol, h1p, Wl2.T, Wr2.T, b2,
      Wp[0, :128], Wp[0, 128:], bp)

    return _sc_head(sl, sr, edge_index)

# --- scband reference (transcript-rebuilt; emitter-appended) ---
"""Pipeline reference for scband-amlgraph-sage-56435870269575 (READ-ONLY COPY).

The authoritative reference and input builder live on the scoring server;
editing this copy changes nothing except your own understanding.
"""

import jax, jax.numpy as jnp
import numpy as np

N = 10000
E = 320000
D_X = 128
D_EDGE = 16
HID = 128
OUT = 128


def setup_inputs(seed: int = 0) -> dict:
    key = jax.random.key(seed)
    ks = jax.random.split(key, 14)
    x = jax.random.normal(ks[0], (N, D_X), dtype=jnp.float32)
    edge_index = jax.random.randint(ks[1], (2, E), 0, N, dtype=jnp.int32)
    edge_attr = jax.random.normal(ks[2], (E, D_EDGE), dtype=jnp.float32)
    # initial_lin: Linear(D_X -> D_EDGE)
    W0 = jax.random.normal(ks[3], (D_EDGE, D_X), dtype=jnp.float32) / np.sqrt(D_X)
    b0 = jnp.zeros((D_EDGE,), dtype=jnp.float32)
    # SAGEConv1: D_EDGE -> HID (lin_l acts on aggregated neighbors, lin_r on root)
    Wl1 = jax.random.normal(ks[4], (HID, D_EDGE), dtype=jnp.float32) / np.sqrt(D_EDGE)
    Wr1 = jax.random.normal(ks[5], (HID, D_EDGE), dtype=jnp.float32) / np.sqrt(D_EDGE)
    b1 = jnp.zeros((HID,), dtype=jnp.float32)
    # SAGEConv2: HID -> OUT
    Wl2 = jax.random.normal(ks[6], (OUT, HID), dtype=jnp.float32) / np.sqrt(HID)
    Wr2 = jax.random.normal(ks[7], (OUT, HID), dtype=jnp.float32) / np.sqrt(HID)
    b2 = jnp.zeros((OUT,), dtype=jnp.float32)
    # pred_head: Linear(2*OUT -> 1)
    Wp = jax.random.normal(ks[8], (1, 2 * OUT), dtype=jnp.float32) / np.sqrt(2 * OUT)
    bp = jnp.zeros((1,), dtype=jnp.float32)
    return {"x": x, "edge_index": edge_index, "edge_attr": edge_attr,
            "W0": W0, "b0": b0, "Wl1": Wl1, "Wr1": Wr1, "b1": b1,
            "Wl2": Wl2, "Wr2": Wr2, "b2": b2, "Wp": Wp, "bp": bp}


def _sage_conv(h, edge_index, Wl, Wr, b):
    src = edge_index[0]
    dst = edge_index[1]
    msg = jnp.take(h, src, axis=0)
    agg = jax.ops.segment_sum(msg, dst, num_segments=N)
    cnt = jax.ops.segment_sum(jnp.ones((edge_index.shape[1],), h.dtype), dst, num_segments=N)
    mean = agg / jnp.clip(cnt, 1.0)[:, None]
    return mean @ Wl.T + h @ Wr.T + b


def reference(x, edge_index, edge_attr, W0, b0, Wl1, Wr1, b1, Wl2, Wr2, b2, Wp, bp):
    # initial_lin
    h = x @ W0.T + b0
    # conv1 + relu (dropout is identity in eval mode)
    h = _sage_conv(h, edge_index, Wl1, Wr1, b1)
    h = jax.nn.relu(h)
    # conv2
    h = _sage_conv(h, edge_index, Wl2, Wr2, b2)
    # edge classification head
    sender = jnp.take(h, edge_index[0], axis=0)
    receiver = jnp.take(h, edge_index[1], axis=0)
    combined = jnp.concatenate([sender, receiver], axis=1)
    raw_score = (combined @ Wp.T + bp).squeeze(-1)
    suspicion_score = jax.nn.sigmoid(raw_score)
    return (raw_score, suspicion_score)

if __name__ == "__main__":
    import jax
    _d = setup_inputs()
    print(jax.jit(kernel)(*tuple(_d.values())))

</pallas_src>

<mosaic_0001>
#map = affine_map<(d0, d1) -> (0)>
#map1 = affine_map<(d0, d1) -> (0, 0)>
module attributes {stable_mosaic.version = 14 : i64} {
  func.func @_sc_head(%arg0: i32, %arg1: i32, %arg2: memref<10000xf32, #tpu.memory_space<hbm>>, %arg3: memref<10000xf32, #tpu.memory_space<hbm>>, %arg4: memref<2x320000xi32, #tpu.memory_space<hbm>>, %arg5: memref<320000xf32, #tpu.memory_space<hbm>>, %arg6: memref<320000xf32, #tpu.memory_space<hbm>>, %arg7: memref<10000xi32, #tpu.memory_space<vmem>>, %arg8: memref<10000xi32, #tpu.memory_space<vmem>>, %arg9: memref<10000xf32, #tpu.memory_space<vmem>>, %arg10: memref<10000xf32, #tpu.memory_space<vmem>>, %arg11: memref<10000xf32, #tpu.memory_space<vmem>>, %arg12: memref<10000xf32, #tpu.memory_space<vmem>>) attributes {dimension_semantics = [#tpu.dimension_semantics<core_parallel>, #tpu.dimension_semantics<subcore_parallel>], iteration_bounds = array<i64: 2, 16>, scalar_prefetch = 0 : i64, scratch_operands = 6 : i64, tpu.core_type = #tpu.core_type<sc_vector_subcore>, window_params = [{transform_indices = #map}, {transform_indices = #map}, {transform_indices = #map1}, {transform_indices = #map}, {transform_indices = #map}]} {
    %mul3A = arith.constant 2 : i32
    %mul3A_0 = arith.muli %arg1, %mul3A : i32
    %add3A = arith.addi %mul3A_0, %arg0 : i32
    %mul3A_1 = arith.constant 10000 : i32
    %mul3A_2 = arith.muli %add3A, %mul3A_1 : i32
    %run_scoped3A = arith.constant 0 : i32
    "tpu.region"() ({
      %run_scoped3A_15 = tpu.sem_alloc : memref<!tpu.dma_semaphore, #tpu.memory_space<semaphore_mem>>
      %dma_start3A = tpu.memref_slice %arg4[%run_scoped3A, %mul3A_2] : memref<2x320000xi32, #tpu.memory_space<hbm>> -> memref<1x10000xi32, #tpu.memory_space<hbm>>
      %dma_start3A_16 = tpu.memref_squeeze %dma_start3A : memref<1x10000xi32, #tpu.memory_space<hbm>> -> memref<10000xi32, #tpu.memory_space<hbm>>
      %dma_start3A_17 = tpu.memref_slice %arg4[%run_scoped3A, %mul3A_2] : memref<2x320000xi32, #tpu.memory_space<hbm>> -> memref<1x10000xi32, #tpu.memory_space<hbm>>
      %dma_start3A_18 = tpu.memref_squeeze %dma_start3A_17 : memref<1x10000xi32, #tpu.memory_space<hbm>> -> memref<10000xi32, #tpu.memory_space<hbm>>
      tpu.enqueue_dma source(%dma_start3A_18 : memref<10000xi32, #tpu.memory_space<hbm>>) target(%arg7 : memref<10000xi32, #tpu.memory_space<vmem>>) target_semaphore(%run_scoped3A_15 : memref<!tpu.dma_semaphore, #tpu.memory_space<semaphore_mem>>)
      %dma_wait3A = tpu.memref_slice %arg4[%run_scoped3A, %mul3A_2] : memref<2x320000xi32, #tpu.memory_space<hbm>> -> memref<1x10000xi32, #tpu.memory_space<hbm>>
      %dma_wait3A_19 = tpu.memref_squeeze %dma_wait3A : memref<1x10000xi32, #tpu.memory_space<hbm>> -> memref<10000xi32, #tpu.memory_space<hbm>>
      %dma_wait3A_20 = tpu.memref_slice %arg4[%run_scoped3A, %mul3A_2] : memref<2x320000xi32, #tpu.memory_space<hbm>> -> memref<1x10000xi32, #tpu.memory_space<hbm>>
      %dma_wait3A_21 = tpu.memref_squeeze %dma_wait3A_20 : memref<1x10000xi32, #tpu.memory_space<hbm>> -> memref<10000xi32, #tpu.memory_space<hbm>>
      tpu.wait_dma2 semaphore(%run_scoped3A_15 : memref<!tpu.dma_semaphore, #tpu.memory_space<semaphore_mem>>) src(%dma_wait3A_21 : memref<10000xi32, #tpu.memory_space<hbm>>) dst(%arg7 : memref<10000xi32, #tpu.memory_space<vmem>>)
      tpu.yield
    }) : () -> ()
    %mul3A_3 = arith.constant 10000 : i32
    %mul3A_4 = arith.muli %add3A, %mul3A_3 : i32
    %run_scoped3A_5 = arith.constant 1 : i32
    "tpu.region"() ({
      %run_scoped3A_15 = tpu.sem_alloc : memref<!tpu.dma_semaphore, #tpu.memory_space<semaphore_mem>>
      %dma_start3A = tpu.memref_slice %arg4[%run_scoped3A_5, %mul3A_4] : memref<2x320000xi32, #tpu.memory_space<hbm>> -> memref<1x10000xi32, #tpu.memory_space<hbm>>
      %dma_start3A_16 = tpu.memref_squeeze %dma_start3A : memref<1x10000xi32, #tpu.memory_space<hbm>> -> memref<10000xi32, #tpu.memory_space<hbm>>
      %dma_start3A_17 = tpu.memref_slice %arg4[%run_scoped3A_5, %mul3A_4] : memref<2x320000xi32, #tpu.memory_space<hbm>> -> memref<1x10000xi32, #tpu.memory_space<hbm>>
      %dma_start3A_18 = tpu.memref_squeeze %dma_start3A_17 : memref<1x10000xi32, #tpu.memory_space<hbm>> -> memref<10000xi32, #tpu.memory_space<hbm>>
      tpu.enqueue_dma source(%dma_start3A_18 : memref<10000xi32, #tpu.memory_space<hbm>>) target(%arg8 : memref<10000xi32, #tpu.memory_space<vmem>>) target_semaphore(%run_scoped3A_15 : memref<!tpu.dma_semaphore, #tpu.memory_space<semaphore_mem>>)
      %dma_wait3A = tpu.memref_slice %arg4[%run_scoped3A_5, %mul3A_4] : memref<2x320000xi32, #tpu.memory_space<hbm>> -> memref<1x10000xi32, #tpu.memory_space<hbm>>
      %dma_wait3A_19 = tpu.memref_squeeze %dma_wait3A : memref<1x10000xi32, #tpu.memory_space<hbm>> -> memref<10000xi32, #tpu.memory_space<hbm>>
      %dma_wait3A_20 = tpu.memref_slice %arg4[%run_scoped3A_5, %mul3A_4] : memref<2x320000xi32, #tpu.memory_space<hbm>> -> memref<1x10000xi32, #tpu.memory_space<hbm>>
      %dma_wait3A_21 = tpu.memref_squeeze %dma_wait3A_20 : memref<1x10000xi32, #tpu.memory_space<hbm>> -> memref<10000xi32, #tpu.memory_space<hbm>>
      tpu.wait_dma2 semaphore(%run_scoped3A_15 : memref<!tpu.dma_semaphore, #tpu.memory_space<semaphore_mem>>) src(%dma_wait3A_21 : memref<10000xi32, #tpu.memory_space<hbm>>) dst(%arg8 : memref<10000xi32, #tpu.memory_space<vmem>>)
      tpu.yield
    }) : () -> ()
    "tpu.region"() ({
      %run_scoped3A_15 = tpu.sem_alloc : memref<!tpu.dma_semaphore, #tpu.memory_space<semaphore_mem>>
      tpu.enqueue_dma source(%arg2 : memref<10000xf32, #tpu.memory_space<hbm>>) target(%arg9 : memref<10000xf32, #tpu.memory_space<vmem>>) target_semaphore(%run_scoped3A_15 : memref<!tpu.dma_semaphore, #tpu.memory_space<semaphore_mem>>)
      tpu.wait_dma2 semaphore(%run_scoped3A_15 : memref<!tpu.dma_semaphore, #tpu.memory_space<semaphore_mem>>) src(%arg2 : memref<10000xf32, #tpu.memory_space<hbm>>) dst(%arg9 : memref<10000xf32, #tpu.memory_space<vmem>>)
      tpu.yield
    }) : () -> ()
    "tpu.region"() ({
      %run_scoped3A_15 = tpu.sem_alloc : memref<!tpu.dma_semaphore, #tpu.memory_space<semaphore_mem>>
      tpu.enqueue_dma source(%arg3 : memref<10000xf32, #tpu.memory_space<hbm>>) target(%arg10 : memref<10000xf32, #tpu.memory_space<vmem>>) target_semaphore(%run_scoped3A_15 : memref<!tpu.dma_semaphore, #tpu.memory_space<semaphore_mem>>)
      tpu.wait_dma2 semaphore(%run_scoped3A_15 : memref<!tpu.dma_semaphore, #tpu.memory_space<semaphore_mem>>) src(%arg3 : memref<10000xf32, #tpu.memory_space<hbm>>) dst(%arg10 : memref<10000xf32, #tpu.memory_space<vmem>>)
      tpu.yield
    }) : () -> ()
    %scan3A = arith.constant 0 : i32
    %scan3A_6 = arith.constant 0 : i32
    %scan3A_7 = arith.constant 625 : i32
    %scan3A_8 = arith.addi %scan3A_6, %scan3A_7 : i32
    %scan3A_9 = arith.constant 1 : i32
    scf.for %scan3A_15 = %scan3A_6 to %scan3A_8 step %scan3A_9  : i32 {
      %mul3A_16 = arith.constant 16 : i32
      %mul3A_17 = arith.muli %scan3A_15, %mul3A_16 : i32
      %get3A = arith.index_cast %mul3A_17 : i32 to index
      %get3A_18 = tpu.vector_load %arg7[%get3A] {strides = array<i32>} : memref<10000xi32, #tpu.memory_space<vmem>>, vector<16xi32>,
      %get3A_19 = arith.index_cast %mul3A_17 : i32 to index
      %get3A_20 = tpu.vector_load %arg8[%get3A_19] {strides = array<i32>} : memref<10000xi32, #tpu.memory_space<vmem>>, vector<16xi32>,
      %gather3A = tpu.vector_load_idx %arg9[%get3A_18] : memref<10000xf32, #tpu.memory_space<vmem>>[vector<16xi32>], vector<16xf32>,
      %gather3A_21 = tpu.vector_load_idx %arg10[%get3A_20] : memref<10000xf32, #tpu.memory_space<vmem>>[vector<16xi32>], vector<16xf32>,
      %add3A_22 = arith.addf %gather3A, %gather3A_21 : vector<16xf32>
      %swap3A = arith.index_cast %mul3A_17 : i32 to index
      %swap3A_23 = tpu.vector_load %arg11[%swap3A] {strides = array<i32>} : memref<10000xf32, #tpu.memory_space<vmem>>, vector<16xf32>,
      tpu.vector_store %arg11[%swap3A], %add3A_22 {strides = array<i32>} : memref<10000xf32, #tpu.memory_space<vmem>>, vector<16xf32>,
      %neg3A = arith.constant 0.000000e+00 : f32
      %neg3A_24 = vector.broadcast %neg3A : f32 to vector<16xf32>
      %neg3A_25 = arith.subf %neg3A_24, %add3A_22 : vector<16xf32>
      %exp3A = math.exp %neg3A_25 : vector<16xf32>
      %add3A_26 = arith.constant 1.000000e+00 : f32
      %add3A_27 = vector.broadcast %add3A_26 : f32 to vector<16xf32>
      %add3A_28 = arith.addf %add3A_27, %exp3A : vector<16xf32>
      %div3A = arith.constant 1.000000e+00 : f32
      %div3A_29 = vector.broadcast %div3A : f32 to vector<16xf32>
      %div3A_30 = arith.divf %div3A_29, %add3A_28 : vector<16xf32>
      %swap3A_31 = arith.index_cast %mul3A_17 : i32 to index
      %swap3A_32 = tpu.vector_load %arg12[%swap3A_31] {strides = array<i32>} : memref<10000xf32, #tpu.memory_space<vmem>>, vector<16xf32>,
      tpu.vector_store %arg12[%swap3A_31], %div3A_30 {strides = array<i32>} : memref<10000xf32, #tpu.memory_space<vmem>>, vector<16xf32>,
    }
    %scan3A_10 = arith.constant 625 : i32
    %mul3A_11 = arith.constant 10000 : i32
    %mul3A_12 = arith.muli %add3A, %mul3A_11 : i32
    "tpu.region"() ({
      %run_scoped3A_15 = tpu.sem_alloc : memref<!tpu.dma_semaphore, #tpu.memory_space<semaphore_mem>>
      %dma_start3A = tpu.memref_slice %arg5[%mul3A_12] : memref<320000xf32, #tpu.memory_space<hbm>> -> memref<10000xf32, #tpu.memory_space<hbm>>
      %dma_start3A_16 = tpu.memref_slice %arg5[%mul3A_12] : memref<320000xf32, #tpu.memory_space<hbm>> -> memref<10000xf32, #tpu.memory_space<hbm>>
      tpu.enqueue_dma source(%arg11 : memref<10000xf32, #tpu.memory_space<vmem>>) target(%dma_start3A_16 : memref<10000xf32, #tpu.memory_space<hbm>>) target_semaphore(%run_scoped3A_15 : memref<!tpu.dma_semaphore, #tpu.memory_space<semaphore_mem>>)
      %dma_wait3A = tpu.memref_slice %arg5[%mul3A_12] : memref<320000xf32, #tpu.memory_space<hbm>> -> memref<10000xf32, #tpu.memory_space<hbm>>
      %dma_wait3A_17 = tpu.memref_slice %arg5[%mul3A_12] : memref<320000xf32, #tpu.memory_space<hbm>> -> memref<10000xf32, #tpu.memory_space<hbm>>
      tpu.wait_dma2 semaphore(%run_scoped3A_15 : memref<!tpu.dma_semaphore, #tpu.memory_space<semaphore_mem>>) src(%arg11 : memref<10000xf32, #tpu.memory_space<vmem>>) dst(%dma_wait3A_17 : memref<10000xf32, #tpu.memory_space<hbm>>)
      tpu.yield
    }) : () -> ()
    %mul3A_13 = arith.constant 10000 : i32
    %mul3A_14 = arith.muli %add3A, %mul3A_13 : i32
    "tpu.region"() ({
      %run_scoped3A_15 = tpu.sem_alloc : memref<!tpu.dma_semaphore, #tpu.memory_space<semaphore_mem>>
      %dma_start3A = tpu.memref_slice %arg6[%mul3A_14] : memref<320000xf32, #tpu.memory_space<hbm>> -> memref<10000xf32, #tpu.memory_space<hbm>>
      %dma_start3A_16 = tpu.memref_slice %arg6[%mul3A_14] : memref<320000xf32, #tpu.memory_space<hbm>> -> memref<10000xf32, #tpu.memory_space<hbm>>
      tpu.enqueue_dma source(%arg12 : memref<10000xf32, #tpu.memory_space<vmem>>) target(%dma_start3A_16 : memref<10000xf32, #tpu.memory_space<hbm>>) target_semaphore(%run_scoped3A_15 : memref<!tpu.dma_semaphore, #tpu.memory_space<semaphore_mem>>)
      %dma_wait3A = tpu.memref_slice %arg6[%mul3A_14] : memref<320000xf32, #tpu.memory_space<hbm>> -> memref<10000xf32, #tpu.memory_space<hbm>>
      %dma_wait3A_17 = tpu.memref_slice %arg6[%mul3A_14] : memref<320000xf32, #tpu.memory_space<hbm>> -> memref<10000xf32, #tpu.memory_space<hbm>>
      tpu.wait_dma2 semaphore(%run_scoped3A_15 : memref<!tpu.dma_semaphore, #tpu.memory_space<semaphore_mem>>) src(%arg12 : memref<10000xf32, #tpu.memory_space<vmem>>) dst(%dma_wait3A_17 : memref<10000xf32, #tpu.memory_space<hbm>>)
      tpu.yield
    }) : () -> ()
    return
  }
}

#map = affine_map<(d0, d1) -> (0, 0)>
#map1 = affine_map<(d0, d1) -> (0, 0, 0)>
module attributes {stable_mosaic.version = 14 : i64} {
  func.func @_sc_conv1(%arg0: i32, %arg1: i32, %arg2: memref<10000x16xf32, #tpu.memory_space<hbm>>, %arg3: memref<2x2500x128xi32, #tpu.memory_space<hbm>>, %arg4: memref<10112x16xf32, #tpu.memory_space<hbm>>, %arg5: memref<2x10000x16xf32, #tpu.memory_space<hbm>>, %arg6: memref<2x10000x16xf32, #tpu.memory_space<hbm>>, %arg7: memref<79x128xi32, #tpu.memory_space<vmem>>, %arg8: memref<79x128xi32, #tpu.memory_space<vmem>>, %arg9: memref<128x16xf32, #tpu.memory_space<vmem>>, %arg10: memref<128x16xf32, #tpu.memory_space<vmem>>, %arg11: memref<128x16xf32, #tpu.memory_space<vmem>>, %arg12: memref<128x16xf32, #tpu.memory_space<vmem>>, %arg13: memref<10000x16xf32, #tpu.memory_space<vmem_shared>>, %arg14: memref<10112x16xf32, #tpu.memory_space<vmem_shared>>, %arg15: memref<10112x16xf32, #tpu.memory_space<vmem_shared>>, %arg16: memref<!tpu.dma_semaphore, #tpu.memory_space<semaphore_mem>>, %arg17: memref<!tpu.dma_semaphore, #tpu.memory_space<semaphore_mem>>, %arg18: memref<!tpu.dma_semaphore, #tpu.memory_space<semaphore_mem>>) attributes {dimension_semantics = [#tpu.dimension_semantics<core_parallel>, #tpu.dimension_semantics<subcore_parallel>], iteration_bounds = array<i64: 2, 16>, scalar_prefetch = 0 : i64, scratch_operands = 12 : i64, tpu.core_type = #tpu.core_type<sc_vector_subcore>, window_params = [{transform_indices = #map}, {transform_indices = #map1}, {transform_indices = #map}, {transform_indices = #map1}, {transform_indices = #map1}]} {
    %mul3A = arith.constant 1250 : i32
    %mul3A_0 = arith.muli %arg0, %mul3A : i32
    %mul3A_1 = arith.constant 78 : i32
    %mul3A_2 = arith.muli %arg1, %mul3A_1 : i32
    %add3A = arith.addi %mul3A_0, %mul3A_2 : i32
    %sub3A = arith.constant 14 : i32
    %sub3A_3 = arith.subi %arg1, %sub3A : i32
    %max3A = arith.constant 0 : i32
    %max3A_4 = arith.maxsi %sub3A_3, %max3A : i32
    %add3A_5 = arith.addi %add3A, %max3A_4 : i32
    %run_scoped3A = arith.constant 0 : i32
    "tpu.region"() ({
      %run_scoped3A_85 = tpu.sem_alloc : memref<!tpu.dma_semaphore, #tpu.memory_space<semaphore_mem>>
      %dma_start3A_86 = arith.constant 0 : i32
      %dma_start3A_87 = arith.constant 0 : i32
      %dma_start3A_88 = tpu.memref_slice %arg7[%dma_start3A_86, %dma_start3A_87] : memref<79x128xi32, #tpu.memory_space<vmem>> -> memref<78x128xi32, #tpu.memory_space<vmem>>
      %dma_start3A_89 = arith.constant 0 : i32
      %dma_start3A_90 = tpu.memref_slice %arg3[%run_scoped3A, %add3A_5, %dma_start3A_89] : memref<2x2500x128xi32, #tpu.memory_space<hbm>> -> memref<1x78x128xi32, #tpu.memory_space<hbm>>
      %dma_start3A_91 = tpu.memref_squeeze %dma_start3A_90 : memref<1x78x128xi32, #tpu.memory_space<hbm>> -> memref<78x128xi32, #tpu.memory_space<hbm>>
      %dma_start3A_92 = arith.constant 0 : i32
      %dma_start3A_93 = arith.constant 0 : i32
      %dma_start3A_94 = tpu.memref_slice %arg7[%dma_start3A_92, %dma_start3A_93] : memref<79x128xi32, #tpu.memory_space<vmem>> -> memref<78x128xi32, #tpu.memory_space<vmem>>
      %dma_start3A_95 = arith.constant 0 : i32
      %dma_start3A_96 = tpu.memref_slice %arg3[%run_scoped3A, %add3A_5, %dma_start3A_95] : memref<2x2500x128xi32, #tpu.memory_space<hbm>> -> memref<1x78x128xi32, #tpu.memory_space<hbm>>
      %dma_start3A_97 = tpu.memref_squeeze %dma_start3A_96 : memref<1x78x128xi32, #tpu.memory_space<hbm>> -> memref<78x128xi32, #tpu.memory_space<hbm>>
      tpu.enqueue_dma source(%dma_start3A_97 : memref<78x128xi32, #tpu.memory_space<hbm>>) target(%dma_start3A_94 : memref<78x128xi32, #tpu.memory_space<vmem>>) target_semaphore(%run_scoped3A_85 : memref<!tpu.dma_semaphore, #tpu.memory_space<semaphore_mem>>)
      %dma_wait3A = arith.constant 0 : i32
      %dma_wait3A_98 = arith.constant 0 : i32
      %dma_wait3A_99 = tpu.memref_slice %arg7[%dma_wait3A, %dma_wait3A_98] : memref<79x128xi32, #tpu.memory_space<vmem>> -> memref<78x128xi32, #tpu.memory_space<vmem>>
      %dma_wait3A_100 = arith.constant 0 : i32
      %dma_wait3A_101 = tpu.memref_slice %arg3[%run_scoped3A, %add3A_5, %dma_wait3A_100] : memref<2x2500x128xi32, #tpu.memory_space<hbm>> -> memref<1x78x128xi32, #tpu.memory_space<hbm>>
      %dma_wait3A_102 = tpu.memref_squeeze %dma_wait3A_101 : memref<1x78x128xi32, #tpu.memory_space<hbm>> -> memref<78x128xi32, #tpu.memory_space<hbm>>
      %dma_wait3A_103 = arith.constant 0 : i32
      %dma_wait3A_104 = arith.constant 0 : i32
      %dma_wait3A_105 = tpu.memref_slice %arg7[%dma_wait3A_103, %dma_wait3A_104] : memref<79x128xi32, #tpu.memory_space<vmem>> -> memref<78x128xi32, #tpu.memory_space<vmem>>
      %dma_wait3A_106 = arith.constant 0 : i32
      %dma_wait3A_107 = tpu.memref_slice %arg3[%run_scoped3A, %add3A_5, %dma_wait3A_106] : memref<2x2500x128xi32, #tpu.memory_space<hbm>> -> memref<1x78x128xi32, #tpu.memory_space<hbm>>
      %dma_wait3A_108 = tpu.memref_squeeze %dma_wait3A_107 : memref<1x78x128xi32, #tpu.memory_space<hbm>> -> memref<78x128xi32, #tpu.memory_space<hbm>>
      tpu.wait_dma2 semaphore(%run_scoped3A_85 : memref<!tpu.dma_semaphore, #tpu.memory_space<semaphore_mem>>) src(%dma_wait3A_108 : memref<78x128xi32, #tpu.memory_space<hbm>>) dst(%dma_wait3A_105 : memref<78x128xi32, #tpu.memory_space<vmem>>)
      tpu.yield
    }) : () -> ()
    %run_scoped3A_6 = arith.constant 1 : i32
    "tpu.region"() ({
      %run_scoped3A_85 = tpu.sem_alloc : memref<!tpu.dma_semaphore, #tpu.memory_space<semaphore_mem>>
      %dma_start3A_86 = arith.constant 0 : i32
      %dma_start3A_87 = arith.constant 0 : i32
      %dma_start3A_88 = tpu.memref_slice %arg8[%dma_start3A_86, %dma_start3A_87] : memref<79x128xi32, #tpu.memory_space<vmem>> -> memref<78x128xi32, #tpu.memory_space<vmem>>
      %dma_start3A_89 = arith.constant 0 : i32
      %dma_start3A_90 = tpu.memref_slice %arg3[%run_scoped3A_6, %add3A_5, %dma_start3A_89] : memref<2x2500x128xi32, #tpu.memory_space<hbm>> -> memref<1x78x128xi32, #tpu.memory_space<hbm>>
      %dma_start3A_91 = tpu.memref_squeeze %dma_start3A_90 : memref<1x78x128xi32, #tpu.memory_space<hbm>> -> memref<78x128xi32, #tpu.memory_space<hbm>>
      %dma_start3A_92 = arith.constant 0 : i32
      %dma_start3A_93 = arith.constant 0 : i32
      %dma_start3A_94 = tpu.memref_slice %arg8[%dma_start3A_92, %dma_start3A_93] : memref<79x128xi32, #tpu.memory_space<vmem>> -> memref<78x128xi32, #tpu.memory_space<vmem>>
      %dma_start3A_95 = arith.constant 0 : i32
      %dma_start3A_96 = tpu.memref_slice %arg3[%run_scoped3A_6, %add3A_5, %dma_start3A_95] : memref<2x2500x128xi32, #tpu.memory_space<hbm>> -> memref<1x78x128xi32, #tpu.memory_space<hbm>>
      %dma_start3A_97 = tpu.memref_squeeze %dma_start3A_96 : memref<1x78x128xi32, #tpu.memory_space<hbm>> -> memref<78x128xi32, #tpu.memory_space<hbm>>
      tpu.enqueue_dma source(%dma_start3A_97 : memref<78x128xi32, #tpu.memory_space<hbm>>) target(%dma_start3A_94 : memref<78x128xi32, #tpu.memory_space<vmem>>) target_semaphore(%run_scoped3A_85 : memref<!tpu.dma_semaphore, #tpu.memory_space<semaphore_mem>>)
      %dma_wait3A = arith.constant 0 : i32
      %dma_wait3A_98 = arith.constant 0 : i32
      %dma_wait3A_99 = tpu.memref_slice %arg8[%dma_wait3A, %dma_wait3A_98] : memref<79x128xi32, #tpu.memory_space<vmem>> -> memref<78x128xi32, #tpu.memory_space<vmem>>
      %dma_wait3A_100 = arith.constant 0 : i32
      %dma_wait3A_101 = tpu.memref_slice %arg3[%run_scoped3A_6, %add3A_5, %dma_wait3A_100] : memref<2x2500x128xi32, #tpu.memory_space<hbm>> -> memref<1x78x128xi32, #tpu.memory_space<hbm>>
      %dma_wait3A_102 = tpu.memref_squeeze %dma_wait3A_101 : memref<1x78x128xi32, #tpu.memory_space<hbm>> -> memref<78x128xi32, #tpu.memory_space<hbm>>
      %dma_wait3A_103 = arith.constant 0 : i32
      %dma_wait3A_104 = arith.constant 0 : i32
      %dma_wait3A_105 = tpu.memref_slice %arg8[%dma_wait3A_103, %dma_wait3A_104] : memref<79x128xi32, #tpu.memory_space<vmem>> -> memref<78x128xi32, #tpu.memory_space<vmem>>
      %dma_wait3A_106 = arith.constant 0 : i32
      %dma_wait3A_107 = tpu.memref_slice %arg3[%run_scoped3A_6, %add3A_5, %dma_wait3A_106] : memref<2x2500x128xi32, #tpu.memory_space<hbm>> -> memref<1x78x128xi32, #tpu.memory_space<hbm>>
      %dma_wait3A_108 = tpu.memref_squeeze %dma_wait3A_107 : memref<1x78x128xi32, #tpu.memory_space<hbm>> -> memref<78x128xi32, #tpu.memory_space<hbm>>
      tpu.wait_dma2 semaphore(%run_scoped3A_85 : memref<!tpu.dma_semaphore, #tpu.memory_space<semaphore_mem>>) src(%dma_wait3A_108 : memref<78x128xi32, #tpu.memory_space<hbm>>) dst(%dma_wait3A_105 : memref<78x128xi32, #tpu.memory_space<vmem>>)
      tpu.yield
    }) : () -> ()
    %ge3A = arith.constant 14 : i32
    %ge3A_7 = arith.cmpi sge, %arg1, %ge3A : i32
    %convert_element_type3A = arith.extui %ge3A_7 : i1 to i32
    %cond3A = arith.constant 0 : i32
    %cond3A_8 = arith.cmpi ne, %convert_element_type3A, %cond3A : i32
    scf.if %cond3A_8 {
      %add3A_85 = arith.constant 78 : i32
      %add3A_86 = arith.addi %add3A_5, %add3A_85 : i32
      %run_scoped3A_87 = arith.constant 0 : i32
      "tpu.region"() ({
        %run_scoped3A_91 = tpu.sem_alloc : memref<!tpu.dma_semaphore, #tpu.memory_space<semaphore_mem>>
        %dma_start3A_92 = arith.constant 78 : i32
        %dma_start3A_93 = arith.constant 0 : i32
        %dma_start3A_94 = tpu.memref_slice %arg7[%dma_start3A_92, %dma_start3A_93] : memref<79x128xi32, #tpu.memory_space<vmem>> -> memref<1x128xi32, #tpu.memory_space<vmem>>
        %dma_start3A_95 = arith.constant 0 : i32
        %dma_start3A_96 = tpu.memref_slice %arg3[%run_scoped3A_87, %add3A_86, %dma_start3A_95] : memref<2x2500x128xi32, #tpu.memory_space<hbm>> -> memref<1x1x128xi32, #tpu.memory_space<hbm>>
        %dma_start3A_97 = tpu.memref_squeeze %dma_start3A_96 : memref<1x1x128xi32, #tpu.memory_space<hbm>> -> memref<1x128xi32, #tpu.memory_space<hbm>>
        %dma_start3A_98 = arith.constant 78 : i32
        %dma_start3A_99 = arith.constant 0 : i32
        %dma_start3A_100 = tpu.memref_slice %arg7[%dma_start3A_98, %dma_start3A_99] : memref<79x128xi32, #tpu.memory_space<vmem>> -> memref<1x128xi32, #tpu.memory_space<vmem>>
        %dma_start3A_101 = arith.constant 0 : i32
        %dma_start3A_102 = tpu.memref_slice %arg3[%run_scoped3A_87, %add3A_86, %dma_start3A_101] : memref<2x2500x128xi32, #tpu.memory_space<hbm>> -> memref<1x1x128xi32, #tpu.memory_space<hbm>>
        %dma_start3A_103 = tpu.memref_squeeze %dma_start3A_102 : memref<1x1x128xi32, #tpu.memory_space<hbm>> -> memref<1x128xi32, #tpu.memory_space<hbm>>
        tpu.enqueue_dma source(%dma_start3A_103 : memref<1x128xi32, #tpu.memory_space<hbm>>) target(%dma_start3A_100 : memref<1x128xi32, #tpu.memory_space<vmem>>) target_semaphore(%run_scoped3A_91 : memref<!tpu.dma_semaphore, #tpu.memory_space<semaphore_mem>>)
        %dma_wait3A = arith.constant 78 : i32
        %dma_wait3A_104 = arith.constant 0 : i32
        %dma_wait3A_105 = tpu.memref_slice %arg7[%dma_wait3A, %dma_wait3A_104] : memref<79x128xi32, #tpu.memory_space<vmem>> -> memref<1x128xi32, #tpu.memory_space<vmem>>
        %dma_wait3A_106 = arith.constant 0 : i32
        %dma_wait3A_107 = tpu.memref_slice %arg3[%run_scoped3A_87, %add3A_86, %dma_wait3A_106] : memref<2x2500x128xi32, #tpu.memory_space<hbm>> -> memref<1x1x128xi32, #tpu.memory_space<hbm>>
        %dma_wait3A_108 = tpu.memref_squeeze %dma_wait3A_107 : memref<1x1x128xi32, #tpu.memory_space<hbm>> -> memref<1x128xi32, #tpu.memory_space<hbm>>
        %dma_wait3A_109 = arith.constant 78 : i32
        %dma_wait3A_110 = arith.constant 0 : i32
        %dma_wait3A_111 = tpu.memref_slice %arg7[%dma_wait3A_109, %dma_wait3A_110] : memref<79x128xi32, #tpu.memory_space<vmem>> -> memref<1x128xi32, #tpu.memory_space<vmem>>
        %dma_wait3A_112 = arith.constant 0 : i32
        %dma_wait3A_113 = tpu.memref_slice %arg3[%run_scoped3A_87, %add3A_86, %dma_wait3A_112] : memref<2x2500x128xi32, #tpu.memory_space<hbm>> -> memref<1x1x128xi32, #tpu.memory_space<hbm>>
        %dma_wait3A_114 = tpu.memref_squeeze %dma_wait3A_113 : memref<1x1x128xi32, #tpu.memory_space<hbm>> -> memref<1x128xi32, #tpu.memory_space<hbm>>
        tpu.wait_dma2 semaphore(%run_scoped3A_91 : memref<!tpu.dma_semaphore, #tpu.memory_space<semaphore_mem>>) src(%dma_wait3A_114 : memref<1x128xi32, #tpu.memory_space<hbm>>) dst(%dma_wait3A_111 : memref<1x128xi32, #tpu.memory_space<vmem>>)
        tpu.yield
      }) : () -> ()
      %add3A_88 = arith.constant 78 : i32
      %add3A_89 = arith.addi %add3A_5, %add3A_88 : i32
      %run_scoped3A_90 = arith.constant 1 : i32
      "tpu.region"() ({
        %run_scoped3A_91 = tpu.sem_alloc : memref<!tpu.dma_semaphore, #tpu.memory_space<semaphore_mem>>
        %dma_start3A_92 = arith.constant 78 : i32
        %dma_start3A_93 = arith.constant 0 : i32
        %dma_start3A_94 = tpu.memref_slice %arg8[%dma_start3A_92, %dma_start3A_93] : memref<79x128xi32, #tpu.memory_space<vmem>> -> memref<1x128xi32, #tpu.memory_space<vmem>>
        %dma_start3A_95 = arith.constant 0 : i32
        %dma_start3A_96 = tpu.memref_slice %arg3[%run_scoped3A_90, %add3A_89, %dma_start3A_95] : memref<2x2500x128xi32, #tpu.memory_space<hbm>> -> memref<1x1x128xi32, #tpu.memory_space<hbm>>
        %dma_start3A_97 = tpu.memref_squeeze %dma_start3A_96 : memref<1x1x128xi32, #tpu.memory_space<hbm>> -> memref<1x128xi32, #tpu.memory_space<hbm>>
        %dma_start3A_98 = arith.constant 78 : i32
        %dma_start3A_99 = arith.constant 0 : i32
        %dma_start3A_100 = tpu.memref_slice %arg8[%dma_start3A_98, %dma_start3A_99] : memref<79x128xi32, #tpu.memory_space<vmem>> -> memref<1x128xi32, #tpu.memory_space<vmem>>
        %dma_start3A_101 = arith.constant 0 : i32
        %dma_start3A_102 = tpu.memref_slice %arg3[%run_scoped3A_90, %add3A_89, %dma_start3A_101] : memref<2x2500x128xi32, #tpu.memory_space<hbm>> -> memref<1x1x128xi32, #tpu.memory_space<hbm>>
        %dma_start3A_103 = tpu.memref_squeeze %dma_start3A_102 : memref<1x1x128xi32, #tpu.memory_space<hbm>> -> memref<1x128xi32, #tpu.memory_space<hbm>>
        tpu.enqueue_dma source(%dma_start3A_103 : memref<1x128xi32, #tpu.memory_space<hbm>>) target(%dma_start3A_100 : memref<1x128xi32, #tpu.memory_space<vmem>>) target_semaphore(%run_scoped3A_91 : memref<!tpu.dma_semaphore, #tpu.memory_space<semaphore_mem>>)
        %dma_wait3A = arith.constant 78 : i32
        %dma_wait3A_104 = arith.constant 0 : i32
        %dma_wait3A_105 = tpu.memref_slice %arg8[%dma_wait3A, %dma_wait3A_104] : memref<79x128xi32, #tpu.memory_space<vmem>> -> memref<1x128xi32, #tpu.memory_space<vmem>>
        %dma_wait3A_106 = arith.constant 0 : i32
        %dma_wait3A_107 = tpu.memref_slice %arg3[%run_scoped3A_90, %add3A_89, %dma_wait3A_106] : memref<2x2500x128xi32, #tpu.memory_space<hbm>> -> memref<1x1x128xi32, #tpu.memory_space<hbm>>
        %dma_wait3A_108 = tpu.memref_squeeze %dma_wait3A_107 : memref<1x1x128xi32, #tpu.memory_space<hbm>> -> memref<1x128xi32, #tpu.memory_space<hbm>>
        %dma_wait3A_109 = arith.constant 78 : i32
        %dma_wait3A_110 = arith.constant 0 : i32
        %dma_wait3A_111 = tpu.memref_slice %arg8[%dma_wait3A_109, %dma_wait3A_110] : memref<79x128xi32, #tpu.memory_space<vmem>> -> memref<1x128xi32, #tpu.memory_space<vmem>>
        %dma_wait3A_112 = arith.constant 0 : i32
        %dma_wait3A_113 = tpu.memref_slice %arg3[%run_scoped3A_90, %add3A_89, %dma_wait3A_112] : memref<2x2500x128xi32, #tpu.memory_space<hbm>> -> memref<1x1x128xi32, #tpu.memory_space<hbm>>
        %dma_wait3A_114 = tpu.memref_squeeze %dma_wait3A_113 : memref<1x1x128xi32, #tpu.memory_space<hbm>> -> memref<1x128xi32, #tpu.memory_space<hbm>>
        tpu.wait_dma2 semaphore(%run_scoped3A_91 : memref<!tpu.dma_semaphore, #tpu.memory_space<semaphore_mem>>) src(%dma_wait3A_114 : memref<1x128xi32, #tpu.memory_space<hbm>>) dst(%dma_wait3A_111 : memref<1x128xi32, #tpu.memory_space<vmem>>)
        tpu.yield
      }) : () -> ()
    } else {
    }
    %mul3A_9 = arith.constant 624 : i32
    %mul3A_10 = arith.muli %arg1, %mul3A_9 : i32
    %mul3A_11 = arith.constant 624 : i32
    %mul3A_12 = arith.muli %arg1, %mul3A_11 : i32
    "tpu.region"() ({
      %run_scoped3A_85 = tpu.sem_alloc : memref<!tpu.dma_semaphore, #tpu.memory_space<semaphore_mem>>
      %dma_start3A_86 = arith.constant 0 : i32
      %dma_start3A_87 = tpu.memref_slice %arg13[%mul3A_12, %dma_start3A_86] : memref<10000x16xf32, #tpu.memory_space<vmem_shared>> -> memref<624x16xf32, #tpu.memory_space<vmem_shared>>
      %dma_start3A_88 = arith.constant 0 : i32
      %dma_start3A_89 = tpu.memref_slice %arg2[%mul3A_10, %dma_start3A_88] : memref<10000x16xf32, #tpu.memory_space<hbm>> -> memref<624x16xf32, #tpu.memory_space<hbm>>
      tpu.enqueue_dma source(%dma_start3A_89 : memref<624x16xf32, #tpu.memory_space<hbm>>) target(%dma_start3A_87 : memref<624x16xf32, #tpu.memory_space<vmem_shared>>) target_semaphore(%run_scoped3A_85 : memref<!tpu.dma_semaphore, #tpu.memory_space<semaphore_mem>>)
      %dma_wait3A = arith.constant 0 : i32
      %dma_wait3A_90 = tpu.memref_slice %arg13[%mul3A_12, %dma_wait3A] : memref<10000x16xf32, #tpu.memory_space<vmem_shared>> -> memref<624x16xf32, #tpu.memory_space<vmem_shared>>
      %dma_wait3A_91 = arith.constant 0 : i32
      %dma_wait3A_92 = tpu.memref_slice %arg2[%mul3A_10, %dma_wait3A_91] : memref<10000x16xf32, #tpu.memory_space<hbm>> -> memref<624x16xf32, #tpu.memory_space<hbm>>
      tpu.wait_dma2 semaphore(%run_scoped3A_85 : memref<!tpu.dma_semaphore, #tpu.memory_space<semaphore_mem>>) src(%dma_wait3A_92 : memref<624x16xf32, #tpu.memory_space<hbm>>) dst(%dma_wait3A_90 : memref<624x16xf32, #tpu.memory_space<vmem_shared>>)
      tpu.yield
    }) : () -> ()
    %mul3A_13 = arith.constant 632 : i32
    %mul3A_14 = arith.muli %arg1, %mul3A_13 : i32
    %mul3A_15 = arith.constant 632 : i32
    %mul3A_16 = arith.muli %arg1, %mul3A_15 : i32
    "tpu.region"() ({
      %run_scoped3A_85 = tpu.sem_alloc : memref<!tpu.dma_semaphore, #tpu.memory_space<semaphore_mem>>
      %dma_start3A_86 = arith.constant 0 : i32
      %dma_start3A_87 = tpu.memref_slice %arg14[%mul3A_16, %dma_start3A_86] : memref<10112x16xf32, #tpu.memory_space<vmem_shared>> -> memref<632x16xf32, #tpu.memory_space<vmem_shared>>
      %dma_start3A_88 = arith.constant 0 : i32
      %dma_start3A_89 = tpu.memref_slice %arg4[%mul3A_14, %dma_start3A_88] : memref<10112x16xf32, #tpu.memory_space<hbm>> -> memref<632x16xf32, #tpu.memory_space<hbm>>
      tpu.enqueue_dma source(%dma_start3A_89 : memref<632x16xf32, #tpu.memory_space<hbm>>) target(%dma_start3A_87 : memref<632x16xf32, #tpu.memory_space<vmem_shared>>) target_semaphore(%run_scoped3A_85 : memref<!tpu.dma_semaphore, #tpu.memory_space<semaphore_mem>>)
      %dma_wait3A = arith.constant 0 : i32
      %dma_wait3A_90 = tpu.memref_slice %arg14[%mul3A_16, %dma_wait3A] : memref<10112x16xf32, #tpu.memory_space<vmem_shared>> -> memref<632x16xf32, #tpu.memory_space<vmem_shared>>
      %dma_wait3A_91 = arith.constant 0 : i32
      %dma_wait3A_92 = tpu.memref_slice %arg4[%mul3A_14, %dma_wait3A_91] : memref<10112x16xf32, #tpu.memory_space<hbm>> -> memref<632x16xf32, #tpu.memory_space<hbm>>
      tpu.wait_dma2 semaphore(%run_scoped3A_85 : memref<!tpu.dma_semaphore, #tpu.memory_space<semaphore_mem>>) src(%dma_wait3A_92 : memref<632x16xf32, #tpu.memory_space<hbm>>) dst(%dma_wait3A_90 : memref<632x16xf32, #tpu.memory_space<vmem_shared>>)
      tpu.yield
    }) : () -> ()
    %mul3A_17 = arith.constant 632 : i32
    %mul3A_18 = arith.muli %arg1, %mul3A_17 : i32
    %mul3A_19 = arith.constant 632 : i32
    %mul3A_20 = arith.muli %arg1, %mul3A_19 : i32
    "tpu.region"() ({
      %run_scoped3A_85 = tpu.sem_alloc : memref<!tpu.dma_semaphore, #tpu.memory_space<semaphore_mem>>
      %dma_start3A_86 = arith.constant 0 : i32
      %dma_start3A_87 = tpu.memref_slice %arg15[%mul3A_20, %dma_start3A_86] : memref<10112x16xf32, #tpu.memory_space<vmem_shared>> -> memref<632x16xf32, #tpu.memory_space<vmem_shared>>
      %dma_start3A_88 = arith.constant 0 : i32
      %dma_start3A_89 = tpu.memref_slice %arg4[%mul3A_18, %dma_start3A_88] : memref<10112x16xf32, #tpu.memory_space<hbm>> -> memref<632x16xf32, #tpu.memory_space<hbm>>
      tpu.enqueue_dma source(%dma_start3A_89 : memref<632x16xf32, #tpu.memory_space<hbm>>) target(%dma_start3A_87 : memref<632x16xf32, #tpu.memory_space<vmem_shared>>) target_semaphore(%run_scoped3A_85 : memref<!tpu.dma_semaphore, #tpu.memory_space<semaphore_mem>>)
      %dma_wait3A = arith.constant 0 : i32
      %dma_wait3A_90 = tpu.memref_slice %arg15[%mul3A_20, %dma_wait3A] : memref<10112x16xf32, #tpu.memory_space<vmem_shared>> -> memref<632x16xf32, #tpu.memory_space<vmem_shared>>
      %dma_wait3A_91 = arith.constant 0 : i32
      %dma_wait3A_92 = tpu.memref_slice %arg4[%mul3A_18, %dma_wait3A_91] : memref<10112x16xf32, #tpu.memory_space<hbm>> -> memref<632x16xf32, #tpu.memory_space<hbm>>
      tpu.wait_dma2 semaphore(%run_scoped3A_85 : memref<!tpu.dma_semaphore, #tpu.memory_space<semaphore_mem>>) src(%dma_wait3A_92 : memref<632x16xf32, #tpu.memory_space<hbm>>) dst(%dma_wait3A_90 : memref<632x16xf32, #tpu.memory_space<vmem_shared>>)
      tpu.yield
    }) : () -> ()
    %eq3A = arith.constant 0 : i32
    %eq3A_21 = arith.cmpi eq, %arg1, %eq3A : i32
    %convert_element_type3A_22 = arith.extui %eq3A_21 : i1 to i32
    %cond3A_23 = arith.constant 0 : i32
    %cond3A_24 = arith.cmpi ne, %convert_element_type3A_22, %cond3A_23 : i32
    scf.if %cond3A_24 {
      "tpu.region"() ({
        %run_scoped3A_85 = tpu.sem_alloc : memref<!tpu.dma_semaphore, #tpu.memory_space<semaphore_mem>>
        %dma_start3A_86 = arith.constant 9984 : i32
        %dma_start3A_87 = arith.constant 0 : i32
        %dma_start3A_88 = tpu.memref_slice %arg13[%dma_start3A_86, %dma_start3A_87] : memref<10000x16xf32, #tpu.memory_space<vmem_shared>> -> memref<16x16xf32, #tpu.memory_space<vmem_shared>>
        %dma_start3A_89 = arith.constant 9984 : i32
        %dma_start3A_90 = arith.constant 0 : i32
        %dma_start3A_91 = tpu.memref_slice %arg2[%dma_start3A_89, %dma_start3A_90] : memref<10000x16xf32, #tpu.memory_space<hbm>> -> memref<16x16xf32, #tpu.memory_space<hbm>>
        tpu.enqueue_dma source(%dma_start3A_91 : memref<16x16xf32, #tpu.memory_space<hbm>>) target(%dma_start3A_88 : memref<16x16xf32, #tpu.memory_space<vmem_shared>>) target_semaphore(%run_scoped3A_85 : memref<!tpu.dma_semaphore, #tpu.memory_space<semaphore_mem>>)
        %dma_wait3A = arith.constant 9984 : i32
        %dma_wait3A_92 = arith.constant 0 : i32
        %dma_wait3A_93 = tpu.memref_slice %arg13[%dma_wait3A, %dma_wait3A_92] : memref<10000x16xf32, #tpu.memory_space<vmem_shared>> -> memref<16x16xf32, #tpu.memory_space<vmem_shared>>
        %dma_wait3A_94 = arith.constant 9984 : i32
        %dma_wait3A_95 = arith.constant 0 : i32
        %dma_wait3A_96 = tpu.memref_slice %arg2[%dma_wait3A_94, %dma_wait3A_95] : memref<10000x16xf32, #tpu.memory_space<hbm>> -> memref<16x16xf32, #tpu.memory_space<hbm>>
        tpu.wait_dma2 semaphore(%run_scoped3A_85 : memref<!tpu.dma_semaphore, #tpu.memory_space<semaphore_mem>>) src(%dma_wait3A_96 : memref<16x16xf32, #tpu.memory_space<hbm>>) dst(%dma_wait3A_93 : memref<16x16xf32, #tpu.memory_space<vmem_shared>>)
        tpu.yield
      }) : () -> ()
    } else {
    }
    %iota3A = tpu.iota {dimensions = array<i32: 0>} : vector<16xi32>
    %eq3A_25 = arith.constant 0 : i32
    %eq3A_26 = vector.broadcast %eq3A_25 : i32 to vector<16xi32>
    %eq3A_27 = arith.cmpi eq, %iota3A, %eq3A_26 : vector<16xi32>
    %jit3A = arith.constant 1.000000e+00 : f32
    %jit3A_28 = arith.constant 0.000000e+00 : f32
    %broadcast_in_dim3A = vector.broadcast %jit3A : f32 to vector<16xf32>
    %broadcast_in_dim3A_29 = vector.broadcast %jit3A_28 : f32 to vector<16xf32>
    %select_n3A = arith.select %eq3A_27, %broadcast_in_dim3A, %broadcast_in_dim3A_29 : vector<16xi1>, vector<16xf32>
    %scan3A = arith.constant 0 : i32
    %scan3A_30 = arith.constant 0 : i32
    %scan3A_31 = arith.constant 128 : i32
    %scan3A_32 = arith.addi %scan3A_30, %scan3A_31 : i32
    %scan3A_33 = arith.constant 1 : i32
    scf.for %scan3A_85 = %scan3A_30 to %scan3A_32 step %scan3A_33  : i32 {
      %swap3A = arith.index_cast %scan3A_85 : i32 to index
      %swap3A_86 = arith.constant 0 : index
      %swap3A_87 = tpu.vector_load %arg12[%swap3A, %swap3A_86] {strides = array<i32>} : memref<128x16xf32, #tpu.memory_space<vmem>>, vector<1x16xf32>,
      %swap3A_88 = vector.shape_cast %swap3A_87 : vector<1x16xf32> to vector<16xf32>
      %swap3A_89 = vector.shape_cast %select_n3A : vector<16xf32> to vector<1x16xf32>
      tpu.vector_store %arg12[%swap3A, %swap3A_86], %swap3A_89 {strides = array<i32>} : memref<128x16xf32, #tpu.memory_space<vmem>>, vector<1x16xf32>,
    }
    %scan3A_34 = arith.constant 128 : i32
    %barrier3A = arith.constant 0 : index
    tpu.barrier barrier_id(%barrier3A)
    %dma_start3A = arith.constant 0 : i32
    %dma_start3A_35 = arith.constant 0 : i32
    %dma_start3A_36 = tpu.memref_slice %arg7[%dma_start3A, %dma_start3A_35] : memref<79x128xi32, #tpu.memory_space<vmem>> -> memref<1x128xi32, #tpu.memory_space<vmem>>
    %dma_start3A_37 = tpu.memref_squeeze %dma_start3A_36 : memref<1x128xi32, #tpu.memory_space<vmem>> -> memref<128xi32, #tpu.memory_space<vmem>>
    %dma_start3A_38 = arith.constant 0 : i32
    %dma_start3A_39 = arith.constant 0 : i32
    %dma_start3A_40 = tpu.memref_slice %arg13[%dma_start3A_38, %dma_start3A_39] : memref<10000x16xf32, #tpu.memory_space<vmem_shared>> -> memref<10000x16xf32, #tpu.memory_space<vmem_shared>>
    tpu.enqueue_indirect_dma source(%dma_start3A_40 : memref<10000x16xf32, #tpu.memory_space<vmem_shared>>) target(%arg9 : memref<128x16xf32, #tpu.memory_space<vmem>>) offsets(%dma_start3A_37 : memref<128xi32, #tpu.memory_space<vmem>>) semaphore(%arg16 : memref<!tpu.dma_semaphore, #tpu.memory_space<semaphore_mem>>)
    %dma_start3A_41 = arith.constant 1 : i32
    %dma_start3A_42 = arith.constant 0 : i32
    %dma_start3A_43 = tpu.memref_slice %arg7[%dma_start3A_41, %dma_start3A_42] : memref<79x128xi32, #tpu.memory_space<vmem>> -> memref<1x128xi32, #tpu.memory_space<vmem>>
    %dma_start3A_44 = tpu.memref_squeeze %dma_start3A_43 : memref<1x128xi32, #tpu.memory_space<vmem>> -> memref<128xi32, #tpu.memory_space<vmem>>
    %dma_start3A_45 = arith.constant 0 : i32
    %dma_start3A_46 = arith.constant 0 : i32
    %dma_start3A_47 = tpu.memref_slice %arg13[%dma_start3A_45, %dma_start3A_46] : memref<10000x16xf32, #tpu.memory_space<vmem_shared>> -> memref<10000x16xf32, #tpu.memory_space<vmem_shared>>
    tpu.enqueue_indirect_dma source(%dma_start3A_47 : memref<10000x16xf32, #tpu.memory_space<vmem_shared>>) target(%arg10 : memref<128x16xf32, #tpu.memory_space<vmem>>) offsets(%dma_start3A_44 : memref<128xi32, #tpu.memory_space<vmem>>) semaphore(%arg17 : memref<!tpu.dma_semaphore, #tpu.memory_space<semaphore_mem>>)
    %dma_start3A_48 = arith.constant 2 : i32
    %dma_start3A_49 = arith.constant 0 : i32
    %dma_start3A_50 = tpu.memref_slice %arg7[%dma_start3A_48, %dma_start3A_49] : memref<79x128xi32, #tpu.memory_space<vmem>> -> memref<1x128xi32, #tpu.memory_space<vmem>>
    %dma_start3A_51 = tpu.memref_squeeze %dma_start3A_50 : memref<1x128xi32, #tpu.memory_space<vmem>> -> memref<128xi32, #tpu.memory_space<vmem>>
    %dma_start3A_52 = arith.constant 0 : i32
    %dma_start3A_53 = arith.constant 0 : i32
    %dma_start3A_54 = tpu.memref_slice %arg13[%dma_start3A_52, %dma_start3A_53] : memref<10000x16xf32, #tpu.memory_space<vmem_shared>> -> memref<10000x16xf32, #tpu.memory_space<vmem_shared>>
    tpu.enqueue_indirect_dma source(%dma_start3A_54 : memref<10000x16xf32, #tpu.memory_space<vmem_shared>>) target(%arg11 : memref<128x16xf32, #tpu.memory_space<vmem>>) offsets(%dma_start3A_51 : memref<128xi32, #tpu.memory_space<vmem>>) semaphore(%arg18 : memref<!tpu.dma_semaphore, #tpu.memory_space<semaphore_mem>>)
    %scan3A_55 = arith.constant 0 : i32
    %scan3A_56 = arith.constant 0 : i32
    %scan3A_57 = arith.constant 26 : i32
    %scan3A_58 = arith.addi %scan3A_56, %scan3A_57 : i32
    %scan3A_59 = arith.constant 1 : i32
    scf.for %scan3A_85 = %scan3A_56 to %scan3A_58 step %scan3A_59  : i32 {
      %mul3A_86 = arith.constant 3 : i32
      %mul3A_87 = arith.muli %scan3A_85, %mul3A_86 : i32
      %add3A_88 = arith.constant 0 : i32
      %add3A_89 = arith.addi %mul3A_87, %add3A_88 : i32
      %dma_wait3A = arith.constant 0 : i32
      %dma_wait3A_90 = tpu.memref_slice %arg7[%add3A_89, %dma_wait3A] : memref<79x128xi32, #tpu.memory_space<vmem>> -> memref<1x128xi32, #tpu.memory_space<vmem>>
      %dma_wait3A_91 = tpu.memref_squeeze %dma_wait3A_90 : memref<1x128xi32, #tpu.memory_space<vmem>> -> memref<128xi32, #tpu.memory_space<vmem>>
      %dma_wait3A_92 = arith.constant 0 : i32
      %dma_wait3A_93 = arith.constant 0 : i32
      %dma_wait3A_94 = tpu.memref_slice %arg13[%dma_wait3A_92, %dma_wait3A_93] : memref<10000x16xf32, #tpu.memory_space<vmem_shared>> -> memref<10000x16xf32, #tpu.memory_space<vmem_shared>>
      tpu.wait_indirect_dma semaphore(%arg16 : memref<!tpu.dma_semaphore, #tpu.memory_space<semaphore_mem>>) src(%dma_wait3A_94 : memref<10000x16xf32, #tpu.memory_space<vmem_shared>>) dst(%arg9 : memref<128x16xf32, #tpu.memory_space<vmem>>)
      "tpu.region"() ({
        %run_scoped3A_131 = tpu.sem_alloc : memref<!tpu.dma_semaphore, #tpu.memory_space<semaphore_mem>>
        %dma_start3A_132 = arith.constant 0 : i32
        %dma_start3A_133 = tpu.memref_slice %arg8[%add3A_89, %dma_start3A_132] : memref<79x128xi32, #tpu.memory_space<vmem>> -> memref<1x128xi32, #tpu.memory_space<vmem>>
        %dma_start3A_134 = tpu.memref_squeeze %dma_start3A_133 : memref<1x128xi32, #tpu.memory_space<vmem>> -> memref<128xi32, #tpu.memory_space<vmem>>
        %dma_start3A_135 = arith.constant 0 : i32
        %dma_start3A_136 = arith.constant 0 : i32
        %dma_start3A_137 = tpu.memref_slice %arg14[%dma_start3A_135, %dma_start3A_136] : memref<10112x16xf32, #tpu.memory_space<vmem_shared>> -> memref<10112x16xf32, #tpu.memory_space<vmem_shared>>
        tpu.enqueue_indirect_dma source(%arg9 : memref<128x16xf32, #tpu.memory_space<vmem>>) target(%dma_start3A_137 : memref<10112x16xf32, #tpu.memory_space<vmem_shared>>) offsets(%dma_start3A_134 : memref<128xi32, #tpu.memory_space<vmem>>) semaphore(%run_scoped3A_131 : memref<!tpu.dma_semaphore, #tpu.memory_space<semaphore_mem>>) {add = true}
        %dma_wait3A_138 = arith.constant 0 : i32
        %dma_wait3A_139 = tpu.memref_slice %arg8[%add3A_89, %dma_wait3A_138] : memref<79x128xi32, #tpu.memory_space<vmem>> -> memref<1x128xi32, #tpu.memory_space<vmem>>
        %dma_wait3A_140 = tpu.memref_squeeze %dma_wait3A_139 : memref<1x128xi32, #tpu.memory_space<vmem>> -> memref<128xi32, #tpu.memory_space<vmem>>
        %dma_wait3A_141 = arith.constant 0 : i32
        %dma_wait3A_142 = arith.constant 0 : i32
        %dma_wait3A_143 = tpu.memref_slice %arg14[%dma_wait3A_141, %dma_wait3A_142] : memref<10112x16xf32, #tpu.memory_space<vmem_shared>> -> memref<10112x16xf32, #tpu.memory_space<vmem_shared>>
        tpu.wait_indirect_dma semaphore(%run_scoped3A_131 : memref<!tpu.dma_semaphore, #tpu.memory_space<semaphore_mem>>) src(%arg9 : memref<128x16xf32, #tpu.memory_space<vmem>>) dst(%dma_wait3A_143 : memref<10112x16xf32, #tpu.memory_space<vmem_shared>>)
        tpu.yield
      }) : () -> ()
      "tpu.region"() ({
        %run_scoped3A_131 = tpu.sem_alloc : memref<!tpu.dma_semaphore, #tpu.memory_space<semaphore_mem>>
        %dma_start3A_132 = arith.constant 0 : i32
        %dma_start3A_133 = tpu.memref_slice %arg8[%add3A_89, %dma_start3A_132] : memref<79x128xi32, #tpu.memory_space<vmem>> -> memref<1x128xi32, #tpu.memory_space<vmem>>
        %dma_start3A_134 = tpu.memref_squeeze %dma_start3A_133 : memref<1x128xi32, #tpu.memory_space<vmem>> -> memref<128xi32, #tpu.memory_space<vmem>>
        %dma_start3A_135 = arith.constant 0 : i32
        %dma_start3A_136 = arith.constant 0 : i32
        %dma_start3A_137 = tpu.memref_slice %arg15[%dma_start3A_135, %dma_start3A_136] : memref<10112x16xf32, #tpu.memory_space<vmem_shared>> -> memref<10112x16xf32, #tpu.memory_space<vmem_shared>>
        tpu.enqueue_indirect_dma source(%arg12 : memref<128x16xf32, #tpu.memory_space<vmem>>) target(%dma_start3A_137 : memref<10112x16xf32, #tpu.memory_space<vmem_shared>>) offsets(%dma_start3A_134 : memref<128xi32, #tpu.memory_space<vmem>>) semaphore(%run_scoped3A_131 : memref<!tpu.dma_semaphore, #tpu.memory_space<semaphore_mem>>) {add = true}
        %dma_wait3A_138 = arith.constant 0 : i32
        %dma_wait3A_139 = tpu.memref_slice %arg8[%add3A_89, %dma_wait3A_138] : memref<79x128xi32, #tpu.memory_space<vmem>> -> memref<1x128xi32, #tpu.memory_space<vmem>>
        %dma_wait3A_140 = tpu.memref_squeeze %dma_wait3A_139 : memref<1x128xi32, #tpu.memory_space<vmem>> -> memref<128xi32, #tpu.memory_space<vmem>>
        %dma_wait3A_141 = arith.constant 0 : i32
        %dma_wait3A_142 = arith.constant 0 : i32
        %dma_wait3A_143 = tpu.memref_slice %arg15[%dma_wait3A_141, %dma_wait3A_142] : memref<10112x16xf32, #tpu.memory_space<vmem_shared>> -> memref<10112x16xf32, #tpu.memory_space<vmem_shared>>
        tpu.wait_indirect_dma semaphore(%run_scoped3A_131 : memref<!tpu.dma_semaphore, #tpu.memory_space<semaphore_mem>>) src(%arg12 : memref<128x16xf32, #tpu.memory_space<vmem>>) dst(%dma_wait3A_143 : memref<10112x16xf32, #tpu.memory_space<vmem_shared>>)
        tpu.yield
      }) : () -> ()
      %add3A_95 = arith.constant 3 : i32
      %add3A_96 = arith.addi %add3A_89, %add3A_95 : i32
      %lt3A = arith.constant 78 : i32
      %lt3A_97 = arith.cmpi slt, %add3A_96, %lt3A : i32
      %convert_element_type3A_98 = arith.extui %lt3A_97 : i1 to i32
      %cond3A_99 = arith.constant 0 : i32
      %cond3A_100 = arith.cmpi ne, %convert_element_type3A_98, %cond3A_99 : i32
      scf.if %cond3A_100 {
        %dma_start3A_131 = arith.constant 0 : i32
        %dma_start3A_132 = tpu.memref_slice %arg7[%add3A_96, %dma_start3A_131] : memref<79x128xi32, #tpu.memory_space<vmem>> -> memref<1x128xi32, #tpu.memory_space<vmem>>
        %dma_start3A_133 = tpu.memref_squeeze %dma_start3A_132 : memref<1x128xi32, #tpu.memory_space<vmem>> -> memref<128xi32, #tpu.memory_space<vmem>>
        %dma_start3A_134 = arith.constant 0 : i32
        %dma_start3A_135 = arith.constant 0 : i32
        %dma_start3A_136 = tpu.memref_slice %arg13[%dma_start3A_134, %dma_start3A_135] : memref<10000x16xf32, #tpu.memory_space<vmem_shared>> -> memref<10000x16xf32, #tpu.memory_space<vmem_shared>>
        tpu.enqueue_indirect_dma source(%dma_start3A_136 : memref<10000x16xf32, #tpu.memory_space<vmem_shared>>) target(%arg9 : memref<128x16xf32, #tpu.memory_space<vmem>>) offsets(%dma_start3A_133 : memref<128xi32, #tpu.memory_space<vmem>>) semaphore(%arg16 : memref<!tpu.dma_semaphore, #tpu.memory_space<semaphore_mem>>)
      } else {
      }
      %add3A_101 = arith.constant 1 : i32
      %add3A_102 = arith.addi %mul3A_87, %add3A_101 : i32
      %dma_wait3A_103 = arith.constant 0 : i32
      %dma_wait3A_104 = tpu.memref_slice %arg7[%add3A_102, %dma_wait3A_103] : memref<79x128xi32, #tpu.memory_space<vmem>> -> memref<1x128xi32, #tpu.memory_space<vmem>>
      %dma_wait3A_105 = tpu.memref_squeeze %dma_wait3A_104 : memref<1x128xi32, #tpu.memory_space<vmem>> -> memref<128xi32, #tpu.memory_space<vmem>>
      %dma_wait3A_106 = arith.constant 0 : i32
      %dma_wait3A_107 = arith.constant 0 : i32
      %dma_wait3A_108 = tpu.memref_slice %arg13[%dma_wait3A_106, %dma_wait3A_107] : memref<10000x16xf32, #tpu.memory_space<vmem_shared>> -> memref<10000x16xf32, #tpu.memory_space<vmem_shared>>
      tpu.wait_indirect_dma semaphore(%arg17 : memref<!tpu.dma_semaphore, #tpu.memory_space<semaphore_mem>>) src(%dma_wait3A_108 : memref<10000x16xf32, #tpu.memory_space<vmem_shared>>) dst(%arg10 : memref<128x16xf32, #tpu.memory_space<vmem>>)
      "tpu.region"() ({
        %run_scoped3A_131 = tpu.sem_alloc : memref<!tpu.dma_semaphore, #tpu.memory_space<semaphore_mem>>
        %dma_start3A_132 = arith.constant 0 : i32
        %dma_start3A_133 = tpu.memref_slice %arg8[%add3A_102, %dma_start3A_132] : memref<79x128xi32, #tpu.memory_space<vmem>> -> memref<1x128xi32, #tpu.memory_space<vmem>>
        %dma_start3A_134 = tpu.memref_squeeze %dma_start3A_133 : memref<1x128xi32, #tpu.memory_space<vmem>> -> memref<128xi32, #tpu.memory_space<vmem>>
        %dma_start3A_135 = arith.constant 0 : i32
        %dma_start3A_136 = arith.constant 0 : i32
        %dma_start3A_137 = tpu.memref_slice %arg14[%dma_start3A_135, %dma_start3A_136] : memref<10112x16xf32, #tpu.memory_space<vmem_shared>> -> memref<10112x16xf32, #tpu.memory_space<vmem_shared>>
        tpu.enqueue_indirect_dma source(%arg10 : memref<128x16xf32, #tpu.memory_space<vmem>>) target(%dma_start3A_137 : memref<10112x16xf32, #tpu.memory_space<vmem_shared>>) offsets(%dma_start3A_134 : memref<128xi32, #tpu.memory_space<vmem>>) semaphore(%run_scoped3A_131 : memref<!tpu.dma_semaphore, #tpu.memory_space<semaphore_mem>>) {add = true}
        %dma_wait3A_138 = arith.constant 0 : i32
        %dma_wait3A_139 = tpu.memref_slice %arg8[%add3A_102, %dma_wait3A_138] : memref<79x128xi32, #tpu.memory_space<vmem>> -> memref<1x128xi32, #tpu.memory_space<vmem>>
        %dma_wait3A_140 = tpu.memref_squeeze %dma_wait3A_139 : memref<1x128xi32, #tpu.memory_space<vmem>> -> memref<128xi32, #tpu.memory_space<vmem>>
        %dma_wait3A_141 = arith.constant 0 : i32
        %dma_wait3A_142 = arith.constant 0 : i32
        %dma_wait3A_143 = tpu.memref_slice %arg14[%dma_wait3A_141, %dma_wait3A_142] : memref<10112x16xf32, #tpu.memory_space<vmem_shared>> -> memref<10112x16xf32, #tpu.memory_space<vmem_shared>>
        tpu.wait_indirect_dma semaphore(%run_scoped3A_131 : memref<!tpu.dma_semaphore, #tpu.memory_space<semaphore_mem>>) src(%arg10 : memref<128x16xf32, #tpu.memory_space<vmem>>) dst(%dma_wait3A_143 : memref<10112x16xf32, #tpu.memory_space<vmem_shared>>)
        tpu.yield
      }) : () -> ()
      "tpu.region"() ({
        %run_scoped3A_131 = tpu.sem_alloc : memref<!tpu.dma_semaphore, #tpu.memory_space<semaphore_mem>>
        %dma_start3A_132 = arith.constant 0 : i32
        %dma_start3A_133 = tpu.memref_slice %arg8[%add3A_102, %dma_start3A_132] : memref<79x128xi32, #tpu.memory_space<vmem>> -> memref<1x128xi32, #tpu.memory_space<vmem>>
        %dma_start3A_134 = tpu.memref_squeeze %dma_start3A_133 : memref<1x128xi32, #tpu.memory_space<vmem>> -> memref<128xi32, #tpu.memory_space<vmem>>
        %dma_start3A_135 = arith.constant 0 : i32
        %dma_start3A_136 = arith.constant 0 : i32
        %dma_start3A_137 = tpu.memref_slice %arg15[%dma_start3A_135, %dma_start3A_136] : memref<10112x16xf32, #tpu.memory_space<vmem_shared>> -> memref<10112x16xf32, #tpu.memory_space<vmem_shared>>
        tpu.enqueue_indirect_dma source(%arg12 : memref<128x16xf32, #tpu.memory_space<vmem>>) target(%dma_start3A_137 : memref<10112x16xf32, #tpu.memory_space<vmem_shared>>) offsets(%dma_start3A_134 : memref<128xi32, #tpu.memory_space<vmem>>) semaphore(%run_scoped3A_131 : memref<!tpu.dma_semaphore, #tpu.memory_space<semaphore_mem>>) {add = true}
        %dma_wait3A_138 = arith.constant 0 : i32
        %dma_wait3A_139 = tpu.memref_slice %arg8[%add3A_102, %dma_wait3A_138] : memref<79x128xi32, #tpu.memory_space<vmem>> -> memref<1x128xi32, #tpu.memory_space<vmem>>
        %dma_wait3A_140 = tpu.memref_squeeze %dma_wait3A_139 : memref<1x128xi32, #tpu.memory_space<vmem>> -> memref<128xi32, #tpu.memory_space<vmem>>
        %dma_wait3A_141 = arith.constant 0 : i32
        %dma_wait3A_142 = arith.constant 0 : i32
        %dma_wait3A_143 = tpu.memref_slice %arg15[%dma_wait3A_141, %dma_wait3A_142] : memref<10112x16xf32, #tpu.memory_space<vmem_shared>> -> memref<10112x16xf32, #tpu.memory_space<vmem_shared>>
        tpu.wait_indirect_dma semaphore(%run_scoped3A_131 : memref<!tpu.dma_semaphore, #tpu.memory_space<semaphore_mem>>) src(%arg12 : memref<128x16xf32, #tpu.memory_space<vmem>>) dst(%dma_wait3A_143 : memref<10112x16xf32, #tpu.memory_space<vmem_shared>>)
        tpu.yield
      }) : () -> ()
      %add3A_109 = arith.constant 3 : i32
      %add3A_110 = arith.addi %add3A_102, %add3A_109 : i32
      %lt3A_111 = arith.constant 78 : i32
      %lt3A_112 = arith.cmpi slt, %add3A_110, %lt3A_111 : i32
      %convert_element_type3A_113 = arith.extui %lt3A_112 : i1 to i32
      %cond3A_114 = arith.constant 0 : i32
      %cond3A_115 = arith.cmpi ne, %convert_element_type3A_113, %cond3A_114 : i32
      scf.if %cond3A_115 {
        %dma_start3A_131 = arith.constant 0 : i32
        %dma_start3A_132 = tpu.memref_slice %arg7[%add3A_110, %dma_start3A_131] : memref<79x128xi32, #tpu.memory_space<vmem>> -> memref<1x128xi32, #tpu.memory_space<vmem>>
        %dma_start3A_133 = tpu.memref_squeeze %dma_start3A_132 : memref<1x128xi32, #tpu.memory_space<vmem>> -> memref<128xi32, #tpu.memory_space<vmem>>
        %dma_start3A_134 = arith.constant 0 : i32
        %dma_start3A_135 = arith.constant 0 : i32
        %dma_start3A_136 = tpu.memref_slice %arg13[%dma_start3A_134, %dma_start3A_135] : memref<10000x16xf32, #tpu.memory_space<vmem_shared>> -> memref<10000x16xf32, #tpu.memory_space<vmem_shared>>
        tpu.enqueue_indirect_dma source(%dma_start3A_136 : memref<10000x16xf32, #tpu.memory_space<vmem_shared>>) target(%arg10 : memref<128x16xf32, #tpu.memory_space<vmem>>) offsets(%dma_start3A_133 : memref<128xi32, #tpu.memory_space<vmem>>) semaphore(%arg17 : memref<!tpu.dma_semaphore, #tpu.memory_space<semaphore_mem>>)
      } else {
      }
      %add3A_116 = arith.constant 2 : i32
      %add3A_117 = arith.addi %mul3A_87, %add3A_116 : i32
      %dma_wait3A_118 = arith.constant 0 : i32
      %dma_wait3A_119 = tpu.memref_slice %arg7[%add3A_117, %dma_wait3A_118] : memref<79x128xi32, #tpu.memory_space<vmem>> -> memref<1x128xi32, #tpu.memory_space<vmem>>
      %dma_wait3A_120 = tpu.memref_squeeze %dma_wait3A_119 : memref<1x128xi32, #tpu.memory_space<vmem>> -> memref<128xi32, #tpu.memory_space<vmem>>
      %dma_wait3A_121 = arith.constant 0 : i32
      %dma_wait3A_122 = arith.constant 0 : i32
      %dma_wait3A_123 = tpu.memref_slice %arg13[%dma_wait3A_121, %dma_wait3A_122] : memref<10000x16xf32, #tpu.memory_space<vmem_shared>> -> memref<10000x16xf32, #tpu.memory_space<vmem_shared>>
      tpu.wait_indirect_dma semaphore(%arg18 : memref<!tpu.dma_semaphore, #tpu.memory_space<semaphore_mem>>) src(%dma_wait3A_123 : memref<10000x16xf32, #tpu.memory_space<vmem_shared>>) dst(%arg11 : memref<128x16xf32, #tpu.memory_space<vmem>>)
      "tpu.region"() ({
        %run_scoped3A_131 = tpu.sem_alloc : memref<!tpu.dma_semaphore, #tpu.memory_space<semaphore_mem>>
        %dma_start3A_132 = arith.constant 0 : i32
        %dma_start3A_133 = tpu.memref_slice %arg8[%add3A_117, %dma_start3A_132] : memref<79x128xi32, #tpu.memory_space<vmem>> -> memref<1x128xi32, #tpu.memory_space<vmem>>
        %dma_start3A_134 = tpu.memref_squeeze %dma_start3A_133 : memref<1x128xi32, #tpu.memory_space<vmem>> -> memref<128xi32, #tpu.memory_space<vmem>>
        %dma_start3A_135 = arith.constant 0 : i32
        %dma_start3A_136 = arith.constant 0 : i32
        %dma_start3A_137 = tpu.memref_slice %arg14[%dma_start3A_135, %dma_start3A_136] : memref<10112x16xf32, #tpu.memory_space<vmem_shared>> -> memref<10112x16xf32, #tpu.memory_space<vmem_shared>>
        tpu.enqueue_indirect_dma source(%arg11 : memref<128x16xf32, #tpu.memory_space<vmem>>) target(%dma_start3A_137 : memref<10112x16xf32, #tpu.memory_space<vmem_shared>>) offsets(%dma_start3A_134 : memref<128xi32, #tpu.memory_space<vmem>>) semaphore(%run_scoped3A_131 : memref<!tpu.dma_semaphore, #tpu.memory_space<semaphore_mem>>) {add = true}
        %dma_wait3A_138 = arith.constant 0 : i32
        %dma_wait3A_139 = tpu.memref_slice %arg8[%add3A_117, %dma_wait3A_138] : memref<79x128xi32, #tpu.memory_space<vmem>> -> memref<1x128xi32, #tpu.memory_space<vmem>>
        %dma_wait3A_140 = tpu.memref_squeeze %dma_wait3A_139 : memref<1x128xi32, #tpu.memory_space<vmem>> -> memref<128xi32, #tpu.memory_space<vmem>>
        %dma_wait3A_141 = arith.constant 0 : i32
        %dma_wait3A_142 = arith.constant 0 : i32
        %dma_wait3A_143 = tpu.memref_slice %arg14[%dma_wait3A_141, %dma_wait3A_142] : memref<10112x16xf32, #tpu.memory_space<vmem_shared>> -> memref<10112x16xf32, #tpu.memory_space<vmem_shared>>
        tpu.wait_indirect_dma semaphore(%run_scoped3A_131 : memref<!tpu.dma_semaphore, #tpu.memory_space<semaphore_mem>>) src(%arg11 : memref<128x16xf32, #tpu.memory_space<vmem>>) dst(%dma_wait3A_143 : memref<10112x16xf32, #tpu.memory_space<vmem_shared>>)
        tpu.yield
      }) : () -> ()
      "tpu.region"() ({
        %run_scoped3A_131 = tpu.sem_alloc : memref<!tpu.dma_semaphore, #tpu.memory_space<semaphore_mem>>
        %dma_start3A_132 = arith.constant 0 : i32
        %dma_start3A_133 = tpu.memref_slice %arg8[%add3A_117, %dma_start3A_132] : memref<79x128xi32, #tpu.memory_space<vmem>> -> memref<1x128xi32, #tpu.memory_space<vmem>>
        %dma_start3A_134 = tpu.memref_squeeze %dma_start3A_133 : memref<1x128xi32, #tpu.memory_space<vmem>> -> memref<128xi32, #tpu.memory_space<vmem>>
        %dma_start3A_135 = arith.constant 0 : i32
        %dma_start3A_136 = arith.constant 0 : i32
        %dma_start3A_137 = tpu.memref_slice %arg15[%dma_start3A_135, %dma_start3A_136] : memref<10112x16xf32, #tpu.memory_space<vmem_shared>> -> memref<10112x16xf32, #tpu.memory_space<vmem_shared>>
        tpu.enqueue_indirect_dma source(%arg12 : memref<128x16xf32, #tpu.memory_space<vmem>>) target(%dma_start3A_137 : memref<10112x16xf32, #tpu.memory_space<vmem_shared>>) offsets(%dma_start3A_134 : memref<128xi32, #tpu.memory_space<vmem>>) semaphore(%run_scoped3A_131 : memref<!tpu.dma_semaphore, #tpu.memory_space<semaphore_mem>>) {add = true}
        %dma_wait3A_138 = arith.constant 0 : i32
        %dma_wait3A_139 = tpu.memref_slice %arg8[%add3A_117, %dma_wait3A_138] : memref<79x128xi32, #tpu.memory_space<vmem>> -> memref<1x128xi32, #tpu.memory_space<vmem>>
        %dma_wait3A_140 = tpu.memref_squeeze %dma_wait3A_139 : memref<1x128xi32, #tpu.memory_space<vmem>> -> memref<128xi32, #tpu.memory_space<vmem>>
        %dma_wait3A_141 = arith.constant 0 : i32
        %dma_wait3A_142 = arith.constant 0 : i32
        %dma_wait3A_143 = tpu.memref_slice %arg15[%dma_wait3A_141, %dma_wait3A_142] : memref<10112x16xf32, #tpu.memory_space<vmem_shared>> -> memref<10112x16xf32, #tpu.memory_space<vmem_shared>>
        tpu.wait_indirect_dma semaphore(%run_scoped3A_131 : memref<!tpu.dma_semaphore, #tpu.memory_space<semaphore_mem>>) src(%arg12 : memref<128x16xf32, #tpu.memory_space<vmem>>) dst(%dma_wait3A_143 : memref<10112x16xf32, #tpu.memory_space<vmem_shared>>)
        tpu.yield
      }) : () -> ()
      %add3A_124 = arith.constant 3 : i32
      %add3A_125 = arith.addi %add3A_117, %add3A_124 : i32
      %lt3A_126 = arith.constant 78 : i32
      %lt3A_127 = arith.cmpi slt, %add3A_125, %lt3A_126 : i32
      %convert_element_type3A_128 = arith.extui %lt3A_127 : i1 to i32
      %cond3A_129 = arith.constant 0 : i32
      %cond3A_130 = arith.cmpi ne, %convert_element_type3A_128, %cond3A_129 : i32
      scf.if %cond3A_130 {
        %dma_start3A_131 = arith.constant 0 : i32
        %dma_start3A_132 = tpu.memref_slice %arg7[%add3A_125, %dma_start3A_131] : memref<79x128xi32, #tpu.memory_space<vmem>> -> memref<1x128xi32, #tpu.memory_space<vmem>>
        %dma_start3A_133 = tpu.memref_squeeze %dma_start3A_132 : memref<1x128xi32, #tpu.memory_space<vmem>> -> memref<128xi32, #tpu.memory_space<vmem>>
        %dma_start3A_134 = arith.constant 0 : i32
        %dma_start3A_135 = arith.constant 0 : i32
        %dma_start3A_136 = tpu.memref_slice %arg13[%dma_start3A_134, %dma_start3A_135] : memref<10000x16xf32, #tpu.memory_space<vmem_shared>> -> memref<10000x16xf32, #tpu.memory_space<vmem_shared>>
        tpu.enqueue_indirect_dma source(%dma_start3A_136 : memref<10000x16xf32, #tpu.memory_space<vmem_shared>>) target(%arg11 : memref<128x16xf32, #tpu.memory_space<vmem>>) offsets(%dma_start3A_133 : memref<128xi32, #tpu.memory_space<vmem>>) semaphore(%arg18 : memref<!tpu.dma_semaphore, #tpu.memory_space<semaphore_mem>>)
      } else {
      }
    }
    %scan3A_60 = arith.constant 26 : i32
    %ge3A_61 = arith.constant 14 : i32
    %ge3A_62 = arith.cmpi sge, %arg1, %ge3A_61 : i32
    %convert_element_type3A_63 = arith.extui %ge3A_62 : i1 to i32
    %cond3A_64 = arith.constant 0 : i32
    %cond3A_65 = arith.cmpi ne, %convert_element_type3A_63, %cond3A_64 : i32
    scf.if %cond3A_65 {
      %dma_start3A_85 = arith.constant 78 : i32
      %dma_start3A_86 = arith.constant 0 : i32
      %dma_start3A_87 = tpu.memref_slice %arg7[%dma_start3A_85, %dma_start3A_86] : memref<79x128xi32, #tpu.memory_space<vmem>> -> memref<1x128xi32, #tpu.memory_space<vmem>>
      %dma_start3A_88 = tpu.memref_squeeze %dma_start3A_87 : memref<1x128xi32, #tpu.memory_space<vmem>> -> memref<128xi32, #tpu.memory_space<vmem>>
      %dma_start3A_89 = arith.constant 0 : i32
      %dma_start3A_90 = arith.constant 0 : i32
      %dma_start3A_91 = tpu.memref_slice %arg13[%dma_start3A_89, %dma_start3A_90] : memref<10000x16xf32, #tpu.memory_space<vmem_shared>> -> memref<10000x16xf32, #tpu.memory_space<vmem_shared>>
      tpu.enqueue_indirect_dma source(%dma_start3A_91 : memref<10000x16xf32, #tpu.memory_space<vmem_shared>>) target(%arg9 : memref<128x16xf32, #tpu.memory_space<vmem>>) offsets(%dma_start3A_88 : memref<128xi32, #tpu.memory_space<vmem>>) semaphore(%arg16 : memref<!tpu.dma_semaphore, #tpu.memory_space<semaphore_mem>>)
      %dma_wait3A = arith.constant 78 : i32
      %dma_wait3A_92 = arith.constant 0 : i32
      %dma_wait3A_93 = tpu.memref_slice %arg7[%dma_wait3A, %dma_wait3A_92] : memref<79x128xi32, #tpu.memory_space<vmem>> -> memref<1x128xi32, #tpu.memory_space<vmem>>
      %dma_wait3A_94 = tpu.memref_squeeze %dma_wait3A_93 : memref<1x128xi32, #tpu.memory_space<vmem>> -> memref<128xi32, #tpu.memory_space<vmem>>
      %dma_wait3A_95 = arith.constant 0 : i32
      %dma_wait3A_96 = arith.constant 0 : i32
      %dma_wait3A_97 = tpu.memref_slice %arg13[%dma_wait3A_95, %dma_wait3A_96] : memref<10000x16xf32, #tpu.memory_space<vmem_shared>> -> memref<10000x16xf32, #tpu.memory_space<vmem_shared>>
      tpu.wait_indirect_dma semaphore(%arg16 : memref<!tpu.dma_semaphore, #tpu.memory_space<semaphore_mem>>) src(%dma_wait3A_97 : memref<10000x16xf32, #tpu.memory_space<vmem_shared>>) dst(%arg9 : memref<128x16xf32, #tpu.memory_space<vmem>>)
      %run_scoped3A_98 = arith.constant 78 : i32
      "tpu.region"() ({
        %run_scoped3A_100 = tpu.sem_alloc : memref<!tpu.dma_semaphore, #tpu.memory_space<semaphore_mem>>
        %dma_start3A_101 = arith.constant 0 : i32
        %dma_start3A_102 = tpu.memref_slice %arg8[%run_scoped3A_98, %dma_start3A_101] : memref<79x128xi32, #tpu.memory_space<vmem>> -> memref<1x128xi32, #tpu.memory_space<vmem>>
        %dma_start3A_103 = tpu.memref_squeeze %dma_start3A_102 : memref<1x128xi32, #tpu.memory_space<vmem>> -> memref<128xi32, #tpu.memory_space<vmem>>
        %dma_start3A_104 = arith.constant 0 : i32
        %dma_start3A_105 = arith.constant 0 : i32
        %dma_start3A_106 = tpu.memref_slice %arg14[%dma_start3A_104, %dma_start3A_105] : memref<10112x16xf32, #tpu.memory_space<vmem_shared>> -> memref<10112x16xf32, #tpu.memory_space<vmem_shared>>
        tpu.enqueue_indirect_dma source(%arg9 : memref<128x16xf32, #tpu.memory_space<vmem>>) target(%dma_start3A_106 : memref<10112x16xf32, #tpu.memory_space<vmem_shared>>) offsets(%dma_start3A_103 : memref<128xi32, #tpu.memory_space<vmem>>) semaphore(%run_scoped3A_100 : memref<!tpu.dma_semaphore, #tpu.memory_space<semaphore_mem>>) {add = true}
        %dma_wait3A_107 = arith.constant 0 : i32
        %dma_wait3A_108 = tpu.memref_slice %arg8[%run_scoped3A_98, %dma_wait3A_107] : memref<79x128xi32, #tpu.memory_space<vmem>> -> memref<1x128xi32, #tpu.memory_space<vmem>>
        %dma_wait3A_109 = tpu.memref_squeeze %dma_wait3A_108 : memref<1x128xi32, #tpu.memory_space<vmem>> -> memref<128xi32, #tpu.memory_space<vmem>>
        %dma_wait3A_110 = arith.constant 0 : i32
        %dma_wait3A_111 = arith.constant 0 : i32
        %dma_wait3A_112 = tpu.memref_slice %arg14[%dma_wait3A_110, %dma_wait3A_111] : memref<10112x16xf32, #tpu.memory_space<vmem_shared>> -> memref<10112x16xf32, #tpu.memory_space<vmem_shared>>
        tpu.wait_indirect_dma semaphore(%run_scoped3A_100 : memref<!tpu.dma_semaphore, #tpu.memory_space<semaphore_mem>>) src(%arg9 : memref<128x16xf32, #tpu.memory_space<vmem>>) dst(%dma_wait3A_112 : memref<10112x16xf32, #tpu.memory_space<vmem_shared>>)
        tpu.yield
      }) : () -> ()
      %run_scoped3A_99 = arith.constant 78 : i32
      "tpu.region"() ({
        %run_scoped3A_100 = tpu.sem_alloc : memref<!tpu.dma_semaphore, #tpu.memory_space<semaphore_mem>>
        %dma_start3A_101 = arith.constant 0 : i32
        %dma_start3A_102 = tpu.memref_slice %arg8[%run_scoped3A_99, %dma_start3A_101] : memref<79x128xi32, #tpu.memory_space<vmem>> -> memref<1x128xi32, #tpu.memory_space<vmem>>
        %dma_start3A_103 = tpu.memref_squeeze %dma_start3A_102 : memref<1x128xi32, #tpu.memory_space<vmem>> -> memref<128xi32, #tpu.memory_space<vmem>>
        %dma_start3A_104 = arith.constant 0 : i32
        %dma_start3A_105 = arith.constant 0 : i32
        %dma_start3A_106 = tpu.memref_slice %arg15[%dma_start3A_104, %dma_start3A_105] : memref<10112x16xf32, #tpu.memory_space<vmem_shared>> -> memref<10112x16xf32, #tpu.memory_space<vmem_shared>>
        tpu.enqueue_indirect_dma source(%arg12 : memref<128x16xf32, #tpu.memory_space<vmem>>) target(%dma_start3A_106 : memref<10112x16xf32, #tpu.memory_space<vmem_shared>>) offsets(%dma_start3A_103 : memref<128xi32, #tpu.memory_space<vmem>>) semaphore(%run_scoped3A_100 : memref<!tpu.dma_semaphore, #tpu.memory_space<semaphore_mem>>) {add = true}
        %dma_wait3A_107 = arith.constant 0 : i32
        %dma_wait3A_108 = tpu.memref_slice %arg8[%run_scoped3A_99, %dma_wait3A_107] : memref<79x128xi32, #tpu.memory_space<vmem>> -> memref<1x128xi32, #tpu.memory_space<vmem>>
        %dma_wait3A_109 = tpu.memref_squeeze %dma_wait3A_108 : memref<1x128xi32, #tpu.memory_space<vmem>> -> memref<128xi32, #tpu.memory_space<vmem>>
        %dma_wait3A_110 = arith.constant 0 : i32
        %dma_wait3A_111 = arith.constant 0 : i32
        %dma_wait3A_112 = tpu.memref_slice %arg15[%dma_wait3A_110, %dma_wait3A_111] : memref<10112x16xf32, #tpu.memory_space<vmem_shared>> -> memref<10112x16xf32, #tpu.memory_space<vmem_shared>>
        tpu.wait_indirect_dma semaphore(%run_scoped3A_100 : memref<!tpu.dma_semaphore, #tpu.memory_space<semaphore_mem>>) src(%arg12 : memref<128x16xf32, #tpu.memory_space<vmem>>) dst(%dma_wait3A_112 : memref<10112x16xf32, #tpu.memory_space<vmem_shared>>)
        tpu.yield
      }) : () -> ()
    } else {
    }
    %barrier3A_66 = arith.constant 0 : index
    tpu.barrier barrier_id(%barrier3A_66)
    %mul3A_67 = arith.constant 624 : i32
    %mul3A_68 = arith.muli %arg1, %mul3A_67 : i32
    %mul3A_69 = arith.constant 624 : i32
    %mul3A_70 = arith.muli %arg1, %mul3A_69 : i32
    "tpu.region"() ({
      %run_scoped3A_85 = tpu.sem_alloc : memref<!tpu.dma_semaphore, #tpu.memory_space<semaphore_mem>>
      %dma_start3A_86 = arith.constant 0 : i32
      %dma_start3A_87 = tpu.memref_slice %arg5[%arg0, %mul3A_70, %dma_start3A_86] : memref<2x10000x16xf32, #tpu.memory_space<hbm>> -> memref<1x624x16xf32, #tpu.memory_space<hbm>>
      %dma_start3A_88 = tpu.memref_squeeze %dma_start3A_87 : memref<1x624x16xf32, #tpu.memory_space<hbm>> -> memref<624x16xf32, #tpu.memory_space<hbm>>
      %dma_start3A_89 = arith.constant 0 : i32
      %dma_start3A_90 = tpu.memref_slice %arg14[%mul3A_68, %dma_start3A_89] : memref<10112x16xf32, #tpu.memory_space<vmem_shared>> -> memref<624x16xf32, #tpu.memory_space<vmem_shared>>
      tpu.enqueue_dma source(%dma_start3A_90 : memref<624x16xf32, #tpu.memory_space<vmem_shared>>) target(%dma_start3A_88 : memref<624x16xf32, #tpu.memory_space<hbm>>) target_semaphore(%run_scoped3A_85 : memref<!tpu.dma_semaphore, #tpu.memory_space<semaphore_mem>>)
      %dma_wait3A = arith.constant 0 : i32
      %dma_wait3A_91 = tpu.memref_slice %arg5[%arg0, %mul3A_70, %dma_wait3A] : memref<2x10000x16xf32, #tpu.memory_space<hbm>> -> memref<1x624x16xf32, #tpu.memory_space<hbm>>
      %dma_wait3A_92 = tpu.memref_squeeze %dma_wait3A_91 : memref<1x624x16xf32, #tpu.memory_space<hbm>> -> memref<624x16xf32, #tpu.memory_space<hbm>>
      %dma_wait3A_93 = arith.constant 0 : i32
      %dma_wait3A_94 = tpu.memref_slice %arg14[%mul3A_68, %dma_wait3A_93] : memref<10112x16xf32, #tpu.memory_space<vmem_shared>> -> memref<624x16xf32, #tpu.memory_space<vmem_shared>>
      tpu.wait_dma2 semaphore(%run_scoped3A_85 : memref<!tpu.dma_semaphore, #tpu.memory_space<semaphore_mem>>) src(%dma_wait3A_94 : memref<624x16xf32, #tpu.memory_space<vmem_shared>>) dst(%dma_wait3A_92 : memref<624x16xf32, #tpu.memory_space<hbm>>)
      tpu.yield
    }) : () -> ()
    %eq3A_71 = arith.constant 0 : i32
    %eq3A_72 = arith.cmpi eq, %arg1, %eq3A_71 : i32
    %convert_element_type3A_73 = arith.extui %eq3A_72 : i1 to i32
    %cond3A_74 = arith.constant 0 : i32
    %cond3A_75 = arith.cmpi ne, %convert_element_type3A_73, %cond3A_74 : i32
    scf.if %cond3A_75 {
      "tpu.region"() ({
        %run_scoped3A_85 = tpu.sem_alloc : memref<!tpu.dma_semaphore, #tpu.memory_space<semaphore_mem>>
        %dma_start3A_86 = arith.constant 9984 : i32
        %dma_start3A_87 = arith.constant 0 : i32
        %dma_start3A_88 = tpu.memref_slice %arg5[%arg0, %dma_start3A_86, %dma_start3A_87] : memref<2x10000x16xf32, #tpu.memory_space<hbm>> -> memref<1x16x16xf32, #tpu.memory_space<hbm>>
        %dma_start3A_89 = tpu.memref_squeeze %dma_start3A_88 : memref<1x16x16xf32, #tpu.memory_space<hbm>> -> memref<16x16xf32, #tpu.memory_space<hbm>>
        %dma_start3A_90 = arith.constant 9984 : i32
        %dma_start3A_91 = arith.constant 0 : i32
        %dma_start3A_92 = tpu.memref_slice %arg14[%dma_start3A_90, %dma_start3A_91] : memref<10112x16xf32, #tpu.memory_space<vmem_shared>> -> memref<16x16xf32, #tpu.memory_space<vmem_shared>>
        tpu.enqueue_dma source(%dma_start3A_92 : memref<16x16xf32, #tpu.memory_space<vmem_shared>>) target(%dma_start3A_89 : memref<16x16xf32, #tpu.memory_space<hbm>>) target_semaphore(%run_scoped3A_85 : memref<!tpu.dma_semaphore, #tpu.memory_space<semaphore_mem>>)
        %dma_wait3A = arith.constant 9984 : i32
        %dma_wait3A_93 = arith.constant 0 : i32
        %dma_wait3A_94 = tpu.memref_slice %arg5[%arg0, %dma_wait3A, %dma_wait3A_93] : memref<2x10000x16xf32, #tpu.memory_space<hbm>> -> memref<1x16x16xf32, #tpu.memory_space<hbm>>
        %dma_wait3A_95 = tpu.memref_squeeze %dma_wait3A_94 : memref<1x16x16xf32, #tpu.memory_space<hbm>> -> memref<16x16xf32, #tpu.memory_space<hbm>>
        %dma_wait3A_96 = arith.constant 9984 : i32
        %dma_wait3A_97 = arith.constant 0 : i32
        %dma_wait3A_98 = tpu.memref_slice %arg14[%dma_wait3A_96, %dma_wait3A_97] : memref<10112x16xf32, #tpu.memory_space<vmem_shared>> -> memref<16x16xf32, #tpu.memory_space<vmem_shared>>
        tpu.wait_dma2 semaphore(%run_scoped3A_85 : memref<!tpu.dma_semaphore, #tpu.memory_space<semaphore_mem>>) src(%dma_wait3A_98 : memref<16x16xf32, #tpu.memory_space<vmem_shared>>) dst(%dma_wait3A_95 : memref<16x16xf32, #tpu.memory_space<hbm>>)
        tpu.yield
      }) : () -> ()
    } else {
    }
    %mul3A_76 = arith.constant 624 : i32
    %mul3A_77 = arith.muli %arg1, %mul3A_76 : i32
    %mul3A_78 = arith.constant 624 : i32
    %mul3A_79 = arith.muli %arg1, %mul3A_78 : i32
    "tpu.region"() ({
      %run_scoped3A_85 = tpu.sem_alloc : memref<!tpu.dma_semaphore, #tpu.memory_space<semaphore_mem>>
      %dma_start3A_86 = arith.constant 0 : i32
      %dma_start3A_87 = tpu.memref_slice %arg6[%arg0, %mul3A_79, %dma_start3A_86] : memref<2x10000x16xf32, #tpu.memory_space<hbm>> -> memref<1x624x16xf32, #tpu.memory_space<hbm>>
      %dma_start3A_88 = tpu.memref_squeeze %dma_start3A_87 : memref<1x624x16xf32, #tpu.memory_space<hbm>> -> memref<624x16xf32, #tpu.memory_space<hbm>>
      %dma_start3A_89 = arith.constant 0 : i32
      %dma_start3A_90 = tpu.memref_slice %arg15[%mul3A_77, %dma_start3A_89] : memref<10112x16xf32, #tpu.memory_space<vmem_shared>> -> memref<624x16xf32, #tpu.memory_space<vmem_shared>>
      tpu.enqueue_dma source(%dma_start3A_90 : memref<624x16xf32, #tpu.memory_space<vmem_shared>>) target(%dma_start3A_88 : memref<624x16xf32, #tpu.memory_space<hbm>>) target_semaphore(%run_scoped3A_85 : memref<!tpu.dma_semaphore, #tpu.memory_space<semaphore_mem>>)
      %dma_wait3A = arith.constant 0 : i32
      %dma_wait3A_91 = tpu.memref_slice %arg6[%arg0, %mul3A_79, %dma_wait3A] : memref<2x10000x16xf32, #tpu.memory_space<hbm>> -> memref<1x624x16xf32, #tpu.memory_space<hbm>>
      %dma_wait3A_92 = tpu.memref_squeeze %dma_wait3A_91 : memref<1x624x16xf32, #tpu.memory_space<hbm>> -> memref<624x16xf32, #tpu.memory_space<hbm>>
      %dma_wait3A_93 = arith.constant 0 : i32
      %dma_wait3A_94 = tpu.memref_slice %arg15[%mul3A_77, %dma_wait3A_93] : memref<10112x16xf32, #tpu.memory_space<vmem_shared>> -> memref<624x16xf32, #tpu.memory_space<vmem_shared>>
      tpu.wait_dma2 semaphore(%run_scoped3A_85 : memref<!tpu.dma_semaphore, #tpu.memory_space<semaphore_mem>>) src(%dma_wait3A_94 : memref<624x16xf32, #tpu.memory_space<vmem_shared>>) dst(%dma_wait3A_92 : memref<624x16xf32, #tpu.memory_space<hbm>>)
      tpu.yield
    }) : () -> ()
    %eq3A_80 = arith.constant 0 : i32
    %eq3A_81 = arith.cmpi eq, %arg1, %eq3A_80 : i32
    %convert_element_type3A_82 = arith.extui %eq3A_81 : i1 to i32
    %cond3A_83 = arith.constant 0 : i32
    %cond3A_84 = arith.cmpi ne, %convert_element_type3A_82, %cond3A_83 : i32
    scf.if %cond3A_84 {
      "tpu.region"() ({
        %run_scoped3A_85 = tpu.sem_alloc : memref<!tpu.dma_semaphore, #tpu.memory_space<semaphore_mem>>
        %dma_start3A_86 = arith.constant 9984 : i32
        %dma_start3A_87 = arith.constant 0 : i32
        %dma_start3A_88 = tpu.memref_slice %arg6[%arg0, %dma_start3A_86, %dma_start3A_87] : memref<2x10000x16xf32, #tpu.memory_space<hbm>> -> memref<1x16x16xf32, #tpu.memory_space<hbm>>
        %dma_start3A_89 = tpu.memref_squeeze %dma_start3A_88 : memref<1x16x16xf32, #tpu.memory_space<hbm>> -> memref<16x16xf32, #tpu.memory_space<hbm>>
        %dma_start3A_90 = arith.constant 9984 : i32
        %dma_start3A_91 = arith.constant 0 : i32
        %dma_start3A_92 = tpu.memref_slice %arg15[%dma_start3A_90, %dma_start3A_91] : memref<10112x16xf32, #tpu.memory_space<vmem_shared>> -> memref<16x16xf32, #tpu.memory_space<vmem_shared>>
        tpu.enqueue_dma source(%dma_start3A_92 : memref<16x16xf32, #tpu.memory_space<vmem_shared>>) target(%dma_start3A_89 : memref<16x16xf32, #tpu.memory_space<hbm>>) target_semaphore(%run_scoped3A_85 : memref<!tpu.dma_semaphore, #tpu.memory_space<semaphore_mem>>)
        %dma_wait3A = arith.constant 9984 : i32
        %dma_wait3A_93 = arith.constant 0 : i32
        %dma_wait3A_94 = tpu.memref_slice %arg6[%arg0, %dma_wait3A, %dma_wait3A_93] : memref<2x10000x16xf32, #tpu.memory_space<hbm>> -> memref<1x16x16xf32, #tpu.memory_space<hbm>>
        %dma_wait3A_95 = tpu.memref_squeeze %dma_wait3A_94 : memref<1x16x16xf32, #tpu.memory_space<hbm>> -> memref<16x16xf32, #tpu.memory_space<hbm>>
        %dma_wait3A_96 = arith.constant 9984 : i32
        %dma_wait3A_97 = arith.constant 0 : i32
        %dma_wait3A_98 = tpu.memref_slice %arg15[%dma_wait3A_96, %dma_wait3A_97] : memref<10112x16xf32, #tpu.memory_space<vmem_shared>> -> memref<16x16xf32, #tpu.memory_space<vmem_shared>>
        tpu.wait_dma2 semaphore(%run_scoped3A_85 : memref<!tpu.dma_semaphore, #tpu.memory_space<semaphore_mem>>) src(%dma_wait3A_98 : memref<16x16xf32, #tpu.memory_space<vmem_shared>>) dst(%dma_wait3A_95 : memref<16x16xf32, #tpu.memory_space<hbm>>)
        tpu.yield
      }) : () -> ()
    } else {
    }
    return
  }
}

#map = affine_map<(d0, d1) -> (0, 0, 0)>
#map1 = affine_map<(d0, d1) -> (0, 0)>
module attributes {stable_mosaic.version = 14 : i64} {
  func.func @_sc_conv2(%arg0: i32, %arg1: i32, %arg2: memref<2x10000x64xf32, #tpu.memory_space<hbm>>, %arg3: memref<2x2500x128xi32, #tpu.memory_space<hbm>>, %arg4: memref<10112x64xf32, #tpu.memory_space<hbm>>, %arg5: memref<2x10000x64xf32, #tpu.memory_space<hbm>>, %arg6: memref<157x128xi32, #tpu.memory_space<vmem>>, %arg7: memref<3x128xi32, #tpu.memory_space<vmem>>, %arg8: memref<128x64xf32, #tpu.memory_space<vmem>>, %arg9: memref<128x64xf32, #tpu.memory_space<vmem>>, %arg10: memref<128x64xf32, #tpu.memory_space<vmem>>, %arg11: memref<10000x64xf32, #tpu.memory_space<vmem_shared>>, %arg12: memref<10112x64xf32, #tpu.memory_space<vmem_shared>>, %arg13: memref<!tpu.dma_semaphore, #tpu.memory_space<semaphore_mem>>, %arg14: memref<!tpu.dma_semaphore, #tpu.memory_space<semaphore_mem>>, %arg15: memref<!tpu.dma_semaphore, #tpu.memory_space<semaphore_mem>>, %arg16: memref<!tpu.dma_semaphore, #tpu.memory_space<semaphore_mem>>, %arg17: memref<!tpu.dma_semaphore, #tpu.memory_space<semaphore_mem>>, %arg18: memref<!tpu.dma_semaphore, #tpu.memory_space<semaphore_mem>>) attributes {dimension_semantics = [#tpu.dimension_semantics<core_parallel>, #tpu.dimension_semantics<subcore_parallel>], iteration_bounds = array<i64: 2, 16>, scalar_prefetch = 0 : i64, scratch_operands = 13 : i64, tpu.core_type = #tpu.core_type<sc_vector_subcore>, window_params = [{transform_indices = #map}, {transform_indices = #map}, {transform_indices = #map1}, {transform_indices = #map}]} {
    %mul3A = arith.constant 156 : i32
    %mul3A_0 = arith.muli %arg1, %mul3A : i32
    %sub3A = arith.constant 12 : i32
    %sub3A_1 = arith.subi %arg1, %sub3A : i32
    %max3A = arith.constant 0 : i32
    %max3A_2 = arith.maxsi %sub3A_1, %max3A : i32
    %add3A = arith.addi %mul3A_0, %max3A_2 : i32
    %run_scoped3A = arith.constant 0 : i32
    "tpu.region"() ({
      %run_scoped3A_105 = tpu.sem_alloc : memref<!tpu.dma_semaphore, #tpu.memory_space<semaphore_mem>>
      %dma_start3A_106 = arith.constant 0 : i32
      %dma_start3A_107 = arith.constant 0 : i32
      %dma_start3A_108 = tpu.memref_slice %arg6[%dma_start3A_106, %dma_start3A_107] : memref<157x128xi32, #tpu.memory_space<vmem>> -> memref<156x128xi32, #tpu.memory_space<vmem>>
      %dma_start3A_109 = arith.constant 0 : i32
      %dma_start3A_110 = tpu.memref_slice %arg3[%run_scoped3A, %add3A, %dma_start3A_109] : memref<2x2500x128xi32, #tpu.memory_space<hbm>> -> memref<1x156x128xi32, #tpu.memory_space<hbm>>
      %dma_start3A_111 = tpu.memref_squeeze %dma_start3A_110 : memref<1x156x128xi32, #tpu.memory_space<hbm>> -> memref<156x128xi32, #tpu.memory_space<hbm>>
      %dma_start3A_112 = arith.constant 0 : i32
      %dma_start3A_113 = arith.constant 0 : i32
      %dma_start3A_114 = tpu.memref_slice %arg6[%dma_start3A_112, %dma_start3A_113] : memref<157x128xi32, #tpu.memory_space<vmem>> -> memref<156x128xi32, #tpu.memory_space<vmem>>
      %dma_start3A_115 = arith.constant 0 : i32
      %dma_start3A_116 = tpu.memref_slice %arg3[%run_scoped3A, %add3A, %dma_start3A_115] : memref<2x2500x128xi32, #tpu.memory_space<hbm>> -> memref<1x156x128xi32, #tpu.memory_space<hbm>>
      %dma_start3A_117 = tpu.memref_squeeze %dma_start3A_116 : memref<1x156x128xi32, #tpu.memory_space<hbm>> -> memref<156x128xi32, #tpu.memory_space<hbm>>
      tpu.enqueue_dma source(%dma_start3A_117 : memref<156x128xi32, #tpu.memory_space<hbm>>) target(%dma_start3A_114 : memref<156x128xi32, #tpu.memory_space<vmem>>) target_semaphore(%run_scoped3A_105 : memref<!tpu.dma_semaphore, #tpu.memory_space<semaphore_mem>>)
      %dma_wait3A = arith.constant 0 : i32
      %dma_wait3A_118 = arith.constant 0 : i32
      %dma_wait3A_119 = tpu.memref_slice %arg6[%dma_wait3A, %dma_wait3A_118] : memref<157x128xi32, #tpu.memory_space<vmem>> -> memref<156x128xi32, #tpu.memory_space<vmem>>
      %dma_wait3A_120 = arith.constant 0 : i32
      %dma_wait3A_121 = tpu.memref_slice %arg3[%run_scoped3A, %add3A, %dma_wait3A_120] : memref<2x2500x128xi32, #tpu.memory_space<hbm>> -> memref<1x156x128xi32, #tpu.memory_space<hbm>>
      %dma_wait3A_122 = tpu.memref_squeeze %dma_wait3A_121 : memref<1x156x128xi32, #tpu.memory_space<hbm>> -> memref<156x128xi32, #tpu.memory_space<hbm>>
      %dma_wait3A_123 = arith.constant 0 : i32
      %dma_wait3A_124 = arith.constant 0 : i32
      %dma_wait3A_125 = tpu.memref_slice %arg6[%dma_wait3A_123, %dma_wait3A_124] : memref<157x128xi32, #tpu.memory_space<vmem>> -> memref<156x128xi32, #tpu.memory_space<vmem>>
      %dma_wait3A_126 = arith.constant 0 : i32
      %dma_wait3A_127 = tpu.memref_slice %arg3[%run_scoped3A, %add3A, %dma_wait3A_126] : memref<2x2500x128xi32, #tpu.memory_space<hbm>> -> memref<1x156x128xi32, #tpu.memory_space<hbm>>
      %dma_wait3A_128 = tpu.memref_squeeze %dma_wait3A_127 : memref<1x156x128xi32, #tpu.memory_space<hbm>> -> memref<156x128xi32, #tpu.memory_space<hbm>>
      tpu.wait_dma2 semaphore(%run_scoped3A_105 : memref<!tpu.dma_semaphore, #tpu.memory_space<semaphore_mem>>) src(%dma_wait3A_128 : memref<156x128xi32, #tpu.memory_space<hbm>>) dst(%dma_wait3A_125 : memref<156x128xi32, #tpu.memory_space<vmem>>)
      tpu.yield
    }) : () -> ()
    %ge3A = arith.constant 12 : i32
    %ge3A_3 = arith.cmpi sge, %arg1, %ge3A : i32
    %convert_element_type3A = arith.extui %ge3A_3 : i1 to i32
    %cond3A = arith.constant 0 : i32
    %cond3A_4 = arith.cmpi ne, %convert_element_type3A, %cond3A : i32
    scf.if %cond3A_4 {
      %add3A_105 = arith.constant 156 : i32
      %add3A_106 = arith.addi %add3A, %add3A_105 : i32
      %run_scoped3A_107 = arith.constant 0 : i32
      "tpu.region"() ({
        %run_scoped3A_108 = tpu.sem_alloc : memref<!tpu.dma_semaphore, #tpu.memory_space<semaphore_mem>>
        %dma_start3A_109 = arith.constant 156 : i32
        %dma_start3A_110 = arith.constant 0 : i32
        %dma_start3A_111 = tpu.memref_slice %arg6[%dma_start3A_109, %dma_start3A_110] : memref<157x128xi32, #tpu.memory_space<vmem>> -> memref<1x128xi32, #tpu.memory_space<vmem>>
        %dma_start3A_112 = arith.constant 0 : i32
        %dma_start3A_113 = tpu.memref_slice %arg3[%run_scoped3A_107, %add3A_106, %dma_start3A_112] : memref<2x2500x128xi32, #tpu.memory_space<hbm>> -> memref<1x1x128xi32, #tpu.memory_space<hbm>>
        %dma_start3A_114 = tpu.memref_squeeze %dma_start3A_113 : memref<1x1x128xi32, #tpu.memory_space<hbm>> -> memref<1x128xi32, #tpu.memory_space<hbm>>
        %dma_start3A_115 = arith.constant 156 : i32
        %dma_start3A_116 = arith.constant 0 : i32
        %dma_start3A_117 = tpu.memref_slice %arg6[%dma_start3A_115, %dma_start3A_116] : memref<157x128xi32, #tpu.memory_space<vmem>> -> memref<1x128xi32, #tpu.memory_space<vmem>>
        %dma_start3A_118 = arith.constant 0 : i32
        %dma_start3A_119 = tpu.memref_slice %arg3[%run_scoped3A_107, %add3A_106, %dma_start3A_118] : memref<2x2500x128xi32, #tpu.memory_space<hbm>> -> memref<1x1x128xi32, #tpu.memory_space<hbm>>
        %dma_start3A_120 = tpu.memref_squeeze %dma_start3A_119 : memref<1x1x128xi32, #tpu.memory_space<hbm>> -> memref<1x128xi32, #tpu.memory_space<hbm>>
        tpu.enqueue_dma source(%dma_start3A_120 : memref<1x128xi32, #tpu.memory_space<hbm>>) target(%dma_start3A_117 : memref<1x128xi32, #tpu.memory_space<vmem>>) target_semaphore(%run_scoped3A_108 : memref<!tpu.dma_semaphore, #tpu.memory_space<semaphore_mem>>)
        %dma_wait3A = arith.constant 156 : i32
        %dma_wait3A_121 = arith.constant 0 : i32
        %dma_wait3A_122 = tpu.memref_slice %arg6[%dma_wait3A, %dma_wait3A_121] : memref<157x128xi32, #tpu.memory_space<vmem>> -> memref<1x128xi32, #tpu.memory_space<vmem>>
        %dma_wait3A_123 = arith.constant 0 : i32
        %dma_wait3A_124 = tpu.memref_slice %arg3[%run_scoped3A_107, %add3A_106, %dma_wait3A_123] : memref<2x2500x128xi32, #tpu.memory_space<hbm>> -> memref<1x1x128xi32, #tpu.memory_space<hbm>>
        %dma_wait3A_125 = tpu.memref_squeeze %dma_wait3A_124 : memref<1x1x128xi32, #tpu.memory_space<hbm>> -> memref<1x128xi32, #tpu.memory_space<hbm>>
        %dma_wait3A_126 = arith.constant 156 : i32
        %dma_wait3A_127 = arith.constant 0 : i32
        %dma_wait3A_128 = tpu.memref_slice %arg6[%dma_wait3A_126, %dma_wait3A_127] : memref<157x128xi32, #tpu.memory_space<vmem>> -> memref<1x128xi32, #tpu.memory_space<vmem>>
        %dma_wait3A_129 = arith.constant 0 : i32
        %dma_wait3A_130 = tpu.memref_slice %arg3[%run_scoped3A_107, %add3A_106, %dma_wait3A_129] : memref<2x2500x128xi32, #tpu.memory_space<hbm>> -> memref<1x1x128xi32, #tpu.memory_space<hbm>>
        %dma_wait3A_131 = tpu.memref_squeeze %dma_wait3A_130 : memref<1x1x128xi32, #tpu.memory_space<hbm>> -> memref<1x128xi32, #tpu.memory_space<hbm>>
        tpu.wait_dma2 semaphore(%run_scoped3A_108 : memref<!tpu.dma_semaphore, #tpu.memory_space<semaphore_mem>>) src(%dma_wait3A_131 : memref<1x128xi32, #tpu.memory_space<hbm>>) dst(%dma_wait3A_128 : memref<1x128xi32, #tpu.memory_space<vmem>>)
        tpu.yield
      }) : () -> ()
    } else {
    }
    %mul3A_5 = arith.constant 624 : i32
    %mul3A_6 = arith.muli %arg1, %mul3A_5 : i32
    %mul3A_7 = arith.constant 624 : i32
    %mul3A_8 = arith.muli %arg1, %mul3A_7 : i32
    "tpu.region"() ({
      %run_scoped3A_105 = tpu.sem_alloc : memref<!tpu.dma_semaphore, #tpu.memory_space<semaphore_mem>>
      %dma_start3A_106 = arith.constant 0 : i32
      %dma_start3A_107 = tpu.memref_slice %arg11[%mul3A_8, %dma_start3A_106] : memref<10000x64xf32, #tpu.memory_space<vmem_shared>> -> memref<624x64xf32, #tpu.memory_space<vmem_shared>>
      %dma_start3A_108 = arith.constant 0 : i32
      %dma_start3A_109 = tpu.memref_slice %arg2[%arg0, %mul3A_6, %dma_start3A_108] : memref<2x10000x64xf32, #tpu.memory_space<hbm>> -> memref<1x624x64xf32, #tpu.memory_space<hbm>>
      %dma_start3A_110 = tpu.memref_squeeze %dma_start3A_109 : memref<1x624x64xf32, #tpu.memory_space<hbm>> -> memref<624x64xf32, #tpu.memory_space<hbm>>
      tpu.enqueue_dma source(%dma_start3A_110 : memref<624x64xf32, #tpu.memory_space<hbm>>) target(%dma_start3A_107 : memref<624x64xf32, #tpu.memory_space<vmem_shared>>) target_semaphore(%run_scoped3A_105 : memref<!tpu.dma_semaphore, #tpu.memory_space<semaphore_mem>>)
      %dma_wait3A = arith.constant 0 : i32
      %dma_wait3A_111 = tpu.memref_slice %arg11[%mul3A_8, %dma_wait3A] : memref<10000x64xf32, #tpu.memory_space<vmem_shared>> -> memref<624x64xf32, #tpu.memory_space<vmem_shared>>
      %dma_wait3A_112 = arith.constant 0 : i32
      %dma_wait3A_113 = tpu.memref_slice %arg2[%arg0, %mul3A_6, %dma_wait3A_112] : memref<2x10000x64xf32, #tpu.memory_space<hbm>> -> memref<1x624x64xf32, #tpu.memory_space<hbm>>
      %dma_wait3A_114 = tpu.memref_squeeze %dma_wait3A_113 : memref<1x624x64xf32, #tpu.memory_space<hbm>> -> memref<624x64xf32, #tpu.memory_space<hbm>>
      tpu.wait_dma2 semaphore(%run_scoped3A_105 : memref<!tpu.dma_semaphore, #tpu.memory_space<semaphore_mem>>) src(%dma_wait3A_114 : memref<624x64xf32, #tpu.memory_space<hbm>>) dst(%dma_wait3A_111 : memref<624x64xf32, #tpu.memory_space<vmem_shared>>)
      tpu.yield
    }) : () -> ()
    %mul3A_9 = arith.constant 632 : i32
    %mul3A_10 = arith.muli %arg1, %mul3A_9 : i32
    %mul3A_11 = arith.constant 632 : i32
    %mul3A_12 = arith.muli %arg1, %mul3A_11 : i32
    "tpu.region"() ({
      %run_scoped3A_105 = tpu.sem_alloc : memref<!tpu.dma_semaphore, #tpu.memory_space<semaphore_mem>>
      %dma_start3A_106 = arith.constant 0 : i32
      %dma_start3A_107 = tpu.memref_slice %arg12[%mul3A_12, %dma_start3A_106] : memref<10112x64xf32, #tpu.memory_space<vmem_shared>> -> memref<632x64xf32, #tpu.memory_space<vmem_shared>>
      %dma_start3A_108 = arith.constant 0 : i32
      %dma_start3A_109 = tpu.memref_slice %arg4[%mul3A_10, %dma_start3A_108] : memref<10112x64xf32, #tpu.memory_space<hbm>> -> memref<632x64xf32, #tpu.memory_space<hbm>>
      tpu.enqueue_dma source(%dma_start3A_109 : memref<632x64xf32, #tpu.memory_space<hbm>>) target(%dma_start3A_107 : memref<632x64xf32, #tpu.memory_space<vmem_shared>>) target_semaphore(%run_scoped3A_105 : memref<!tpu.dma_semaphore, #tpu.memory_space<semaphore_mem>>)
      %dma_wait3A = arith.constant 0 : i32
      %dma_wait3A_110 = tpu.memref_slice %arg12[%mul3A_12, %dma_wait3A] : memref<10112x64xf32, #tpu.memory_space<vmem_shared>> -> memref<632x64xf32, #tpu.memory_space<vmem_shared>>
      %dma_wait3A_111 = arith.constant 0 : i32
      %dma_wait3A_112 = tpu.memref_slice %arg4[%mul3A_10, %dma_wait3A_111] : memref<10112x64xf32, #tpu.memory_space<hbm>> -> memref<632x64xf32, #tpu.memory_space<hbm>>
      tpu.wait_dma2 semaphore(%run_scoped3A_105 : memref<!tpu.dma_semaphore, #tpu.memory_space<semaphore_mem>>) src(%dma_wait3A_112 : memref<632x64xf32, #tpu.memory_space<hbm>>) dst(%dma_wait3A_110 : memref<632x64xf32, #tpu.memory_space<vmem_shared>>)
      tpu.yield
    }) : () -> ()
    %eq3A = arith.constant 0 : i32
    %eq3A_13 = arith.cmpi eq, %arg1, %eq3A : i32
    %convert_element_type3A_14 = arith.extui %eq3A_13 : i1 to i32
    %cond3A_15 = arith.constant 0 : i32
    %cond3A_16 = arith.cmpi ne, %convert_element_type3A_14, %cond3A_15 : i32
    scf.if %cond3A_16 {
      "tpu.region"() ({
        %run_scoped3A_105 = tpu.sem_alloc : memref<!tpu.dma_semaphore, #tpu.memory_space<semaphore_mem>>
        %dma_start3A_106 = arith.constant 9984 : i32
        %dma_start3A_107 = arith.constant 0 : i32
        %dma_start3A_108 = tpu.memref_slice %arg11[%dma_start3A_106, %dma_start3A_107] : memref<10000x64xf32, #tpu.memory_space<vmem_shared>> -> memref<16x64xf32, #tpu.memory_space<vmem_shared>>
        %dma_start3A_109 = arith.constant 9984 : i32
        %dma_start3A_110 = arith.constant 0 : i32
        %dma_start3A_111 = tpu.memref_slice %arg2[%arg0, %dma_start3A_109, %dma_start3A_110] : memref<2x10000x64xf32, #tpu.memory_space<hbm>> -> memref<1x16x64xf32, #tpu.memory_space<hbm>>
        %dma_start3A_112 = tpu.memref_squeeze %dma_start3A_111 : memref<1x16x64xf32, #tpu.memory_space<hbm>> -> memref<16x64xf32, #tpu.memory_space<hbm>>
        tpu.enqueue_dma source(%dma_start3A_112 : memref<16x64xf32, #tpu.memory_space<hbm>>) target(%dma_start3A_108 : memref<16x64xf32, #tpu.memory_space<vmem_shared>>) target_semaphore(%run_scoped3A_105 : memref<!tpu.dma_semaphore, #tpu.memory_space<semaphore_mem>>)
        %dma_wait3A = arith.constant 9984 : i32
        %dma_wait3A_113 = arith.constant 0 : i32
        %dma_wait3A_114 = tpu.memref_slice %arg11[%dma_wait3A, %dma_wait3A_113] : memref<10000x64xf32, #tpu.memory_space<vmem_shared>> -> memref<16x64xf32, #tpu.memory_space<vmem_shared>>
        %dma_wait3A_115 = arith.constant 9984 : i32
        %dma_wait3A_116 = arith.constant 0 : i32
        %dma_wait3A_117 = tpu.memref_slice %arg2[%arg0, %dma_wait3A_115, %dma_wait3A_116] : memref<2x10000x64xf32, #tpu.memory_space<hbm>> -> memref<1x16x64xf32, #tpu.memory_space<hbm>>
        %dma_wait3A_118 = tpu.memref_squeeze %dma_wait3A_117 : memref<1x16x64xf32, #tpu.memory_space<hbm>> -> memref<16x64xf32, #tpu.memory_space<hbm>>
        tpu.wait_dma2 semaphore(%run_scoped3A_105 : memref<!tpu.dma_semaphore, #tpu.memory_space<semaphore_mem>>) src(%dma_wait3A_118 : memref<16x64xf32, #tpu.memory_space<hbm>>) dst(%dma_wait3A_114 : memref<16x64xf32, #tpu.memory_space<vmem_shared>>)
        tpu.yield
      }) : () -> ()
    } else {
    }
    %barrier3A = arith.constant 0 : index
    tpu.barrier barrier_id(%barrier3A)
    %add3A_17 = arith.constant 0 : i32
    %add3A_18 = arith.addi %add3A, %add3A_17 : i32
    %dma_start3A = arith.constant 1 : i32
    %dma_start3A_19 = arith.constant 0 : i32
    %dma_start3A_20 = arith.constant 0 : i32
    %dma_start3A_21 = tpu.memref_slice %arg7[%dma_start3A_19, %dma_start3A_20] : memref<3x128xi32, #tpu.memory_space<vmem>> -> memref<1x128xi32, #tpu.memory_space<vmem>>
    %dma_start3A_22 = tpu.memref_squeeze %dma_start3A_21 : memref<1x128xi32, #tpu.memory_space<vmem>> -> memref<128xi32, #tpu.memory_space<vmem>>
    %dma_start3A_23 = arith.constant 0 : i32
    %dma_start3A_24 = tpu.memref_slice %arg3[%dma_start3A, %add3A_18, %dma_start3A_23] : memref<2x2500x128xi32, #tpu.memory_space<hbm>> -> memref<1x1x128xi32, #tpu.memory_space<hbm>>
    %dma_start3A_25 = tpu.memref_squeeze %dma_start3A_24 : memref<1x1x128xi32, #tpu.memory_space<hbm>> -> memref<128xi32, #tpu.memory_space<hbm>>
    %dma_start3A_26 = arith.constant 0 : i32
    %dma_start3A_27 = tpu.memref_slice %arg7[%dma_start3A_19, %dma_start3A_26] : memref<3x128xi32, #tpu.memory_space<vmem>> -> memref<1x128xi32, #tpu.memory_space<vmem>>
    %dma_start3A_28 = tpu.memref_squeeze %dma_start3A_27 : memref<1x128xi32, #tpu.memory_space<vmem>> -> memref<128xi32, #tpu.memory_space<vmem>>
    %dma_start3A_29 = arith.constant 0 : i32
    %dma_start3A_30 = tpu.memref_slice %arg3[%dma_start3A, %add3A_18, %dma_start3A_29] : memref<2x2500x128xi32, #tpu.memory_space<hbm>> -> memref<1x1x128xi32, #tpu.memory_space<hbm>>
    %dma_start3A_31 = tpu.memref_squeeze %dma_start3A_30 : memref<1x1x128xi32, #tpu.memory_space<hbm>> -> memref<128xi32, #tpu.memory_space<hbm>>
    tpu.enqueue_dma source(%dma_start3A_31 : memref<128xi32, #tpu.memory_space<hbm>>) target(%dma_start3A_28 : memref<128xi32, #tpu.memory_space<vmem>>) target_semaphore(%arg16 : memref<!tpu.dma_semaphore, #tpu.memory_space<semaphore_mem>>)
    %dma_start3A_32 = arith.constant 0 : i32
    %dma_start3A_33 = arith.constant 0 : i32
    %dma_start3A_34 = tpu.memref_slice %arg6[%dma_start3A_32, %dma_start3A_33] : memref<157x128xi32, #tpu.memory_space<vmem>> -> memref<1x128xi32, #tpu.memory_space<vmem>>
    %dma_start3A_35 = tpu.memref_squeeze %dma_start3A_34 : memref<1x128xi32, #tpu.memory_space<vmem>> -> memref<128xi32, #tpu.memory_space<vmem>>
    %dma_start3A_36 = arith.constant 0 : i32
    %dma_start3A_37 = arith.constant 0 : i32
    %dma_start3A_38 = tpu.memref_slice %arg11[%dma_start3A_36, %dma_start3A_37] : memref<10000x64xf32, #tpu.memory_space<vmem_shared>> -> memref<10000x64xf32, #tpu.memory_space<vmem_shared>>
    tpu.enqueue_indirect_dma source(%dma_start3A_38 : memref<10000x64xf32, #tpu.memory_space<vmem_shared>>) target(%arg8 : memref<128x64xf32, #tpu.memory_space<vmem>>) offsets(%dma_start3A_35 : memref<128xi32, #tpu.memory_space<vmem>>) semaphore(%arg13 : memref<!tpu.dma_semaphore, #tpu.memory_space<semaphore_mem>>)
    %add3A_39 = arith.constant 1 : i32
    %add3A_40 = arith.addi %add3A, %add3A_39 : i32
    %dma_start3A_41 = arith.constant 1 : i32
    %dma_start3A_42 = arith.constant 1 : i32
    %dma_start3A_43 = arith.constant 0 : i32
    %dma_start3A_44 = tpu.memref_slice %arg7[%dma_start3A_42, %dma_start3A_43] : memref<3x128xi32, #tpu.memory_space<vmem>> -> memref<1x128xi32, #tpu.memory_space<vmem>>
    %dma_start3A_45 = tpu.memref_squeeze %dma_start3A_44 : memref<1x128xi32, #tpu.memory_space<vmem>> -> memref<128xi32, #tpu.memory_space<vmem>>
    %dma_start3A_46 = arith.constant 0 : i32
    %dma_start3A_47 = tpu.memref_slice %arg3[%dma_start3A_41, %add3A_40, %dma_start3A_46] : memref<2x2500x128xi32, #tpu.memory_space<hbm>> -> memref<1x1x128xi32, #tpu.memory_space<hbm>>
    %dma_start3A_48 = tpu.memref_squeeze %dma_start3A_47 : memref<1x1x128xi32, #tpu.memory_space<hbm>> -> memref<128xi32, #tpu.memory_space<hbm>>
    %dma_start3A_49 = arith.constant 0 : i32
    %dma_start3A_50 = tpu.memref_slice %arg7[%dma_start3A_42, %dma_start3A_49] : memref<3x128xi32, #tpu.memory_space<vmem>> -> memref<1x128xi32, #tpu.memory_space<vmem>>
    %dma_start3A_51 = tpu.memref_squeeze %dma_start3A_50 : memref<1x128xi32, #tpu.memory_space<vmem>> -> memref<128xi32, #tpu.memory_space<vmem>>
    %dma_start3A_52 = arith.constant 0 : i32
    %dma_start3A_53 = tpu.memref_slice %arg3[%dma_start3A_41, %add3A_40, %dma_start3A_52] : memref<2x2500x128xi32, #tpu.memory_space<hbm>> -> memref<1x1x128xi32, #tpu.memory_space<hbm>>
    %dma_start3A_54 = tpu.memref_squeeze %dma_start3A_53 : memref<1x1x128xi32, #tpu.memory_space<hbm>> -> memref<128xi32, #tpu.memory_space<hbm>>
    tpu.enqueue_dma source(%dma_start3A_54 : memref<128xi32, #tpu.memory_space<hbm>>) target(%dma_start3A_51 : memref<128xi32, #tpu.memory_space<vmem>>) target_semaphore(%arg17 : memref<!tpu.dma_semaphore, #tpu.memory_space<semaphore_mem>>)
    %dma_start3A_55 = arith.constant 1 : i32
    %dma_start3A_56 = arith.constant 0 : i32
    %dma_start3A_57 = tpu.memref_slice %arg6[%dma_start3A_55, %dma_start3A_56] : memref<157x128xi32, #tpu.memory_space<vmem>> -> memref<1x128xi32, #tpu.memory_space<vmem>>
    %dma_start3A_58 = tpu.memref_squeeze %dma_start3A_57 : memref<1x128xi32, #tpu.memory_space<vmem>> -> memref<128xi32, #tpu.memory_space<vmem>>
    %dma_start3A_59 = arith.constant 0 : i32
    %dma_start3A_60 = arith.constant 0 : i32
    %dma_start3A_61 = tpu.memref_slice %arg11[%dma_start3A_59, %dma_start3A_60] : memref<10000x64xf32, #tpu.memory_space<vmem_shared>> -> memref<10000x64xf32, #tpu.memory_space<vmem_shared>>
    tpu.enqueue_indirect_dma source(%dma_start3A_61 : memref<10000x64xf32, #tpu.memory_space<vmem_shared>>) target(%arg9 : memref<128x64xf32, #tpu.memory_space<vmem>>) offsets(%dma_start3A_58 : memref<128xi32, #tpu.memory_space<vmem>>) semaphore(%arg14 : memref<!tpu.dma_semaphore, #tpu.memory_space<semaphore_mem>>)
    %add3A_62 = arith.constant 2 : i32
    %add3A_63 = arith.addi %add3A, %add3A_62 : i32
    %dma_start3A_64 = arith.constant 1 : i32
    %dma_start3A_65 = arith.constant 2 : i32
    %dma_start3A_66 = arith.constant 0 : i32
    %dma_start3A_67 = tpu.memref_slice %arg7[%dma_start3A_65, %dma_start3A_66] : memref<3x128xi32, #tpu.memory_space<vmem>> -> memref<1x128xi32, #tpu.memory_space<vmem>>
    %dma_start3A_68 = tpu.memref_squeeze %dma_start3A_67 : memref<1x128xi32, #tpu.memory_space<vmem>> -> memref<128xi32, #tpu.memory_space<vmem>>
    %dma_start3A_69 = arith.constant 0 : i32
    %dma_start3A_70 = tpu.memref_slice %arg3[%dma_start3A_64, %add3A_63, %dma_start3A_69] : memref<2x2500x128xi32, #tpu.memory_space<hbm>> -> memref<1x1x128xi32, #tpu.memory_space<hbm>>
    %dma_start3A_71 = tpu.memref_squeeze %dma_start3A_70 : memref<1x1x128xi32, #tpu.memory_space<hbm>> -> memref<128xi32, #tpu.memory_space<hbm>>
    %dma_start3A_72 = arith.constant 0 : i32
    %dma_start3A_73 = tpu.memref_slice %arg7[%dma_start3A_65, %dma_start3A_72] : memref<3x128xi32, #tpu.memory_space<vmem>> -> memref<1x128xi32, #tpu.memory_space<vmem>>
    %dma_start3A_74 = tpu.memref_squeeze %dma_start3A_73 : memref<1x128xi32, #tpu.memory_space<vmem>> -> memref<128xi32, #tpu.memory_space<vmem>>
    %dma_start3A_75 = arith.constant 0 : i32
    %dma_start3A_76 = tpu.memref_slice %arg3[%dma_start3A_64, %add3A_63, %dma_start3A_75] : memref<2x2500x128xi32, #tpu.memory_space<hbm>> -> memref<1x1x128xi32, #tpu.memory_space<hbm>>
    %dma_start3A_77 = tpu.memref_squeeze %dma_start3A_76 : memref<1x1x128xi32, #tpu.memory_space<hbm>> -> memref<128xi32, #tpu.memory_space<hbm>>
    tpu.enqueue_dma source(%dma_start3A_77 : memref<128xi32, #tpu.memory_space<hbm>>) target(%dma_start3A_74 : memref<128xi32, #tpu.memory_space<vmem>>) target_semaphore(%arg18 : memref<!tpu.dma_semaphore, #tpu.memory_space<semaphore_mem>>)
    %dma_start3A_78 = arith.constant 2 : i32
    %dma_start3A_79 = arith.constant 0 : i32
    %dma_start3A_80 = tpu.memref_slice %arg6[%dma_start3A_78, %dma_start3A_79] : memref<157x128xi32, #tpu.memory_space<vmem>> -> memref<1x128xi32, #tpu.memory_space<vmem>>
    %dma_start3A_81 = tpu.memref_squeeze %dma_start3A_80 : memref<1x128xi32, #tpu.memory_space<vmem>> -> memref<128xi32, #tpu.memory_space<vmem>>
    %dma_start3A_82 = arith.constant 0 : i32
    %dma_start3A_83 = arith.constant 0 : i32
    %dma_start3A_84 = tpu.memref_slice %arg11[%dma_start3A_82, %dma_start3A_83] : memref<10000x64xf32, #tpu.memory_space<vmem_shared>> -> memref<10000x64xf32, #tpu.memory_space<vmem_shared>>
    tpu.enqueue_indirect_dma source(%dma_start3A_84 : memref<10000x64xf32, #tpu.memory_space<vmem_shared>>) target(%arg10 : memref<128x64xf32, #tpu.memory_space<vmem>>) offsets(%dma_start3A_81 : memref<128xi32, #tpu.memory_space<vmem>>) semaphore(%arg15 : memref<!tpu.dma_semaphore, #tpu.memory_space<semaphore_mem>>)
    %scan3A = arith.constant 0 : i32
    %scan3A_85 = arith.constant 0 : i32
    %scan3A_86 = arith.constant 52 : i32
    %scan3A_87 = arith.addi %scan3A_85, %scan3A_86 : i32
    %scan3A_88 = arith.constant 1 : i32
    scf.for %scan3A_105 = %scan3A_85 to %scan3A_87 step %scan3A_88  : i32 {
      %mul3A_106 = arith.constant 3 : i32
      %mul3A_107 = arith.muli %scan3A_105, %mul3A_106 : i32
      %add3A_108 = arith.constant 0 : i32
      %add3A_109 = arith.addi %mul3A_107, %add3A_108 : i32
      %dma_wait3A = arith.constant 0 : i32
      %dma_wait3A_110 = tpu.memref_slice %arg6[%add3A_109, %dma_wait3A] : memref<157x128xi32, #tpu.memory_space<vmem>> -> memref<1x128xi32, #tpu.memory_space<vmem>>
      %dma_wait3A_111 = tpu.memref_squeeze %dma_wait3A_110 : memref<1x128xi32, #tpu.memory_space<vmem>> -> memref<128xi32, #tpu.memory_space<vmem>>
      %dma_wait3A_112 = arith.constant 0 : i32
      %dma_wait3A_113 = arith.constant 0 : i32
      %dma_wait3A_114 = tpu.memref_slice %arg11[%dma_wait3A_112, %dma_wait3A_113] : memref<10000x64xf32, #tpu.memory_space<vmem_shared>> -> memref<10000x64xf32, #tpu.memory_space<vmem_shared>>
      tpu.wait_indirect_dma semaphore(%arg13 : memref<!tpu.dma_semaphore, #tpu.memory_space<semaphore_mem>>) src(%dma_wait3A_114 : memref<10000x64xf32, #tpu.memory_space<vmem_shared>>) dst(%arg8 : memref<128x64xf32, #tpu.memory_space<vmem>>)
      %add3A_115 = arith.addi %add3A, %add3A_109 : i32
      %dma_wait3A_116 = arith.constant 1 : i32
      %dma_wait3A_117 = arith.constant 0 : i32
      %dma_wait3A_118 = arith.constant 0 : i32
      %dma_wait3A_119 = tpu.memref_slice %arg7[%dma_wait3A_117, %dma_wait3A_118] : memref<3x128xi32, #tpu.memory_space<vmem>> -> memref<1x128xi32, #tpu.memory_space<vmem>>
      %dma_wait3A_120 = tpu.memref_squeeze %dma_wait3A_119 : memref<1x128xi32, #tpu.memory_space<vmem>> -> memref<128xi32, #tpu.memory_space<vmem>>
      %dma_wait3A_121 = arith.constant 0 : i32
      %dma_wait3A_122 = tpu.memref_slice %arg3[%dma_wait3A_116, %add3A_115, %dma_wait3A_121] : memref<2x2500x128xi32, #tpu.memory_space<hbm>> -> memref<1x1x128xi32, #tpu.memory_space<hbm>>
      %dma_wait3A_123 = tpu.memref_squeeze %dma_wait3A_122 : memref<1x1x128xi32, #tpu.memory_space<hbm>> -> memref<128xi32, #tpu.memory_space<hbm>>
      %dma_wait3A_124 = arith.constant 0 : i32
      %dma_wait3A_125 = tpu.memref_slice %arg7[%dma_wait3A_117, %dma_wait3A_124] : memref<3x128xi32, #tpu.memory_space<vmem>> -> memref<1x128xi32, #tpu.memory_space<vmem>>
      %dma_wait3A_126 = tpu.memref_squeeze %dma_wait3A_125 : memref<1x128xi32, #tpu.memory_space<vmem>> -> memref<128xi32, #tpu.memory_space<vmem>>
      %dma_wait3A_127 = arith.constant 0 : i32
      %dma_wait3A_128 = tpu.memref_slice %arg3[%dma_wait3A_116, %add3A_115, %dma_wait3A_127] : memref<2x2500x128xi32, #tpu.memory_space<hbm>> -> memref<1x1x128xi32, #tpu.memory_space<hbm>>
      %dma_wait3A_129 = tpu.memref_squeeze %dma_wait3A_128 : memref<1x1x128xi32, #tpu.memory_space<hbm>> -> memref<128xi32, #tpu.memory_space<hbm>>
      tpu.wait_dma2 semaphore(%arg16 : memref<!tpu.dma_semaphore, #tpu.memory_space<semaphore_mem>>) src(%dma_wait3A_129 : memref<128xi32, #tpu.memory_space<hbm>>) dst(%dma_wait3A_126 : memref<128xi32, #tpu.memory_space<vmem>>)
      %run_scoped3A_130 = arith.constant 0 : i32
      "tpu.region"() ({
        %run_scoped3A_199 = tpu.sem_alloc : memref<!tpu.dma_semaphore, #tpu.memory_space<semaphore_mem>>
        %dma_start3A_200 = arith.constant 0 : i32
        %dma_start3A_201 = tpu.memref_slice %arg7[%run_scoped3A_130, %dma_start3A_200] : memref<3x128xi32, #tpu.memory_space<vmem>> -> memref<1x128xi32, #tpu.memory_space<vmem>>
        %dma_start3A_202 = tpu.memref_squeeze %dma_start3A_201 : memref<1x128xi32, #tpu.memory_space<vmem>> -> memref<128xi32, #tpu.memory_space<vmem>>
        %dma_start3A_203 = arith.constant 0 : i32
        %dma_start3A_204 = arith.constant 0 : i32
        %dma_start3A_205 = tpu.memref_slice %arg12[%dma_start3A_203, %dma_start3A_204] : memref<10112x64xf32, #tpu.memory_space<vmem_shared>> -> memref<10112x64xf32, #tpu.memory_space<vmem_shared>>
        tpu.enqueue_indirect_dma source(%arg8 : memref<128x64xf32, #tpu.memory_space<vmem>>) target(%dma_start3A_205 : memref<10112x64xf32, #tpu.memory_space<vmem_shared>>) offsets(%dma_start3A_202 : memref<128xi32, #tpu.memory_space<vmem>>) semaphore(%run_scoped3A_199 : memref<!tpu.dma_semaphore, #tpu.memory_space<semaphore_mem>>) {add = true}
        %dma_wait3A_206 = arith.constant 0 : i32
        %dma_wait3A_207 = tpu.memref_slice %arg7[%run_scoped3A_130, %dma_wait3A_206] : memref<3x128xi32, #tpu.memory_space<vmem>> -> memref<1x128xi32, #tpu.memory_space<vmem>>
        %dma_wait3A_208 = tpu.memref_squeeze %dma_wait3A_207 : memref<1x128xi32, #tpu.memory_space<vmem>> -> memref<128xi32, #tpu.memory_space<vmem>>
        %dma_wait3A_209 = arith.constant 0 : i32
        %dma_wait3A_210 = arith.constant 0 : i32
        %dma_wait3A_211 = tpu.memref_slice %arg12[%dma_wait3A_209, %dma_wait3A_210] : memref<10112x64xf32, #tpu.memory_space<vmem_shared>> -> memref<10112x64xf32, #tpu.memory_space<vmem_shared>>
        tpu.wait_indirect_dma semaphore(%run_scoped3A_199 : memref<!tpu.dma_semaphore, #tpu.memory_space<semaphore_mem>>) src(%arg8 : memref<128x64xf32, #tpu.memory_space<vmem>>) dst(%dma_wait3A_211 : memref<10112x64xf32, #tpu.memory_space<vmem_shared>>)
        tpu.yield
      }) : () -> ()
      %add3A_131 = arith.constant 3 : i32
      %add3A_132 = arith.addi %add3A_109, %add3A_131 : i32
      %lt3A = arith.constant 156 : i32
      %lt3A_133 = arith.cmpi slt, %add3A_132, %lt3A : i32
      %convert_element_type3A_134 = arith.extui %lt3A_133 : i1 to i32
      %cond3A_135 = arith.constant 0 : i32
      %cond3A_136 = arith.cmpi ne, %convert_element_type3A_134, %cond3A_135 : i32
      scf.if %cond3A_136 {
        %add3A_199 = arith.addi %add3A, %add3A_132 : i32
        %dma_start3A_200 = arith.constant 1 : i32
        %dma_start3A_201 = arith.constant 0 : i32
        %dma_start3A_202 = arith.constant 0 : i32
        %dma_start3A_203 = tpu.memref_slice %arg7[%dma_start3A_201, %dma_start3A_202] : memref<3x128xi32, #tpu.memory_space<vmem>> -> memref<1x128xi32, #tpu.memory_space<vmem>>
        %dma_start3A_204 = tpu.memref_squeeze %dma_start3A_203 : memref<1x128xi32, #tpu.memory_space<vmem>> -> memref<128xi32, #tpu.memory_space<vmem>>
        %dma_start3A_205 = arith.constant 0 : i32
        %dma_start3A_206 = tpu.memref_slice %arg3[%dma_start3A_200, %add3A_199, %dma_start3A_205] : memref<2x2500x128xi32, #tpu.memory_space<hbm>> -> memref<1x1x128xi32, #tpu.memory_space<hbm>>
        %dma_start3A_207 = tpu.memref_squeeze %dma_start3A_206 : memref<1x1x128xi32, #tpu.memory_space<hbm>> -> memref<128xi32, #tpu.memory_space<hbm>>
        %dma_start3A_208 = arith.constant 0 : i32
        %dma_start3A_209 = tpu.memref_slice %arg7[%dma_start3A_201, %dma_start3A_208] : memref<3x128xi32, #tpu.memory_space<vmem>> -> memref<1x128xi32, #tpu.memory_space<vmem>>
        %dma_start3A_210 = tpu.memref_squeeze %dma_start3A_209 : memref<1x128xi32, #tpu.memory_space<vmem>> -> memref<128xi32, #tpu.memory_space<vmem>>
        %dma_start3A_211 = arith.constant 0 : i32
        %dma_start3A_212 = tpu.memref_slice %arg3[%dma_start3A_200, %add3A_199, %dma_start3A_211] : memref<2x2500x128xi32, #tpu.memory_space<hbm>> -> memref<1x1x128xi32, #tpu.memory_space<hbm>>
        %dma_start3A_213 = tpu.memref_squeeze %dma_start3A_212 : memref<1x1x128xi32, #tpu.memory_space<hbm>> -> memref<128xi32, #tpu.memory_space<hbm>>
        tpu.enqueue_dma source(%dma_start3A_213 : memref<128xi32, #tpu.memory_space<hbm>>) target(%dma_start3A_210 : memref<128xi32, #tpu.memory_space<vmem>>) target_semaphore(%arg16 : memref<!tpu.dma_semaphore, #tpu.memory_space<semaphore_mem>>)
        %dma_start3A_214 = arith.constant 0 : i32
        %dma_start3A_215 = tpu.memref_slice %arg6[%add3A_132, %dma_start3A_214] : memref<157x128xi32, #tpu.memory_space<vmem>> -> memref<1x128xi32, #tpu.memory_space<vmem>>
        %dma_start3A_216 = tpu.memref_squeeze %dma_start3A_215 : memref<1x128xi32, #tpu.memory_space<vmem>> -> memref<128xi32, #tpu.memory_space<vmem>>
        %dma_start3A_217 = arith.constant 0 : i32
        %dma_start3A_218 = arith.constant 0 : i32
        %dma_start3A_219 = tpu.memref_slice %arg11[%dma_start3A_217, %dma_start3A_218] : memref<10000x64xf32, #tpu.memory_space<vmem_shared>> -> memref<10000x64xf32, #tpu.memory_space<vmem_shared>>
        tpu.enqueue_indirect_dma source(%dma_start3A_219 : memref<10000x64xf32, #tpu.memory_space<vmem_shared>>) target(%arg8 : memref<128x64xf32, #tpu.memory_space<vmem>>) offsets(%dma_start3A_216 : memref<128xi32, #tpu.memory_space<vmem>>) semaphore(%arg13 : memref<!tpu.dma_semaphore, #tpu.memory_space<semaphore_mem>>)
      } else {
      }
      %add3A_137 = arith.constant 1 : i32
      %add3A_138 = arith.addi %mul3A_107, %add3A_137 : i32
      %dma_wait3A_139 = arith.constant 0 : i32
      %dma_wait3A_140 = tpu.memref_slice %arg6[%add3A_138, %dma_wait3A_139] : memref<157x128xi32, #tpu.memory_space<vmem>> -> memref<1x128xi32, #tpu.memory_space<vmem>>
      %dma_wait3A_141 = tpu.memref_squeeze %dma_wait3A_140 : memref<1x128xi32, #tpu.memory_space<vmem>> -> memref<128xi32, #tpu.memory_space<vmem>>
      %dma_wait3A_142 = arith.constant 0 : i32
      %dma_wait3A_143 = arith.constant 0 : i32
      %dma_wait3A_144 = tpu.memref_slice %arg11[%dma_wait3A_142, %dma_wait3A_143] : memref<10000x64xf32, #tpu.memory_space<vmem_shared>> -> memref<10000x64xf32, #tpu.memory_space<vmem_shared>>
      tpu.wait_indirect_dma semaphore(%arg14 : memref<!tpu.dma_semaphore, #tpu.memory_space<semaphore_mem>>) src(%dma_wait3A_144 : memref<10000x64xf32, #tpu.memory_space<vmem_shared>>) dst(%arg9 : memref<128x64xf32, #tpu.memory_space<vmem>>)
      %add3A_145 = arith.addi %add3A, %add3A_138 : i32
      %dma_wait3A_146 = arith.constant 1 : i32
      %dma_wait3A_147 = arith.constant 1 : i32
      %dma_wait3A_148 = arith.constant 0 : i32
      %dma_wait3A_149 = tpu.memref_slice %arg7[%dma_wait3A_147, %dma_wait3A_148] : memref<3x128xi32, #tpu.memory_space<vmem>> -> memref<1x128xi32, #tpu.memory_space<vmem>>
      %dma_wait3A_150 = tpu.memref_squeeze %dma_wait3A_149 : memref<1x128xi32, #tpu.memory_space<vmem>> -> memref<128xi32, #tpu.memory_space<vmem>>
      %dma_wait3A_151 = arith.constant 0 : i32
      %dma_wait3A_152 = tpu.memref_slice %arg3[%dma_wait3A_146, %add3A_145, %dma_wait3A_151] : memref<2x2500x128xi32, #tpu.memory_space<hbm>> -> memref<1x1x128xi32, #tpu.memory_space<hbm>>
      %dma_wait3A_153 = tpu.memref_squeeze %dma_wait3A_152 : memref<1x1x128xi32, #tpu.memory_space<hbm>> -> memref<128xi32, #tpu.memory_space<hbm>>
      %dma_wait3A_154 = arith.constant 0 : i32
      %dma_wait3A_155 = tpu.memref_slice %arg7[%dma_wait3A_147, %dma_wait3A_154] : memref<3x128xi32, #tpu.memory_space<vmem>> -> memref<1x128xi32, #tpu.memory_space<vmem>>
      %dma_wait3A_156 = tpu.memref_squeeze %dma_wait3A_155 : memref<1x128xi32, #tpu.memory_space<vmem>> -> memref<128xi32, #tpu.memory_space<vmem>>
      %dma_wait3A_157 = arith.constant 0 : i32
      %dma_wait3A_158 = tpu.memref_slice %arg3[%dma_wait3A_146, %add3A_145, %dma_wait3A_157] : memref<2x2500x128xi32, #tpu.memory_space<hbm>> -> memref<1x1x128xi32, #tpu.memory_space<hbm>>
      %dma_wait3A_159 = tpu.memref_squeeze %dma_wait3A_158 : memref<1x1x128xi32, #tpu.memory_space<hbm>> -> memref<128xi32, #tpu.memory_space<hbm>>
      tpu.wait_dma2 semaphore(%arg17 : memref<!tpu.dma_semaphore, #tpu.memory_space<semaphore_mem>>) src(%dma_wait3A_159 : memref<128xi32, #tpu.memory_space<hbm>>) dst(%dma_wait3A_156 : memref<128xi32, #tpu.memory_space<vmem>>)
      %run_scoped3A_160 = arith.constant 1 : i32
      "tpu.region"() ({
        %run_scoped3A_199 = tpu.sem_alloc : memref<!tpu.dma_semaphore, #tpu.memory_space<semaphore_mem>>
        %dma_start3A_200 = arith.constant 0 : i32
        %dma_start3A_201 = tpu.memref_slice %arg7[%run_scoped3A_160, %dma_start3A_200] : memref<3x128xi32, #tpu.memory_space<vmem>> -> memref<1x128xi32, #tpu.memory_space<vmem>>
        %dma_start3A_202 = tpu.memref_squeeze %dma_start3A_201 : memref<1x128xi32, #tpu.memory_space<vmem>> -> memref<128xi32, #tpu.memory_space<vmem>>
        %dma_start3A_203 = arith.constant 0 : i32
        %dma_start3A_204 = arith.constant 0 : i32
        %dma_start3A_205 = tpu.memref_slice %arg12[%dma_start3A_203, %dma_start3A_204] : memref<10112x64xf32, #tpu.memory_space<vmem_shared>> -> memref<10112x64xf32, #tpu.memory_space<vmem_shared>>
        tpu.enqueue_indirect_dma source(%arg9 : memref<128x64xf32, #tpu.memory_space<vmem>>) target(%dma_start3A_205 : memref<10112x64xf32, #tpu.memory_space<vmem_shared>>) offsets(%dma_start3A_202 : memref<128xi32, #tpu.memory_space<vmem>>) semaphore(%run_scoped3A_199 : memref<!tpu.dma_semaphore, #tpu.memory_space<semaphore_mem>>) {add = true}
        %dma_wait3A_206 = arith.constant 0 : i32
        %dma_wait3A_207 = tpu.memref_slice %arg7[%run_scoped3A_160, %dma_wait3A_206] : memref<3x128xi32, #tpu.memory_space<vmem>> -> memref<1x128xi32, #tpu.memory_space<vmem>>
        %dma_wait3A_208 = tpu.memref_squeeze %dma_wait3A_207 : memref<1x128xi32, #tpu.memory_space<vmem>> -> memref<128xi32, #tpu.memory_space<vmem>>
        %dma_wait3A_209 = arith.constant 0 : i32
        %dma_wait3A_210 = arith.constant 0 : i32
        %dma_wait3A_211 = tpu.memref_slice %arg12[%dma_wait3A_209, %dma_wait3A_210] : memref<10112x64xf32, #tpu.memory_space<vmem_shared>> -> memref<10112x64xf32, #tpu.memory_space<vmem_shared>>
        tpu.wait_indirect_dma semaphore(%run_scoped3A_199 : memref<!tpu.dma_semaphore, #tpu.memory_space<semaphore_mem>>) src(%arg9 : memref<128x64xf32, #tpu.memory_space<vmem>>) dst(%dma_wait3A_211 : memref<10112x64xf32, #tpu.memory_space<vmem_shared>>)
        tpu.yield
      }) : () -> ()
      %add3A_161 = arith.constant 3 : i32
      %add3A_162 = arith.addi %add3A_138, %add3A_161 : i32
      %lt3A_163 = arith.constant 156 : i32
      %lt3A_164 = arith.cmpi slt, %add3A_162, %lt3A_163 : i32
      %convert_element_type3A_165 = arith.extui %lt3A_164 : i1 to i32
      %cond3A_166 = arith.constant 0 : i32
      %cond3A_167 = arith.cmpi ne, %convert_element_type3A_165, %cond3A_166 : i32
      scf.if %cond3A_167 {
        %add3A_199 = arith.addi %add3A, %add3A_162 : i32
        %dma_start3A_200 = arith.constant 1 : i32
        %dma_start3A_201 = arith.constant 1 : i32
        %dma_start3A_202 = arith.constant 0 : i32
        %dma_start3A_203 = tpu.memref_slice %arg7[%dma_start3A_201, %dma_start3A_202] : memref<3x128xi32, #tpu.memory_space<vmem>> -> memref<1x128xi32, #tpu.memory_space<vmem>>
        %dma_start3A_204 = tpu.memref_squeeze %dma_start3A_203 : memref<1x128xi32, #tpu.memory_space<vmem>> -> memref<128xi32, #tpu.memory_space<vmem>>
        %dma_start3A_205 = arith.constant 0 : i32
        %dma_start3A_206 = tpu.memref_slice %arg3[%dma_start3A_200, %add3A_199, %dma_start3A_205] : memref<2x2500x128xi32, #tpu.memory_space<hbm>> -> memref<1x1x128xi32, #tpu.memory_space<hbm>>
        %dma_start3A_207 = tpu.memref_squeeze %dma_start3A_206 : memref<1x1x128xi32, #tpu.memory_space<hbm>> -> memref<128xi32, #tpu.memory_space<hbm>>
        %dma_start3A_208 = arith.constant 0 : i32
        %dma_start3A_209 = tpu.memref_slice %arg7[%dma_start3A_201, %dma_start3A_208] : memref<3x128xi32, #tpu.memory_space<vmem>> -> memref<1x128xi32, #tpu.memory_space<vmem>>
        %dma_start3A_210 = tpu.memref_squeeze %dma_start3A_209 : memref<1x128xi32, #tpu.memory_space<vmem>> -> memref<128xi32, #tpu.memory_space<vmem>>
        %dma_start3A_211 = arith.constant 0 : i32
        %dma_start3A_212 = tpu.memref_slice %arg3[%dma_start3A_200, %add3A_199, %dma_start3A_211] : memref<2x2500x128xi32, #tpu.memory_space<hbm>> -> memref<1x1x128xi32, #tpu.memory_space<hbm>>
        %dma_start3A_213 = tpu.memref_squeeze %dma_start3A_212 : memref<1x1x128xi32, #tpu.memory_space<hbm>> -> memref<128xi32, #tpu.memory_space<hbm>>
        tpu.enqueue_dma source(%dma_start3A_213 : memref<128xi32, #tpu.memory_space<hbm>>) target(%dma_start3A_210 : memref<128xi32, #tpu.memory_space<vmem>>) target_semaphore(%arg17 : memref<!tpu.dma_semaphore, #tpu.memory_space<semaphore_mem>>)
        %dma_start3A_214 = arith.constant 0 : i32
        %dma_start3A_215 = tpu.memref_slice %arg6[%add3A_162, %dma_start3A_214] : memref<157x128xi32, #tpu.memory_space<vmem>> -> memref<1x128xi32, #tpu.memory_space<vmem>>
        %dma_start3A_216 = tpu.memref_squeeze %dma_start3A_215 : memref<1x128xi32, #tpu.memory_space<vmem>> -> memref<128xi32, #tpu.memory_space<vmem>>
        %dma_start3A_217 = arith.constant 0 : i32
        %dma_start3A_218 = arith.constant 0 : i32
        %dma_start3A_219 = tpu.memref_slice %arg11[%dma_start3A_217, %dma_start3A_218] : memref<10000x64xf32, #tpu.memory_space<vmem_shared>> -> memref<10000x64xf32, #tpu.memory_space<vmem_shared>>
        tpu.enqueue_indirect_dma source(%dma_start3A_219 : memref<10000x64xf32, #tpu.memory_space<vmem_shared>>) target(%arg9 : memref<128x64xf32, #tpu.memory_space<vmem>>) offsets(%dma_start3A_216 : memref<128xi32, #tpu.memory_space<vmem>>) semaphore(%arg14 : memref<!tpu.dma_semaphore, #tpu.memory_space<semaphore_mem>>)
      } else {
      }
      %add3A_168 = arith.constant 2 : i32
      %add3A_169 = arith.addi %mul3A_107, %add3A_168 : i32
      %dma_wait3A_170 = arith.constant 0 : i32
      %dma_wait3A_171 = tpu.memref_slice %arg6[%add3A_169, %dma_wait3A_170] : memref<157x128xi32, #tpu.memory_space<vmem>> -> memref<1x128xi32, #tpu.memory_space<vmem>>
      %dma_wait3A_172 = tpu.memref_squeeze %dma_wait3A_171 : memref<1x128xi32, #tpu.memory_space<vmem>> -> memref<128xi32, #tpu.memory_space<vmem>>
      %dma_wait3A_173 = arith.constant 0 : i32
      %dma_wait3A_174 = arith.constant 0 : i32
      %dma_wait3A_175 = tpu.memref_slice %arg11[%dma_wait3A_173, %dma_wait3A_174] : memref<10000x64xf32, #tpu.memory_space<vmem_shared>> -> memref<10000x64xf32, #tpu.memory_space<vmem_shared>>
      tpu.wait_indirect_dma semaphore(%arg15 : memref<!tpu.dma_semaphore, #tpu.memory_space<semaphore_mem>>) src(%dma_wait3A_175 : memref<10000x64xf32, #tpu.memory_space<vmem_shared>>) dst(%arg10 : memref<128x64xf32, #tpu.memory_space<vmem>>)
      %add3A_176 = arith.addi %add3A, %add3A_169 : i32
      %dma_wait3A_177 = arith.constant 1 : i32
      %dma_wait3A_178 = arith.constant 2 : i32
      %dma_wait3A_179 = arith.constant 0 : i32
      %dma_wait3A_180 = tpu.memref_slice %arg7[%dma_wait3A_178, %dma_wait3A_179] : memref<3x128xi32, #tpu.memory_space<vmem>> -> memref<1x128xi32, #tpu.memory_space<vmem>>
      %dma_wait3A_181 = tpu.memref_squeeze %dma_wait3A_180 : memref<1x128xi32, #tpu.memory_space<vmem>> -> memref<128xi32, #tpu.memory_space<vmem>>
      %dma_wait3A_182 = arith.constant 0 : i32
      %dma_wait3A_183 = tpu.memref_slice %arg3[%dma_wait3A_177, %add3A_176, %dma_wait3A_182] : memref<2x2500x128xi32, #tpu.memory_space<hbm>> -> memref<1x1x128xi32, #tpu.memory_space<hbm>>
      %dma_wait3A_184 = tpu.memref_squeeze %dma_wait3A_183 : memref<1x1x128xi32, #tpu.memory_space<hbm>> -> memref<128xi32, #tpu.memory_space<hbm>>
      %dma_wait3A_185 = arith.constant 0 : i32
      %dma_wait3A_186 = tpu.memref_slice %arg7[%dma_wait3A_178, %dma_wait3A_185] : memref<3x128xi32, #tpu.memory_space<vmem>> -> memref<1x128xi32, #tpu.memory_space<vmem>>
      %dma_wait3A_187 = tpu.memref_squeeze %dma_wait3A_186 : memref<1x128xi32, #tpu.memory_space<vmem>> -> memref<128xi32, #tpu.memory_space<vmem>>
      %dma_wait3A_188 = arith.constant 0 : i32
      %dma_wait3A_189 = tpu.memref_slice %arg3[%dma_wait3A_177, %add3A_176, %dma_wait3A_188] : memref<2x2500x128xi32, #tpu.memory_space<hbm>> -> memref<1x1x128xi32, #tpu.memory_space<hbm>>
      %dma_wait3A_190 = tpu.memref_squeeze %dma_wait3A_189 : memref<1x1x128xi32, #tpu.memory_space<hbm>> -> memref<128xi32, #tpu.memory_space<hbm>>
      tpu.wait_dma2 semaphore(%arg18 : memref<!tpu.dma_semaphore, #tpu.memory_space<semaphore_mem>>) src(%dma_wait3A_190 : memref<128xi32, #tpu.memory_space<hbm>>) dst(%dma_wait3A_187 : memref<128xi32, #tpu.memory_space<vmem>>)
      %run_scoped3A_191 = arith.constant 2 : i32
      "tpu.region"() ({
        %run_scoped3A_199 = tpu.sem_alloc : memref<!tpu.dma_semaphore, #tpu.memory_space<semaphore_mem>>
        %dma_start3A_200 = arith.constant 0 : i32
        %dma_start3A_201 = tpu.memref_slice %arg7[%run_scoped3A_191, %dma_start3A_200] : memref<3x128xi32, #tpu.memory_space<vmem>> -> memref<1x128xi32, #tpu.memory_space<vmem>>
        %dma_start3A_202 = tpu.memref_squeeze %dma_start3A_201 : memref<1x128xi32, #tpu.memory_space<vmem>> -> memref<128xi32, #tpu.memory_space<vmem>>
        %dma_start3A_203 = arith.constant 0 : i32
        %dma_start3A_204 = arith.constant 0 : i32
        %dma_start3A_205 = tpu.memref_slice %arg12[%dma_start3A_203, %dma_start3A_204] : memref<10112x64xf32, #tpu.memory_space<vmem_shared>> -> memref<10112x64xf32, #tpu.memory_space<vmem_shared>>
        tpu.enqueue_indirect_dma source(%arg10 : memref<128x64xf32, #tpu.memory_space<vmem>>) target(%dma_start3A_205 : memref<10112x64xf32, #tpu.memory_space<vmem_shared>>) offsets(%dma_start3A_202 : memref<128xi32, #tpu.memory_space<vmem>>) semaphore(%run_scoped3A_199 : memref<!tpu.dma_semaphore, #tpu.memory_space<semaphore_mem>>) {add = true}
        %dma_wait3A_206 = arith.constant 0 : i32
        %dma_wait3A_207 = tpu.memref_slice %arg7[%run_scoped3A_191, %dma_wait3A_206] : memref<3x128xi32, #tpu.memory_space<vmem>> -> memref<1x128xi32, #tpu.memory_space<vmem>>
        %dma_wait3A_208 = tpu.memref_squeeze %dma_wait3A_207 : memref<1x128xi32, #tpu.memory_space<vmem>> -> memref<128xi32, #tpu.memory_space<vmem>>
        %dma_wait3A_209 = arith.constant 0 : i32
        %dma_wait3A_210 = arith.constant 0 : i32
        %dma_wait3A_211 = tpu.memref_slice %arg12[%dma_wait3A_209, %dma_wait3A_210] : memref<10112x64xf32, #tpu.memory_space<vmem_shared>> -> memref<10112x64xf32, #tpu.memory_space<vmem_shared>>
        tpu.wait_indirect_dma semaphore(%run_scoped3A_199 : memref<!tpu.dma_semaphore, #tpu.memory_space<semaphore_mem>>) src(%arg10 : memref<128x64xf32, #tpu.memory_space<vmem>>) dst(%dma_wait3A_211 : memref<10112x64xf32, #tpu.memory_space<vmem_shared>>)
        tpu.yield
      }) : () -> ()
      %add3A_192 = arith.constant 3 : i32
      %add3A_193 = arith.addi %add3A_169, %add3A_192 : i32
      %lt3A_194 = arith.constant 156 : i32
      %lt3A_195 = arith.cmpi slt, %add3A_193, %lt3A_194 : i32
      %convert_element_type3A_196 = arith.extui %lt3A_195 : i1 to i32
      %cond3A_197 = arith.constant 0 : i32
      %cond3A_198 = arith.cmpi ne, %convert_element_type3A_196, %cond3A_197 : i32
      scf.if %cond3A_198 {
        %add3A_199 = arith.addi %add3A, %add3A_193 : i32
        %dma_start3A_200 = arith.constant 1 : i32
        %dma_start3A_201 = arith.constant 2 : i32
        %dma_start3A_202 = arith.constant 0 : i32
        %dma_start3A_203 = tpu.memref_slice %arg7[%dma_start3A_201, %dma_start3A_202] : memref<3x128xi32, #tpu.memory_space<vmem>> -> memref<1x128xi32, #tpu.memory_space<vmem>>
        %dma_start3A_204 = tpu.memref_squeeze %dma_start3A_203 : memref<1x128xi32, #tpu.memory_space<vmem>> -> memref<128xi32, #tpu.memory_space<vmem>>
        %dma_start3A_205 = arith.constant 0 : i32
        %dma_start3A_206 = tpu.memref_slice %arg3[%dma_start3A_200, %add3A_199, %dma_start3A_205] : memref<2x2500x128xi32, #tpu.memory_space<hbm>> -> memref<1x1x128xi32, #tpu.memory_space<hbm>>
        %dma_start3A_207 = tpu.memref_squeeze %dma_start3A_206 : memref<1x1x128xi32, #tpu.memory_space<hbm>> -> memref<128xi32, #tpu.memory_space<hbm>>
        %dma_start3A_208 = arith.constant 0 : i32
        %dma_start3A_209 = tpu.memref_slice %arg7[%dma_start3A_201, %dma_start3A_208] : memref<3x128xi32, #tpu.memory_space<vmem>> -> memref<1x128xi32, #tpu.memory_space<vmem>>
        %dma_start3A_210 = tpu.memref_squeeze %dma_start3A_209 : memref<1x128xi32, #tpu.memory_space<vmem>> -> memref<128xi32, #tpu.memory_space<vmem>>
        %dma_start3A_211 = arith.constant 0 : i32
        %dma_start3A_212 = tpu.memref_slice %arg3[%dma_start3A_200, %add3A_199, %dma_start3A_211] : memref<2x2500x128xi32, #tpu.memory_space<hbm>> -> memref<1x1x128xi32, #tpu.memory_space<hbm>>
        %dma_start3A_213 = tpu.memref_squeeze %dma_start3A_212 : memref<1x1x128xi32, #tpu.memory_space<hbm>> -> memref<128xi32, #tpu.memory_space<hbm>>
        tpu.enqueue_dma source(%dma_start3A_213 : memref<128xi32, #tpu.memory_space<hbm>>) target(%dma_start3A_210 : memref<128xi32, #tpu.memory_space<vmem>>) target_semaphore(%arg18 : memref<!tpu.dma_semaphore, #tpu.memory_space<semaphore_mem>>)
        %dma_start3A_214 = arith.constant 0 : i32
        %dma_start3A_215 = tpu.memref_slice %arg6[%add3A_193, %dma_start3A_214] : memref<157x128xi32, #tpu.memory_space<vmem>> -> memref<1x128xi32, #tpu.memory_space<vmem>>
        %dma_start3A_216 = tpu.memref_squeeze %dma_start3A_215 : memref<1x128xi32, #tpu.memory_space<vmem>> -> memref<128xi32, #tpu.memory_space<vmem>>
        %dma_start3A_217 = arith.constant 0 : i32
        %dma_start3A_218 = arith.constant 0 : i32
        %dma_start3A_219 = tpu.memref_slice %arg11[%dma_start3A_217, %dma_start3A_218] : memref<10000x64xf32, #tpu.memory_space<vmem_shared>> -> memref<10000x64xf32, #tpu.memory_space<vmem_shared>>
        tpu.enqueue_indirect_dma source(%dma_start3A_219 : memref<10000x64xf32, #tpu.memory_space<vmem_shared>>) target(%arg10 : memref<128x64xf32, #tpu.memory_space<vmem>>) offsets(%dma_start3A_216 : memref<128xi32, #tpu.memory_space<vmem>>) semaphore(%arg15 : memref<!tpu.dma_semaphore, #tpu.memory_space<semaphore_mem>>)
      } else {
      }
    }
    %scan3A_89 = arith.constant 52 : i32
    %ge3A_90 = arith.constant 12 : i32
    %ge3A_91 = arith.cmpi sge, %arg1, %ge3A_90 : i32
    %convert_element_type3A_92 = arith.extui %ge3A_91 : i1 to i32
    %cond3A_93 = arith.constant 0 : i32
    %cond3A_94 = arith.cmpi ne, %convert_element_type3A_92, %cond3A_93 : i32
    scf.if %cond3A_94 {
      %add3A_105 = arith.constant 156 : i32
      %add3A_106 = arith.addi %add3A, %add3A_105 : i32
      %dma_start3A_107 = arith.constant 1 : i32
      %dma_start3A_108 = arith.constant 0 : i32
      %dma_start3A_109 = arith.constant 0 : i32
      %dma_start3A_110 = tpu.memref_slice %arg7[%dma_start3A_108, %dma_start3A_109] : memref<3x128xi32, #tpu.memory_space<vmem>> -> memref<1x128xi32, #tpu.memory_space<vmem>>
      %dma_start3A_111 = tpu.memref_squeeze %dma_start3A_110 : memref<1x128xi32, #tpu.memory_space<vmem>> -> memref<128xi32, #tpu.memory_space<vmem>>
      %dma_start3A_112 = arith.constant 0 : i32
      %dma_start3A_113 = tpu.memref_slice %arg3[%dma_start3A_107, %add3A_106, %dma_start3A_112] : memref<2x2500x128xi32, #tpu.memory_space<hbm>> -> memref<1x1x128xi32, #tpu.memory_space<hbm>>
      %dma_start3A_114 = tpu.memref_squeeze %dma_start3A_113 : memref<1x1x128xi32, #tpu.memory_space<hbm>> -> memref<128xi32, #tpu.memory_space<hbm>>
      %dma_start3A_115 = arith.constant 0 : i32
      %dma_start3A_116 = tpu.memref_slice %arg7[%dma_start3A_108, %dma_start3A_115] : memref<3x128xi32, #tpu.memory_space<vmem>> -> memref<1x128xi32, #tpu.memory_space<vmem>>
      %dma_start3A_117 = tpu.memref_squeeze %dma_start3A_116 : memref<1x128xi32, #tpu.memory_space<vmem>> -> memref<128xi32, #tpu.memory_space<vmem>>
      %dma_start3A_118 = arith.constant 0 : i32
      %dma_start3A_119 = tpu.memref_slice %arg3[%dma_start3A_107, %add3A_106, %dma_start3A_118] : memref<2x2500x128xi32, #tpu.memory_space<hbm>> -> memref<1x1x128xi32, #tpu.memory_space<hbm>>
      %dma_start3A_120 = tpu.memref_squeeze %dma_start3A_119 : memref<1x1x128xi32, #tpu.memory_space<hbm>> -> memref<128xi32, #tpu.memory_space<hbm>>
      tpu.enqueue_dma source(%dma_start3A_120 : memref<128xi32, #tpu.memory_space<hbm>>) target(%dma_start3A_117 : memref<128xi32, #tpu.memory_space<vmem>>) target_semaphore(%arg16 : memref<!tpu.dma_semaphore, #tpu.memory_space<semaphore_mem>>)
      %dma_wait3A = arith.constant 1 : i32
      %dma_wait3A_121 = arith.constant 0 : i32
      %dma_wait3A_122 = arith.constant 0 : i32
      %dma_wait3A_123 = tpu.memref_slice %arg7[%dma_wait3A_121, %dma_wait3A_122] : memref<3x128xi32, #tpu.memory_space<vmem>> -> memref<1x128xi32, #tpu.memory_space<vmem>>
      %dma_wait3A_124 = tpu.memref_squeeze %dma_wait3A_123 : memref<1x128xi32, #tpu.memory_space<vmem>> -> memref<128xi32, #tpu.memory_space<vmem>>
      %dma_wait3A_125 = arith.constant 0 : i32
      %dma_wait3A_126 = tpu.memref_slice %arg3[%dma_wait3A, %add3A_106, %dma_wait3A_125] : memref<2x2500x128xi32, #tpu.memory_space<hbm>> -> memref<1x1x128xi32, #tpu.memory_space<hbm>>
      %dma_wait3A_127 = tpu.memref_squeeze %dma_wait3A_126 : memref<1x1x128xi32, #tpu.memory_space<hbm>> -> memref<128xi32, #tpu.memory_space<hbm>>
      %dma_wait3A_128 = arith.constant 0 : i32
      %dma_wait3A_129 = tpu.memref_slice %arg7[%dma_wait3A_121, %dma_wait3A_128] : memref<3x128xi32, #tpu.memory_space<vmem>> -> memref<1x128xi32, #tpu.memory_space<vmem>>
      %dma_wait3A_130 = tpu.memref_squeeze %dma_wait3A_129 : memref<1x128xi32, #tpu.memory_space<vmem>> -> memref<128xi32, #tpu.memory_space<vmem>>
      %dma_wait3A_131 = arith.constant 0 : i32
      %dma_wait3A_132 = tpu.memref_slice %arg3[%dma_wait3A, %add3A_106, %dma_wait3A_131] : memref<2x2500x128xi32, #tpu.memory_space<hbm>> -> memref<1x1x128xi32, #tpu.memory_space<hbm>>
      %dma_wait3A_133 = tpu.memref_squeeze %dma_wait3A_132 : memref<1x1x128xi32, #tpu.memory_space<hbm>> -> memref<128xi32, #tpu.memory_space<hbm>>
      tpu.wait_dma2 semaphore(%arg16 : memref<!tpu.dma_semaphore, #tpu.memory_space<semaphore_mem>>) src(%dma_wait3A_133 : memref<128xi32, #tpu.memory_space<hbm>>) dst(%dma_wait3A_130 : memref<128xi32, #tpu.memory_space<vmem>>)
      %dma_start3A_134 = arith.constant 156 : i32
      %dma_start3A_135 = arith.constant 0 : i32
      %dma_start3A_136 = tpu.memref_slice %arg6[%dma_start3A_134, %dma_start3A_135] : memref<157x128xi32, #tpu.memory_space<vmem>> -> memref<1x128xi32, #tpu.memory_space<vmem>>
      %dma_start3A_137 = tpu.memref_squeeze %dma_start3A_136 : memref<1x128xi32, #tpu.memory_space<vmem>> -> memref<128xi32, #tpu.memory_space<vmem>>
      %dma_start3A_138 = arith.constant 0 : i32
      %dma_start3A_139 = arith.constant 0 : i32
      %dma_start3A_140 = tpu.memref_slice %arg11[%dma_start3A_138, %dma_start3A_139] : memref<10000x64xf32, #tpu.memory_space<vmem_shared>> -> memref<10000x64xf32, #tpu.memory_space<vmem_shared>>
      tpu.enqueue_indirect_dma source(%dma_start3A_140 : memref<10000x64xf32, #tpu.memory_space<vmem_shared>>) target(%arg8 : memref<128x64xf32, #tpu.memory_space<vmem>>) offsets(%dma_start3A_137 : memref<128xi32, #tpu.memory_space<vmem>>) semaphore(%arg13 : memref<!tpu.dma_semaphore, #tpu.memory_space<semaphore_mem>>)
      %dma_wait3A_141 = arith.constant 156 : i32
      %dma_wait3A_142 = arith.constant 0 : i32
      %dma_wait3A_143 = tpu.memref_slice %arg6[%dma_wait3A_141, %dma_wait3A_142] : memref<157x128xi32, #tpu.memory_space<vmem>> -> memref<1x128xi32, #tpu.memory_space<vmem>>
      %dma_wait3A_144 = tpu.memref_squeeze %dma_wait3A_143 : memref<1x128xi32, #tpu.memory_space<vmem>> -> memref<128xi32, #tpu.memory_space<vmem>>
      %dma_wait3A_145 = arith.constant 0 : i32
      %dma_wait3A_146 = arith.constant 0 : i32
      %dma_wait3A_147 = tpu.memref_slice %arg11[%dma_wait3A_145, %dma_wait3A_146] : memref<10000x64xf32, #tpu.memory_space<vmem_shared>> -> memref<10000x64xf32, #tpu.memory_space<vmem_shared>>
      tpu.wait_indirect_dma semaphore(%arg13 : memref<!tpu.dma_semaphore, #tpu.memory_space<semaphore_mem>>) src(%dma_wait3A_147 : memref<10000x64xf32, #tpu.memory_space<vmem_shared>>) dst(%arg8 : memref<128x64xf32, #tpu.memory_space<vmem>>)
      %run_scoped3A_148 = arith.constant 0 : i32
      "tpu.region"() ({
        %run_scoped3A_149 = tpu.sem_alloc : memref<!tpu.dma_semaphore, #tpu.memory_space<semaphore_mem>>
        %dma_start3A_150 = arith.constant 0 : i32
        %dma_start3A_151 = tpu.memref_slice %arg7[%run_scoped3A_148, %dma_start3A_150] : memref<3x128xi32, #tpu.memory_space<vmem>> -> memref<1x128xi32, #tpu.memory_space<vmem>>
        %dma_start3A_152 = tpu.memref_squeeze %dma_start3A_151 : memref<1x128xi32, #tpu.memory_space<vmem>> -> memref<128xi32, #tpu.memory_space<vmem>>
        %dma_start3A_153 = arith.constant 0 : i32
        %dma_start3A_154 = arith.constant 0 : i32
        %dma_start3A_155 = tpu.memref_slice %arg12[%dma_start3A_153, %dma_start3A_154] : memref<10112x64xf32, #tpu.memory_space<vmem_shared>> -> memref<10112x64xf32, #tpu.memory_space<vmem_shared>>
        tpu.enqueue_indirect_dma source(%arg8 : memref<128x64xf32, #tpu.memory_space<vmem>>) target(%dma_start3A_155 : memref<10112x64xf32, #tpu.memory_space<vmem_shared>>) offsets(%dma_start3A_152 : memref<128xi32, #tpu.memory_space<vmem>>) semaphore(%run_scoped3A_149 : memref<!tpu.dma_semaphore, #tpu.memory_space<semaphore_mem>>) {add = true}
        %dma_wait3A_156 = arith.constant 0 : i32
        %dma_wait3A_157 = tpu.memref_slice %arg7[%run_scoped3A_148, %dma_wait3A_156] : memref<3x128xi32, #tpu.memory_space<vmem>> -> memref<1x128xi32, #tpu.memory_space<vmem>>
        %dma_wait3A_158 = tpu.memref_squeeze %dma_wait3A_157 : memref<1x128xi32, #tpu.memory_space<vmem>> -> memref<128xi32, #tpu.memory_space<vmem>>
        %dma_wait3A_159 = arith.constant 0 : i32
        %dma_wait3A_160 = arith.constant 0 : i32
        %dma_wait3A_161 = tpu.memref_slice %arg12[%dma_wait3A_159, %dma_wait3A_160] : memref<10112x64xf32, #tpu.memory_space<vmem_shared>> -> memref<10112x64xf32, #tpu.memory_space<vmem_shared>>
        tpu.wait_indirect_dma semaphore(%run_scoped3A_149 : memref<!tpu.dma_semaphore, #tpu.memory_space<semaphore_mem>>) src(%arg8 : memref<128x64xf32, #tpu.memory_space<vmem>>) dst(%dma_wait3A_161 : memref<10112x64xf32, #tpu.memory_space<vmem_shared>>)
        tpu.yield
      }) : () -> ()
    } else {
    }
    %barrier3A_95 = arith.constant 0 : index
    tpu.barrier barrier_id(%barrier3A_95)
    %mul3A_96 = arith.constant 624 : i32
    %mul3A_97 = arith.muli %arg1, %mul3A_96 : i32
    %mul3A_98 = arith.constant 624 : i32
    %mul3A_99 = arith.muli %arg1, %mul3A_98 : i32
    "tpu.region"() ({
      %run_scoped3A_105 = tpu.sem_alloc : memref<!tpu.dma_semaphore, #tpu.memory_space<semaphore_mem>>
      %dma_start3A_106 = arith.constant 0 : i32
      %dma_start3A_107 = tpu.memref_slice %arg5[%arg0, %mul3A_99, %dma_start3A_106] : memref<2x10000x64xf32, #tpu.memory_space<hbm>> -> memref<1x624x64xf32, #tpu.memory_space<hbm>>
      %dma_start3A_108 = tpu.memref_squeeze %dma_start3A_107 : memref<1x624x64xf32, #tpu.memory_space<hbm>> -> memref<624x64xf32, #tpu.memory_space<hbm>>
      %dma_start3A_109 = arith.constant 0 : i32
      %dma_start3A_110 = tpu.memref_slice %arg12[%mul3A_97, %dma_start3A_109] : memref<10112x64xf32, #tpu.memory_space<vmem_shared>> -> memref<624x64xf32, #tpu.memory_space<vmem_shared>>
      tpu.enqueue_dma source(%dma_start3A_110 : memref<624x64xf32, #tpu.memory_space<vmem_shared>>) target(%dma_start3A_108 : memref<624x64xf32, #tpu.memory_space<hbm>>) target_semaphore(%run_scoped3A_105 : memref<!tpu.dma_semaphore, #tpu.memory_space<semaphore_mem>>)
      %dma_wait3A = arith.constant 0 : i32
      %dma_wait3A_111 = tpu.memref_slice %arg5[%arg0, %mul3A_99, %dma_wait3A] : memref<2x10000x64xf32, #tpu.memory_space<hbm>> -> memref<1x624x64xf32, #tpu.memory_space<hbm>>
      %dma_wait3A_112 = tpu.memref_squeeze %dma_wait3A_111 : memref<1x624x64xf32, #tpu.memory_space<hbm>> -> memref<624x64xf32, #tpu.memory_space<hbm>>
      %dma_wait3A_113 = arith.constant 0 : i32
      %dma_wait3A_114 = tpu.memref_slice %arg12[%mul3A_97, %dma_wait3A_113] : memref<10112x64xf32, #tpu.memory_space<vmem_shared>> -> memref<624x64xf32, #tpu.memory_space<vmem_shared>>
      tpu.wait_dma2 semaphore(%run_scoped3A_105 : memref<!tpu.dma_semaphore, #tpu.memory_space<semaphore_mem>>) src(%dma_wait3A_114 : memref<624x64xf32, #tpu.memory_space<vmem_shared>>) dst(%dma_wait3A_112 : memref<624x64xf32, #tpu.memory_space<hbm>>)
      tpu.yield
    }) : () -> ()
    %eq3A_100 = arith.constant 0 : i32
    %eq3A_101 = arith.cmpi eq, %arg1, %eq3A_100 : i32
    %convert_element_type3A_102 = arith.extui %eq3A_101 : i1 to i32
    %cond3A_103 = arith.constant 0 : i32
    %cond3A_104 = arith.cmpi ne, %convert_element_type3A_102, %cond3A_103 : i32
    scf.if %cond3A_104 {
      "tpu.region"() ({
        %run_scoped3A_105 = tpu.sem_alloc : memref<!tpu.dma_semaphore, #tpu.memory_space<semaphore_mem>>
        %dma_start3A_106 = arith.constant 9984 : i32
        %dma_start3A_107 = arith.constant 0 : i32
        %dma_start3A_108 = tpu.memref_slice %arg5[%arg0, %dma_start3A_106, %dma_start3A_107] : memref<2x10000x64xf32, #tpu.memory_space<hbm>> -> memref<1x16x64xf32, #tpu.memory_space<hbm>>
        %dma_start3A_109 = tpu.memref_squeeze %dma_start3A_108 : memref<1x16x64xf32, #tpu.memory_space<hbm>> -> memref<16x64xf32, #tpu.memory_space<hbm>>
        %dma_start3A_110 = arith.constant 9984 : i32
        %dma_start3A_111 = arith.constant 0 : i32
        %dma_start3A_112 = tpu.memref_slice %arg12[%dma_start3A_110, %dma_start3A_111] : memref<10112x64xf32, #tpu.memory_space<vmem_shared>> -> memref<16x64xf32, #tpu.memory_space<vmem_shared>>
        tpu.enqueue_dma source(%dma_start3A_112 : memref<16x64xf32, #tpu.memory_space<vmem_shared>>) target(%dma_start3A_109 : memref<16x64xf32, #tpu.memory_space<hbm>>) target_semaphore(%run_scoped3A_105 : memref<!tpu.dma_semaphore, #tpu.memory_space<semaphore_mem>>)
        %dma_wait3A = arith.constant 9984 : i32
        %dma_wait3A_113 = arith.constant 0 : i32
        %dma_wait3A_114 = tpu.memref_slice %arg5[%arg0, %dma_wait3A, %dma_wait3A_113] : memref<2x10000x64xf32, #tpu.memory_space<hbm>> -> memref<1x16x64xf32, #tpu.memory_space<hbm>>
        %dma_wait3A_115 = tpu.memref_squeeze %dma_wait3A_114 : memref<1x16x64xf32, #tpu.memory_space<hbm>> -> memref<16x64xf32, #tpu.memory_space<hbm>>
        %dma_wait3A_116 = arith.constant 9984 : i32
        %dma_wait3A_117 = arith.constant 0 : i32
        %dma_wait3A_118 = tpu.memref_slice %arg12[%dma_wait3A_116, %dma_wait3A_117] : memref<10112x64xf32, #tpu.memory_space<vmem_shared>> -> memref<16x64xf32, #tpu.memory_space<vmem_shared>>
        tpu.wait_dma2 semaphore(%run_scoped3A_105 : memref<!tpu.dma_semaphore, #tpu.memory_space<semaphore_mem>>) src(%dma_wait3A_118 : memref<16x64xf32, #tpu.memory_space<vmem_shared>>) dst(%dma_wait3A_115 : memref<16x64xf32, #tpu.memory_space<hbm>>)
        tpu.yield
      }) : () -> ()
    } else {
    }
    return
  }
}

module attributes {stable_mosaic.version = 14 : i64} {
  func.func @_tc_lin0_body(%arg0: memref<10000x128xf32, #tpu.memory_space<vmem>>, %arg1: memref<128x16xf32, #tpu.memory_space<vmem>>, %arg2: memref<16xf32, #tpu.memory_space<vmem>>, %arg3: memref<10000x16xf32, #tpu.memory_space<vmem>>) attributes {dimension_semantics = [], scalar_prefetch = 0 : i64, scratch_operands = 0 : i64, tpu.core_type = #tpu.core_type<tc>} {
    %get3A = arith.constant 0 : index
    %get3A_0 = arith.constant 0 : index
    %get3A_1 = vector.load %arg0[%get3A, %get3A_0] : memref<10000x128xf32, #tpu.memory_space<vmem>>, vector<10000x128xf32>
    %get3A_2 = arith.constant 0 : index
    %get3A_3 = arith.constant 0 : index
    %get3A_4 = vector.load %arg1[%get3A_2, %get3A_3] : memref<128x16xf32, #tpu.memory_space<vmem>>, vector<128x16xf32>
    %dot_general3A = arith.constant dense<0.000000e+00> : vector<10000x16xf32>
    %dot_general3A_5 = tpu.matmul %get3A_1, %get3A_4, %dot_general3A {dimension_numbers = #tpu.dot_dimension_numbers<[1], [0], [0], [1], [0, 0, 1, 1], [], []>, transpose_lhs_hint = false} : vector<10000x128xf32>, vector<128x16xf32>, vector<10000x16xf32> -> vector<10000x16xf32>
    %get3A_6 = arith.constant 0 : index
    %get3A_7 = vector.load %arg2[%get3A_6] : memref<16xf32, #tpu.memory_space<vmem>>, vector<16xf32>
    %broadcast_in_dim3A = vector.shape_cast %get3A_7 : vector<16xf32> to vector<1x16xf32>
    %add3A = vector.broadcast %broadcast_in_dim3A : vector<1x16xf32> to vector<10000x16xf32>
    %add3A_8 = arith.addf %dot_general3A_5, %add3A : vector<10000x16xf32>
    %swap3A = arith.constant 0 : index
    %swap3A_9 = arith.constant 0 : index
    %swap3A_10 = vector.load %arg3[%swap3A, %swap3A_9] : memref<10000x16xf32, #tpu.memory_space<vmem>>, vector<10000x16xf32>
    tpu.vector_store %arg3[%swap3A, %swap3A_9], %add3A_8 {strides = array<i32>} : memref<10000x16xf32, #tpu.memory_space<vmem>>, vector<10000x16xf32>,
    return
  }
}

module attributes {stable_mosaic.version = 14 : i64} {
  func.func @_tc_mid_body(%arg0: memref<2x10000x16xf32, #tpu.memory_space<vmem>>, %arg1: memref<2x10000x16xf32, #tpu.memory_space<vmem>>, %arg2: memref<10000x16xf32, #tpu.memory_space<vmem>>, %arg3: memref<16x128xf32, #tpu.memory_space<vmem>>, %arg4: memref<16x128xf32, #tpu.memory_space<vmem>>, %arg5: memref<128xf32, #tpu.memory_space<vmem>>, %arg6: memref<2x10000x64xf32, #tpu.memory_space<vmem>>, %arg7: memref<10000x1xf32, #tpu.memory_space<vmem>>) attributes {dimension_semantics = [], scalar_prefetch = 0 : i64, scratch_operands = 0 : i64, tpu.core_type = #tpu.core_type<tc>} {
    %get3A = arith.constant 0 : index
    %get3A_0 = arith.constant 0 : index
    %get3A_1 = arith.constant 0 : index
    %get3A_2 = vector.load %arg1[%get3A, %get3A_0, %get3A_1] : memref<2x10000x16xf32, #tpu.memory_space<vmem>>, vector<1x10000x16xf32>
    %get3A_3 = vector.shape_cast %get3A_2 : vector<1x10000x16xf32> to vector<10000x16xf32>
    %slice3A = vector.extract_strided_slice %get3A_3 {offsets = [0, 0], sizes = [10000, 1], strides = [1, 1]} : vector<10000x16xf32> to vector<10000x1xf32>
    %get3A_4 = arith.constant 1 : index
    %get3A_5 = arith.constant 0 : index
    %get3A_6 = arith.constant 0 : index
    %get3A_7 = vector.load %arg1[%get3A_4, %get3A_5, %get3A_6] : memref<2x10000x16xf32, #tpu.memory_space<vmem>>, vector<1x10000x16xf32>
    %get3A_8 = vector.shape_cast %get3A_7 : vector<1x10000x16xf32> to vector<10000x16xf32>
    %slice3A_9 = vector.extract_strided_slice %get3A_8 {offsets = [0, 0], sizes = [10000, 1], strides = [1, 1]} : vector<10000x16xf32> to vector<10000x1xf32>
    %add3A = arith.addf %slice3A, %slice3A_9 : vector<10000x1xf32>
    %max3A = arith.constant 1.000000e+00 : f32
    %max3A_10 = vector.broadcast %max3A : f32 to vector<10000x1xf32>
    %max3A_11 = arith.maximumf %add3A, %max3A_10 : vector<10000x1xf32>
    %get3A_12 = arith.constant 0 : index
    %get3A_13 = arith.constant 0 : index
    %get3A_14 = arith.constant 0 : index
    %get3A_15 = vector.load %arg0[%get3A_12, %get3A_13, %get3A_14] : memref<2x10000x16xf32, #tpu.memory_space<vmem>>, vector<1x10000x16xf32>
    %get3A_16 = vector.shape_cast %get3A_15 : vector<1x10000x16xf32> to vector<10000x16xf32>
    %get3A_17 = arith.constant 1 : index
    %get3A_18 = arith.constant 0 : index
    %get3A_19 = arith.constant 0 : index
    %get3A_20 = vector.load %arg0[%get3A_17, %get3A_18, %get3A_19] : memref<2x10000x16xf32, #tpu.memory_space<vmem>>, vector<1x10000x16xf32>
    %get3A_21 = vector.shape_cast %get3A_20 : vector<1x10000x16xf32> to vector<10000x16xf32>
    %add3A_22 = arith.addf %get3A_16, %get3A_21 : vector<10000x16xf32>
    %div3A = vector.broadcast %max3A_11 : vector<10000x1xf32> to vector<10000x16xf32>
    %div3A_23 = arith.divf %add3A_22, %div3A : vector<10000x16xf32>
    %get3A_24 = arith.constant 0 : index
    %get3A_25 = arith.constant 0 : index
    %get3A_26 = vector.load %arg3[%get3A_24, %get3A_25] : memref<16x128xf32, #tpu.memory_space<vmem>>, vector<16x128xf32>
    %dot_general3A = arith.constant dense<0.000000e+00> : vector<10000x128xf32>
    %dot_general3A_27 = tpu.matmul %div3A_23, %get3A_26, %dot_general3A {dimension_numbers = #tpu.dot_dimension_numbers<[1], [0], [0], [1], [0, 0, 1, 1], [], []>, transpose_lhs_hint = false} : vector<10000x16xf32>, vector<16x128xf32>, vector<10000x128xf32> -> vector<10000x128xf32>
    %get3A_28 = arith.constant 0 : index
    %get3A_29 = arith.constant 0 : index
    %get3A_30 = vector.load %arg2[%get3A_28, %get3A_29] : memref<10000x16xf32, #tpu.memory_space<vmem>>, vector<10000x16xf32>
    %get3A_31 = arith.constant 0 : index
    %get3A_32 = arith.constant 0 : index
    %get3A_33 = vector.load %arg4[%get3A_31, %get3A_32] : memref<16x128xf32, #tpu.memory_space<vmem>>, vector<16x128xf32>
    %dot_general3A_34 = arith.constant dense<0.000000e+00> : vector<10000x128xf32>
    %dot_general3A_35 = tpu.matmul %get3A_30, %get3A_33, %dot_general3A_34 {dimension_numbers = #tpu.dot_dimension_numbers<[1], [0], [0], [1], [0, 0, 1, 1], [], []>, transpose_lhs_hint = false} : vector<10000x16xf32>, vector<16x128xf32>, vector<10000x128xf32> -> vector<10000x128xf32>
    %add3A_36 = arith.addf %dot_general3A_27, %dot_general3A_35 : vector<10000x128xf32>
    %get3A_37 = arith.constant 0 : index
    %get3A_38 = vector.load %arg5[%get3A_37] : memref<128xf32, #tpu.memory_space<vmem>>, vector<128xf32>
    %broadcast_in_dim3A = vector.shape_cast %get3A_38 : vector<128xf32> to vector<1x128xf32>
    %add3A_39 = vector.broadcast %broadcast_in_dim3A : vector<1x128xf32> to vector<10000x128xf32>
    %add3A_40 = arith.addf %add3A_36, %add3A_39 : vector<10000x128xf32>
    %max3A_41 = arith.constant 0.000000e+00 : f32
    %max3A_42 = vector.broadcast %max3A_41 : f32 to vector<10000x128xf32>
    %max3A_43 = arith.maximumf %add3A_40, %max3A_42 : vector<10000x128xf32>
    %slice3A_44 = vector.extract_strided_slice %max3A_43 {offsets = [0, 0], sizes = [10000, 64], strides = [1, 1]} : vector<10000x128xf32> to vector<10000x64xf32>
    %swap3A = arith.constant 0 : index
    %swap3A_45 = arith.constant 0 : index
    %swap3A_46 = arith.constant 0 : index
    %swap3A_47 = vector.load %arg6[%swap3A, %swap3A_45, %swap3A_46] : memref<2x10000x64xf32, #tpu.memory_space<vmem>>, vector<1x10000x64xf32>
    %swap3A_48 = vector.shape_cast %swap3A_47 : vector<1x10000x64xf32> to vector<10000x64xf32>
    %swap3A_49 = vector.shape_cast %slice3A_44 : vector<10000x64xf32> to vector<1x10000x64xf32>
    tpu.vector_store %arg6[%swap3A, %swap3A_45, %swap3A_46], %swap3A_49 {strides = array<i32>} : memref<2x10000x64xf32, #tpu.memory_space<vmem>>, vector<1x10000x64xf32>,
    %slice3A_50 = vector.extract_strided_slice %max3A_43 {offsets = [0, 64], sizes = [10000, 64], strides = [1, 1]} : vector<10000x128xf32> to vector<10000x64xf32>
    %swap3A_51 = arith.constant 1 : index
    %swap3A_52 = arith.constant 0 : index
    %swap3A_53 = arith.constant 0 : index
    %swap3A_54 = vector.load %arg6[%swap3A_51, %swap3A_52, %swap3A_53] : memref<2x10000x64xf32, #tpu.memory_space<vmem>>, vector<1x10000x64xf32>
    %swap3A_55 = vector.shape_cast %swap3A_54 : vector<1x10000x64xf32> to vector<10000x64xf32>
    %swap3A_56 = vector.shape_cast %slice3A_50 : vector<10000x64xf32> to vector<1x10000x64xf32>
    tpu.vector_store %arg6[%swap3A_51, %swap3A_52, %swap3A_53], %swap3A_56 {strides = array<i32>} : memref<2x10000x64xf32, #tpu.memory_space<vmem>>, vector<1x10000x64xf32>,
    %swap3A_57 = arith.constant 0 : index
    %swap3A_58 = arith.constant 0 : index
    %swap3A_59 = vector.load %arg7[%swap3A_57, %swap3A_58] : memref<10000x1xf32, #tpu.memory_space<vmem>>, vector<10000x1xf32>
    tpu.vector_store %arg7[%swap3A_57, %swap3A_58], %max3A_11 {strides = array<i32>} : memref<10000x1xf32, #tpu.memory_space<vmem>>, vector<10000x1xf32>,
    return
  }
}

module attributes {stable_mosaic.version = 14 : i64} {
  func.func @_tc_out_body(%arg0: memref<2x10000x64xf32, #tpu.memory_space<vmem>>, %arg1: memref<10000x1xf32, #tpu.memory_space<vmem>>, %arg2: memref<2x10000x64xf32, #tpu.memory_space<vmem>>, %arg3: memref<128x128xf32, #tpu.memory_space<vmem>>, %arg4: memref<128x128xf32, #tpu.memory_space<vmem>>, %arg5: memref<128xf32, #tpu.memory_space<vmem>>, %arg6: memref<128xf32, #tpu.memory_space<vmem>>, %arg7: memref<128xf32, #tpu.memory_space<vmem>>, %arg8: memref<1xf32, #tpu.memory_space<vmem>>, %arg9: memref<10000xf32, #tpu.memory_space<vmem>>, %arg10: memref<10000xf32, #tpu.memory_space<vmem>>) attributes {dimension_semantics = [], scalar_prefetch = 0 : i64, scratch_operands = 0 : i64, tpu.core_type = #tpu.core_type<tc>} {
    %get3A = arith.constant 0 : index
    %get3A_0 = arith.constant 0 : index
    %get3A_1 = vector.load %arg1[%get3A, %get3A_0] : memref<10000x1xf32, #tpu.memory_space<vmem>>, vector<10000x1xf32>
    %get3A_2 = arith.constant 0 : index
    %get3A_3 = arith.constant 0 : index
    %get3A_4 = arith.constant 0 : index
    %get3A_5 = vector.load %arg0[%get3A_2, %get3A_3, %get3A_4] : memref<2x10000x64xf32, #tpu.memory_space<vmem>>, vector<1x10000x64xf32>
    %get3A_6 = vector.shape_cast %get3A_5 : vector<1x10000x64xf32> to vector<10000x64xf32>
    %div3A = vector.broadcast %get3A_1 : vector<10000x1xf32> to vector<10000x64xf32>
    %div3A_7 = arith.divf %get3A_6, %div3A : vector<10000x64xf32>
    %get3A_8 = arith.constant 0 : index
    %get3A_9 = arith.constant 0 : index
    %get3A_10 = vector.load %arg3[%get3A_8, %get3A_9] : memref<128x128xf32, #tpu.memory_space<vmem>>, vector<128x128xf32>
    %slice3A = vector.extract_strided_slice %get3A_10 {offsets = [0, 0], sizes = [64, 128], strides = [1, 1]} : vector<128x128xf32> to vector<64x128xf32>
    %dot_general3A = arith.constant dense<0.000000e+00> : vector<10000x128xf32>
    %dot_general3A_11 = tpu.matmul %div3A_7, %slice3A, %dot_general3A {dimension_numbers = #tpu.dot_dimension_numbers<[1], [0], [0], [1], [0, 0, 1, 1], [], []>, transpose_lhs_hint = false} : vector<10000x64xf32>, vector<64x128xf32>, vector<10000x128xf32> -> vector<10000x128xf32>
    %get3A_12 = arith.constant 1 : index
    %get3A_13 = arith.constant 0 : index
    %get3A_14 = arith.constant 0 : index
    %get3A_15 = vector.load %arg0[%get3A_12, %get3A_13, %get3A_14] : memref<2x10000x64xf32, #tpu.memory_space<vmem>>, vector<1x10000x64xf32>
    %get3A_16 = vector.shape_cast %get3A_15 : vector<1x10000x64xf32> to vector<10000x64xf32>
    %div3A_17 = vector.broadcast %get3A_1 : vector<10000x1xf32> to vector<10000x64xf32>
    %div3A_18 = arith.divf %get3A_16, %div3A_17 : vector<10000x64xf32>
    %get3A_19 = arith.constant 0 : index
    %get3A_20 = arith.constant 0 : index
    %get3A_21 = vector.load %arg3[%get3A_19, %get3A_20] : memref<128x128xf32, #tpu.memory_space<vmem>>, vector<128x128xf32>
    %slice3A_22 = vector.extract_strided_slice %get3A_21 {offsets = [64, 0], sizes = [64, 128], strides = [1, 1]} : vector<128x128xf32> to vector<64x128xf32>
    %dot_general3A_23 = arith.constant dense<0.000000e+00> : vector<10000x128xf32>
    %dot_general3A_24 = tpu.matmul %div3A_18, %slice3A_22, %dot_general3A_23 {dimension_numbers = #tpu.dot_dimension_numbers<[1], [0], [0], [1], [0, 0, 1, 1], [], []>, transpose_lhs_hint = false} : vector<10000x64xf32>, vector<64x128xf32>, vector<10000x128xf32> -> vector<10000x128xf32>
    %add3A = arith.addf %dot_general3A_11, %dot_general3A_24 : vector<10000x128xf32>
    %get3A_25 = arith.constant 0 : index
    %get3A_26 = arith.constant 0 : index
    %get3A_27 = arith.constant 0 : index
    %get3A_28 = vector.load %arg2[%get3A_25, %get3A_26, %get3A_27] : memref<2x10000x64xf32, #tpu.memory_space<vmem>>, vector<1x10000x64xf32>
    %get3A_29 = vector.shape_cast %get3A_28 : vector<1x10000x64xf32> to vector<10000x64xf32>
    %get3A_30 = arith.constant 0 : index
    %get3A_31 = arith.constant 0 : index
    %get3A_32 = vector.load %arg4[%get3A_30, %get3A_31] : memref<128x128xf32, #tpu.memory_space<vmem>>, vector<128x128xf32>
    %slice3A_33 = vector.extract_strided_slice %get3A_32 {offsets = [0, 0], sizes = [64, 128], strides = [1, 1]} : vector<128x128xf32> to vector<64x128xf32>
    %dot_general3A_34 = arith.constant dense<0.000000e+00> : vector<10000x128xf32>
    %dot_general3A_35 = tpu.matmul %get3A_29, %slice3A_33, %dot_general3A_34 {dimension_numbers = #tpu.dot_dimension_numbers<[1], [0], [0], [1], [0, 0, 1, 1], [], []>, transpose_lhs_hint = false} : vector<10000x64xf32>, vector<64x128xf32>, vector<10000x128xf32> -> vector<10000x128xf32>
    %add3A_36 = arith.addf %add3A, %dot_general3A_35 : vector<10000x128xf32>
    %get3A_37 = arith.constant 1 : index
    %get3A_38 = arith.constant 0 : index
    %get3A_39 = arith.constant 0 : index
    %get3A_40 = vector.load %arg2[%get3A_37, %get3A_38, %get3A_39] : memref<2x10000x64xf32, #tpu.memory_space<vmem>>, vector<1x10000x64xf32>
    %get3A_41 = vector.shape_cast %get3A_40 : vector<1x10000x64xf32> to vector<10000x64xf32>
    %get3A_42 = arith.constant 0 : index
    %get3A_43 = arith.constant 0 : index
    %get3A_44 = vector.load %arg4[%get3A_42, %get3A_43] : memref<128x128xf32, #tpu.memory_space<vmem>>, vector<128x128xf32>
    %slice3A_45 = vector.extract_strided_slice %get3A_44 {offsets = [64, 0], sizes = [64, 128], strides = [1, 1]} : vector<128x128xf32> to vector<64x128xf32>
    %dot_general3A_46 = arith.constant dense<0.000000e+00> : vector<10000x128xf32>
    %dot_general3A_47 = tpu.matmul %get3A_41, %slice3A_45, %dot_general3A_46 {dimension_numbers = #tpu.dot_dimension_numbers<[1], [0], [0], [1], [0, 0, 1, 1], [], []>, transpose_lhs_hint = false} : vector<10000x64xf32>, vector<64x128xf32>, vector<10000x128xf32> -> vector<10000x128xf32>
    %add3A_48 = arith.addf %add3A_36, %dot_general3A_47 : vector<10000x128xf32>
    %get3A_49 = arith.constant 0 : index
    %get3A_50 = vector.load %arg5[%get3A_49] : memref<128xf32, #tpu.memory_space<vmem>>, vector<128xf32>
    %broadcast_in_dim3A = vector.shape_cast %get3A_50 : vector<128xf32> to vector<1x128xf32>
    %add3A_51 = vector.broadcast %broadcast_in_dim3A : vector<1x128xf32> to vector<10000x128xf32>
    %add3A_52 = arith.addf %add3A_48, %add3A_51 : vector<10000x128xf32>
    %get3A_53 = arith.constant 0 : index
    %get3A_54 = vector.load %arg6[%get3A_53] : memref<128xf32, #tpu.memory_space<vmem>>, vector<128xf32>
    %broadcast_in_dim3A_55 = vector.shape_cast %get3A_54 : vector<128xf32> to vector<1x128xf32>
    %mul3A = vector.broadcast %broadcast_in_dim3A_55 : vector<1x128xf32> to vector<10000x128xf32>
    %mul3A_56 = arith.mulf %add3A_52, %mul3A : vector<10000x128xf32>
    %reduce_sum3A = arith.constant dense<0.000000e+00> : vector<10000xf32>
    %reduce_sum3A_57 = vector.multi_reduction <add>, %mul3A_56, %reduce_sum3A [1] : vector<10000x128xf32> to vector<10000xf32>
    %get3A_58 = arith.constant 0 : index
    %get3A_59 = vector.load %arg8[%get3A_58] : memref<1xf32, #tpu.memory_space<vmem>>, vector<1xf32>
    %add3A_60 = vector.broadcast %get3A_59 : vector<1xf32> to vector<10000xf32>
    %add3A_61 = arith.addf %reduce_sum3A_57, %add3A_60 : vector<10000xf32>
    %swap3A = arith.constant 0 : index
    %swap3A_62 = vector.load %arg9[%swap3A] : memref<10000xf32, #tpu.memory_space<vmem>>, vector<10000xf32>
    tpu.vector_store %arg9[%swap3A], %add3A_61 {strides = array<i32>} : memref<10000xf32, #tpu.memory_space<vmem>>, vector<10000xf32>,
    %get3A_63 = arith.constant 0 : index
    %get3A_64 = vector.load %arg7[%get3A_63] : memref<128xf32, #tpu.memory_space<vmem>>, vector<128xf32>
    %broadcast_in_dim3A_65 = vector.shape_cast %get3A_64 : vector<128xf32> to vector<1x128xf32>
    %mul3A_66 = vector.broadcast %broadcast_in_dim3A_65 : vector<1x128xf32> to vector<10000x128xf32>
    %mul3A_67 = arith.mulf %add3A_52, %mul3A_66 : vector<10000x128xf32>
    %reduce_sum3A_68 = arith.constant dense<0.000000e+00> : vector<10000xf32>
    %reduce_sum3A_69 = vector.multi_reduction <add>, %mul3A_67, %reduce_sum3A_68 [1] : vector<10000x128xf32> to vector<10000xf32>
    %swap3A_70 = arith.constant 0 : index
    %swap3A_71 = vector.load %arg10[%swap3A_70] : memref<10000xf32, #tpu.memory_space<vmem>>, vector<10000xf32>
    tpu.vector_store %arg10[%swap3A_70], %reduce_sum3A_69 {strides = array<i32>} : memref<10000xf32, #tpu.memory_space<vmem>>, vector<10000xf32>,
    return
  }
}

</mosaic_0001>

<sc_bundles>
// kernel: kernel.11.cloned.1.call-start
scs
__scs_entry_jumppad:
0x0: {  	(pc) =	sbr.rel $0x88, $3  }
0x1: {  	(tag) =	ssettag $0x0;
	lr =	simm.s32 $0x1  }
0x2: {  	[smem:$0x3F95] =	sst lr;
	_ =	strace $0xD0000000  }
0x3: {  	_ = 	snop  }
0x4: {  	_ = 	snop  }
0x5: {  	_ = 	snop  }
0x6: {  	_ = 	snop  }
0x7: {  	_ = 	snop  }
__scs_overlays_trampoline_lowered:
0x8: {  	[smem:$0x3FA4] =	sst s0  }
0x9: {  	[smem:$0x3FA5] =	sst s1  }
0xa: {  	[smem:$0x3FA6] =	sst s2  }
0xb: {  	[smem:$0x3FA7] =	sst s3  }
0xc: {  	[smem:$0x3FA8] =	sst s4  }
0xd: {  	[smem:$0x3FA9] =	sst s5  }
0xe: {  	[smem:$0x3FAA] =	sst s6  }
0xf: {  	[smem:$0x3FAB] =	sst s7  }
0x10: {  	[smem:$0x3FAC] =	sst s8  }
0x11: {  	[smem:$0x3FAD] =	sst s9;
	s0 =	simm.s32 @!p0 $0x0  }
0x12: {  	s1 =	sld [smem:$0x3F93];
	s0 =	simm.s32 @p0 $0x1  }
0x13: {  	[smem:$0x3FAE] =	sst s0;
	s0 =	simm.s32 @!p1 $0x0  }
0x14: {  	s2 =	sld [smem:$0x3F92];
	s0 =	simm.s32 @p1 $0x1  }
0x15: {  	[smem:$0x3FAF] =	sst s0;
	s0 =	simm.s32 @!p2 $0x0  }
0x16: {  	s3 =	sld [smem:$0x3FDB];
	s0 =	simm.s32 @p2 $0x1  }
0x17: {  	s4 =	simm.s32 $0x1BF5;
	[smem:$0x3FB1] =	sst s0  }
0x18: {  	s0 =	sld [smem:$0x3F94];
	_ =	swait.ge [sflag:s4], $0x0  }
0x19: {  	s7 =	sld [smem:$0x3F95]  }
0x1a: {  	s8 =	sadd.s32 $0xFFFFE003, lr  }
0x1b: {  	s9 =	sadd.s32 $0xFFFFFEF7, lr;
	s5 =	simm.s32 $0xFFFFFFFF;
	p2 =	slt.u32 s8, $0xFFFFF086  }
0x1c: {  	p1 =	slt.u32 s9, $0xF7A;
	s5 =	simm.s32 @!p2 $0x0  }
0x1d: {  	s5 =	simm.s32 @p1 $0x1;
	p0 =	seq.s32 s7, s2  }
0x1e: {  	s7 =	smul.u32 @!p0 $0xF7A, s2;
	p2 =	seq.s32 @!p0 s5, $0x0  }
0x1f: {  	s9 =	smul.u32 $0xF7A, s1;
	s8 =	simm.s32 @!p0 $0x1BF5;
	p2 =	por !p2, p0  }
0x20: {  	[sflag:s8] =	ssyncset.s32 @!p0 $0xFFFFF086;
	s6 =	sadd.s32 @!p0 s3, s7;
	s7 =	simm.s32 @!p0 $0x108  }
0x21: {  	s3 =	sadd.s32 s3, s9;
	s6 =	sadd.s32 @!p0 $0x88, s6;
	s7 =	simm.s32 @p2 $0x1082  }
0x22: {  	[simem:s7], [sflag:s8] =	dma.local @!p0 [hbm:s6], $0xF7A  }
0x23: {  	s9 =	sor.u32 $0xD0000000, s2;
	s6 =	simm.s32 $0x108;
	_ =	swait.ge @!p0 [sflag:s8], $0x0  }
0x24: {  	s3 =	sadd.s32 $0x88, s3;
	s6 =	simm.s32 @!p1 $0x1082;
	[sflag:s4] =	ssyncset.s32 $0xFFFFF086  }
0x25: {  	[simem:s6], [sflag:s4] =	dma.local [hbm:s3], $0xF7A  }
0x26: {  	[smem:$0x3F95] =	sst s1;
	(tag) =	ssettag s2;
	_ =	strace s9  }
0x27: {  	s1 =	sld [smem:$0x3FA5]  }
0x28: {  	s2 =	sld [smem:$0x3FA6]  }
0x29: {  	s4 =	sld [smem:$0x3FA8]  }
0x2a: {  	p0 =	seq.s32 s5, $0x0;
	s5 =	sld [smem:$0x3FA9]  }
0x2b: {  	s6 =	sld [smem:$0x3FAA]  }
0x2c: {  	s7 =	sld [smem:$0x3FAB]  }
0x2d: {  	s3 =	simm.s32 $0x108;
	s8 =	sld [smem:$0x3FAC]  }
0x2e: {  	s3 =	simm.s32 @!p0 $0x1082;
	s9 =	sld [smem:$0x3FAD]  }
0x2f: {  	lr =	sadd.s32 s0, s3;
	s0 =	sld [smem:$0x3FA4]  }
0x30: {  	s3 =	sld [smem:$0x3FA7]  }
0x31: {  	[smem:$0x3FB0] =	sst s10  }
0x32: {  	s10 =	sld [smem:$0x3FAE];
	_ =	sdelay $0x3  }
0x33: {  	p0 =	seq.s32 s10, $0x1;
	s10 =	sld [smem:$0x3FB0];
	_ =	sdelay $0x3  }
0x34: {  	[smem:$0x3FB0] =	sst s10  }
0x35: {  	s10 =	sld [smem:$0x3FAF];
	_ =	sdelay $0x3  }
0x36: {  	p1 =	seq.s32 s10, $0x1;
	s10 =	sld [smem:$0x3FB0];
	_ =	sdelay $0x3  }
0x37: {  	[smem:$0x3FB0] =	sst s10  }
0x38: {  	s10 =	sld [smem:$0x3FB1]  }
0x39: {  	_ = 	snop;
	(pc) =	sbr.ind lr, $3  }
0x3a: {  	_ = 	snop  }
0x3b: {  	_ = 	snop  }
0x3c: {  	p2 =	seq.s32 s10, $0x1;
	s10 =	sld [smem:$0x3FB0]  }
0x3d: {  	_ =	shalt  }
0x3e: {  	_ =	shalt  }
0x3f: {  	_ =	shalt  }
0x40: {  	_ =	shalt  }
0x41: {  	_ =	shalt  }
0x42: {  	_ =	shalt  }
0x43: {  	_ =	shalt  }
0x44: {  	_ =	shalt  }
0x45: {  	_ =	shalt  }
0x46: {  	_ =	shalt  }
0x47: {  	_ =	shalt  }
0x48: {  	_ =	shalt  }
0x49: {  	_ =	shalt  }
0x4a: {  	_ =	shalt  }
0x4b: {  	_ =	shalt  }
0x4c: {  	_ =	shalt  }
0x4d: {  	_ =	shalt  }
0x4e: {  	_ =	shalt  }
0x4f: {  	_ =	shalt  }
0x50: {  	_ =	shalt  }
0x51: {  	_ =	shalt  }
0x52: {  	_ =	shalt  }
0x53: {  	_ =	shalt  }
0x54: {  	_ =	shalt  }
0x55: {  	_ =	shalt  }
0x56: {  	_ =	shalt  }
0x57: {  	_ =	shalt  }
0x58: {  	_ =	shalt  }
0x59: {  	_ =	shalt  }
0x5a: {  	_ =	shalt  }
0x5b: {  	_ =	shalt  }
0x5c: {  	_ =	shalt  }
0x5d: {  	_ =	shalt  }
0x5e: {  	_ =	shalt  }
0x5f: {  	_ =	shalt  }
0x60: {  	_ =	shalt  }
0x61: {  	_ =	shalt  }
0x62: {  	_ =	shalt  }
0x63: {  	_ =	shalt  }
0x64: {  	_ =	shalt  }
0x65: {  	_ =	shalt  }
0x66: {  	_ =	shalt  }
0x67: {  	_ =	shalt  }
0x68: {  	_ =	shalt  }
0x69: {  	_ =	shalt  }
0x6a: {  	_ =	shalt  }
0x6b: {  	_ =	shalt  }
0x6c: {  	_ =	shalt  }
0x6d: {  	_ =	shalt  }
0x6e: {  	_ =	shalt  }
0x6f: {  	_ =	shalt  }
0x70: {  	_ =	shalt  }
0x71: {  	_ =	shalt  }
0x72: {  	_ =	shalt  }
0x73: {  	_ =	shalt  }
0x74: {  	_ =	shalt  }
0x75: {  	_ =	shalt  }
0x76: {  	_ =	shalt  }
0x77: {  	_ =	shalt  }
0x78: {  	_ =	shalt  }
0x79: {  	_ =	shalt  }
0x7a: {  	_ =	shalt  }
0x7b: {  	_ =	shalt  }
0x7c: {  	_ =	shalt  }
0x7d: {  	_ =	shalt  }
0x7e: {  	_ =	shalt  }
0x7f: {  	_ =	shalt  }
0x80: {  	_ =	shalt  }
0x81: {  	_ =	shalt  }
0x82: {  	_ =	shalt  }
0x83: {  	_ =	shalt  }
0x84: {  	_ =	shalt  }
0x85: {  	_ =	shalt  }
0x86: {  	_ =	shalt  }
0x87: {  	_ =	shalt  }
.Lfunc_end0:
.L_simem_size_0:
called_computation.1_lowered:
.L_overlay_start_0:
0x88: {  	s2 =	sld [smem:$0x3FD9]  }
0x89: {  	s3 =	sld [smem:$0x3FFE];
	_ =	sdelay $0x1  }
0x8a: {  	s1 =	srdreg.scid  }
0x8b: {  	s0 =	sand.u32 $0x1, s1  }
0x8c: {  	s16 =	sshll.u32 s0, $0xA;
	s2 =	sadd.s32 s3, s2  }
0x8d: {  	s2 =	sadd.s32 s2, s16  }
0x8e: {  	[smem:$0x3FBC] =	sst s2  }
0x8f: {  	_ = 	snop  }
0x90: {  	(tm) =	ssettm $0x1  }
0x91: {  	s17 =	sld [smem:$0x3FFB];
	_ =	sdelay $0x3  }
0x92: {  	_ =	strace s17  }
0x93: {  	s2 =	sld [smem:$0x3FFC];
	_ =	sdelay $0x3  }
0x94: {  	_ =	strace s2  }
0x95: {  	s2 =	sld [smem:$0x3FFD];
	_ =	sdelay $0x3  }
0x96: {  	_ =	strace s2  }
0x97: {  	_ =	strace $0x8FFFFFFF  }
0x98: {  	s18 =	sld [smem:$0x3FDB];
	_ =	sdelay $0x1  }
0x99: {  	s19 =	simm.s32 $_scs_section_size  }
0x9a: {  	s4 =	simm.s32 $_size__tile_overlayer_lowered;
	s5 =	simm.s32 $_tile_overlayer_lowered  }
0x9b: {  	s22 =	simm.s32 $0x1BFF;
	s21 =	sshll.u32 s5, $0x1;
	s2 =	sadd.s32 s19, s18  }
0x9c: {  	s6 =	simm.s32 $0x0;
	s20 =	sshll.u32 s4, $0x1;
	s4 =	sadd.s32 s21, s2  }
0x9d: {  	[timem:s6], [sflag:s22] =	dma.local [hbm:s4], s20  }
0x9e: {  	_ =	swait.ge [sflag:s22], s20  }
0x9f: {  	s3 =	ssub.s32 $0x0, s20;
	[sflag:s22] =	ssyncset.done $0x0  }
0xa0: {  	[sflag:s22] =	ssyncadd.s32 s3;
	_ =	sdelay $0x1  }
0xa1: {  	s23 =	simm.s32 $0x1B8B  }
0xa2: {  	_ =	swait.ge [sflag:s23], $0x1  }
0xa3: {  	[sflag:s23] =	ssyncset.done $0x0  }
0xa4: {  	s25 =	simm.s32 $0x1B8E;
	s24 =	sld [smem:$0x3FFE];
	[sflag:s23] =	ssyncadd.s32 $0xFFFFFFFF  }
0xa5: {  	s26 =	simm.s32 $execute0_lowered;
	[smem:$0x3FD2] =	sst s25  }
0xa6: {  	s4 =	sshll.u32 s26, $0x1;
	_ =	strace $0x80000049;
	[dreg:$0x1] =	wrdreg $0xFFFFFFFF  }
0xa7: {  	s28 =	simm.s32 $_size_execute0_lowered;
	s2 =	sadd.s32 s2, s4;
	[dreg:$0x0] =	wrdreg $0x0  }
0xa8: {  	s4 =	sshll.u32 s28, $0x1;
	[dreg:$0x2] =	wrdreg s2  }
0xa9: {  	[dreg:$0x3] =	wrdreg s4  }
0xaa: {  	[dreg:$0x4] =	wrdreg $0xC0  }
0xab: {  	_ =	task [dreg:s6], $0x5FFFF  }
0xac: {  	[dreg:$0x1] =	wrdreg $0xFFFFFFFF  }
0xad: {  	[dreg:$0x0] =	wrdreg $0x60  }
0xae: {  	[dreg:$0x2] =	wrdreg s24  }
0xaf: {  	[dreg:$0x3] =	wrdreg $0xB0000  }
0xb0: {  	[dreg:$0x4] =	wrdreg $0x14C400  }
0xb1: {  	[dreg:$0x5] =	wrdreg $0x9  }
0xb2: {  	_ =	task.clear_ibuf [dreg:s6], $0x6FFFF;
	_ =	strace $0x90000049  }
0xb3: {  	s29 =	simm.s32 $0x9;
	_ =	strace $0x8000004B  }
0xb4: {  	_ =	swait.ge [sflag:s29], $0x1  }
0xb5: {  	[sflag:s29] =	ssyncadd.s32 $0xFFFFFFFF  }
0xb6: {  	_ =	strace $0x9000004B  }
0xb7: {  	_ =	sfence  }
0xb8: {  	s30 =	sld [smem:$0x0];
	_ =	sdelay $0x2  }
0xb9: {  	s31 =	sshll.u32 s1, $0xD;
	s1 =	sshrl.u32 s1, $0x2  }
0xba: {  	s3 =	sand.u32 $0x4000, s31;
	s1 =	sadd.s32 s1, s30  }
0xbb: {  	s0 =	sor.u32 s3, s0;
	s1 =	sshll.u32 s1, $0x11  }
0xbc: {  	s0 =	sor.u32 s1, s0  }
0xbd: {  	s0 =	sadd.s32 $0x8F2B, s0  }
0xbe: {  	[sflag:s0] =	ssyncadd.remote.s32 $0x1  }
0xbf: {  	_ =	sfence.sel $0xFFFF  }
0xc0: {  	[dreg:$0x0] =	wrdreg $0xFFFFFFFF;
	(pc) =	sbr.abs _section_cstart, $3  }
0xc1: {  	[dreg:$0x1] =	wrdreg $0xFFFFFFFF  }
0xc2: {  	_ =	task.clear_ibuf [dreg:s6], $0x2FFFF;
	_ =	strace $0x9FFFFFFF  }
0xc3: {  	(tm) =	ssettm $0x7FFFFFFF  }
tec
execute0_lowered:
.L_overlay_start_1:
0x0: {  	(tag) =	ssettag $0x1  }
0x1: {  	s0 =	rddreg [dreg:$0x0]  }
0x2: {  	s1 =	rddreg [dreg:$0x1]  }
0x3: {  	s2 =	rddreg [dreg:$0x2];
	s3 =	simm.s32 $0x0;
	s12 =	stileid.u32  }
0x4: {  	s9 =	srdreg.scid;
	s30 =	simm.s32 $0x4F80;
	s28 =	simm.s32 $0x4  }
0x5: {  	s29 =	simm.s32 $0x3;
	s31 =	simm.s32 $0x6;
	s4 =	smul.u32 $0x9E00, s12  }
0x6: {  	[smem:$0x7FF] =	sst s3;
	s5 =	sadd.s32 $0x65200, s0;
	s8 =	smul.u32 $0x9C, s12  }
0x7: {  	s6 =	sadd.s32 $0x3600, s0;
	s10 =	smax.u32 s12, $0xC;
	s15 =	smul.u32 $0x9C00, s12  }
0x8: {  	s9 =	sand.u32 $0x1, s9;
	s22 =	smul.u32 $0x9D0, s12;
	p1 =	slt.u32 s12, $0xC  }
0x9: {  	p0 =	sne.s32 s12, $0x0;
	_ =	strace $0x8000004A;
	s23 =	ssub.s32 $0x2, s9  }
0xa: {  	s9 =	smul.u32 $0x9C400, s9;
	s7 =	sshrl.u32 s4, $0x3;
	s8 =	sadd.s32 s8, s10  }
0xb: {  	s11 =	sshrl.u32 s23, $0x1;
	s19 =	sadd.s32 s15, s1;
	s4 =	sadd.s32 s4, s2  }
0xc: {  	s7 =	sadd.s32 s7, s0;
	s8 =	sshll.u32 s8, $0x4;
	s0 =	sadd.s32 $0xA0000, s0  }
0xd: {  	s25 =	sadd.s32 s15, s9;
	s8 =	sadd.s32 s6, s8;
	s7 =	sadd.s32 $0x8C400, s7  }
0xe: {  	s9 =	sshrl.u32 s9, $0x3;
	s24 =	sadd.s32 $0xFFFFFF40, s8;
	[dreg:$0x7] =	wrdreg s7  }
0xf: {  	s14 =	sshrl.u32 s25, $0x3;
	s26 =	sadd.s32 $0x900, s8;
	[dreg:$0x4] =	wrdreg s24  }
0x10: {  	s17 =	sadd.s32 $0x13800, s9;
	s10 =	sadd.s32 s5, s14;
	[dreg:$0x5] =	wrdreg s26  }
0x11: {  	s16 =	ssub.s32 s23, s11;
	s5 =	sadd.s32 s5, s17;
	[dreg:$0x6] =	wrdreg s10  }
0x12: {  	s19 =	sshrl.u32 s19, $0x3;
	s13 =	sadd.s32 $0x9B80, s8;
	[dreg:$0x8] =	wrdreg s5  }
0x13: {  	s25 =	sadd.s32 s22, s6;
	s18 =	sadd.s32 $0x9B90, s8;
	[dreg:$0x9] =	wrdreg s13  }
0x14: {  	s6 =	sadd.s32 $0x9C000, s2;
	s20 =	sadd.s32 $0x9BA0, s8;
	[dreg:$0xa] =	wrdreg s18  }
0x15: {  	s16 =	smax.u32 s16, $0x1;
	s21 =	sadd.s32 $0xA540, s8;
	[dreg:$0xb] =	wrdreg s20  }
0x16: {  	s22 =	simm.s32 $0x4E80;
	s23 =	sadd.s32 s0, s14;
	[dreg:$0xc] =	wrdreg s21  }
0x17: {  	s7 =	sadd.s32 $0x9C000, s1;
	[dreg:$0xd] =	wrdreg s23;
	s24 =	sadd.s32 s15, s2  }
.Ltmp0:
0x18: {  	s18 =	smin.u32 s12, $0xC;
	s15 =	sadd.s32 s0, s17;
	(pc) =	sbr.rel .LBB2_1-.Ltmp0, $4  }
0x19: {  	s20 =	sshrl.u32 s4, $0x3;
	s21 =	sshrl.u32 @!p0 s7, $0x3;
	s23 =	simm.s32 $0x80  }
0x1a: {  	s0 =	simm.s32 $0x9000;
	s4 =	simm.s32 $0x1;
	s5 =	simm.s32 $0x0  }
0x1b: {  	s26 =	sshll.u32 s18, $0x4;
	s18 =	simm.s32 $0x7;
	s24 =	sshrl.u32 s24, $0x3  }
0x1c: {  	s17 =	ssub.s32 s25, s26;
	s25 =	sshrl.u32 @!p0 s6, $0x3;
	s26 =	simm.s32 $0x5000  }
.LBB2_4:
0x1d: {  	s7 =	simm.s32 @!p1 $0x0;
	s8 =	simm.s32 @!p1 $0x4E80;
	s9 =	rddreg [dreg:$0xc]  }
0x1e: {  	[tilespmem:s8], [sflag:$0x4] =	stream.linear.gather @!p1 [hbm4b:s9+s7], $0x80, $0x38;
	[tilespmem:$0x1EA40] =	vst v63  }
0x1f: {  	s7 =	simm.s32 @!p1 $0x4  }
0x20: {  	_ =	swait.ge @!p1 [sflag:s7], $0x80  }
0x21: {  	s10 =	simm.s32 @!p1 $0x5000;
	[sflag:s7] =	ssyncset.done @!p1 $0x0  }
0x22: {  	s9 =	simm.s32 @!p1 $0x4E00;
	[sflag:s7] =	ssyncadd.s32 @!p1 $0xFFFFFF80;
	s7 =	simm.s32 @!p1 $0x80  }
0x23: {  	[tilespmem:s10], [sflag:$0x1] =	stream.indirect.gather @!p1 [spmem:s1], $0x40, s9, s7, $0xb8;
	[tilespmem:$0x1EA40] =	vst v63  }
0x24: {  	s9 =	simm.s32 @!p1 $0x1  }
0x25: {  	_ =	swait.ge @!p1 [sflag:s9], $0x2000  }
0x26: {  	[sflag:s9] =	ssyncset.done @!p1 $0x0  }
0x27: {  	[sflag:s9] =	ssyncadd.s32 @!p1 $0xFFFFE000  }
0x28: {  	[spmem:s2] =	stream.indirect.scatter.add.f32 @!p1 [tilespmem:s10], [sflag:$0x7], $0x40, s8, s7, $0xb8;
	[tilespmem:$0x1EA40] =	vst v63  }
0x29: {  	s7 =	simm.s32 @!p1 $0x7  }
0x2a: {  	_ =	swait.ge @!p1 [sflag:s7], $0x2000  }
0x2b: {  	[sflag:s7] =	ssyncset.done @!p1 $0x0  }
0x2c: {  	[sflag:s7] =	ssyncadd.s32 @!p1 $0xFFFFE000  }
0x2d: {  	[bflag:$0x0] =	sbarrier.arrive $0xFFFF  }
0x2e: {  	s14 =	rddreg [dreg:$0xd]  }
0x2f: {  	[hbm:s14], [sflag:s6] =	dma.local [spmem:s24], $0x1380  }
0x30: {  	_ =	swait.ge [sflag:s18], $0x1380  }
0x31: {  	s5 =	sadd.s32 $0x1, s5;
	[sflag:s18] =	ssyncset.done $0x0  }
0x32: {  	p2 =	sne.s32 s5, s16;
	[sflag:s18] =	ssyncadd.s32 $0xFFFFEC80  }
0x33: {  	[hbm:s15], [sflag:s6] =	dma.local @!p0 [spmem:s25], $0x80  }
.Ltmp1:
0x34: {  	_ = 	snop;
	(pc) =	sbr.rel @!p2 .LBB2_5-.Ltmp1, $4  }
0x35: {  	s6 =	simm.s32 @!p0 $0x7  }
0x36: {  	_ =	swait.ge @!p0 [sflag:s6], $0x80  }
0x37: {  	[sflag:s6] =	ssyncset.done @!p0 $0x0  }
0x38: {  	[sflag:s6] =	ssyncadd.s32 @!p0 $0xFFFFFF80  }
.LBB2_1:
0x39: {  	s6 =	rddreg [dreg:$0x4]  }
0x3a: {  	[tilespmem:s3], [sflag:$0x7] =	stream.linear.gather [hbm4b:s6+s3], $0x4E00, $0x38;
	[tilespmem:$0x1EA40] =	vst v63  }
0x3b: {  	_ =	swait.ge [sflag:s18], $0x4E00  }
0x3c: {  	s7 =	simm.s32 @!p1 $0x4E00;
	[sflag:s18] =	ssyncset.done $0x0  }
0x3d: {  	s6 =	simm.s32 @!p1 $0x0;
	s8 =	rddreg [dreg:$0x5];
	[sflag:s18] =	ssyncadd.s32 $0xFFFFB200  }
0x3e: {  	[tilespmem:s7], [sflag:$0x7] =	stream.linear.gather @!p1 [hbm4b:s8+s6], $0x80, $0x38;
	[tilespmem:$0x1EA40] =	vst v63  }
0x3f: {  	s6 =	simm.s32 @!p1 $0x7  }
0x40: {  	s13 =	stileid.u32;
	_ =	swait.ge @!p1 [sflag:s6], $0x80  }
0x41: {  	s7 =	sshll.u32 s13, $0x6;
	[sflag:s6] =	ssyncset.done @!p1 $0x0  }
0x42: {  	s14 =	rddreg [dreg:$0x6];
	[sflag:s6] =	ssyncadd.s32 @!p1 $0xFFFFFF80;
	s6 =	sor.u32 $0x1C07, s7  }
0x43: {  	[spmem:s19], [sflag:s6] =	dma.local [hbm:s14], $0x1380  }
0x44: {  	_ =	swait.ge [sflag:s18], $0x1380  }
0x45: {  	[sflag:s18] =	ssyncset.done $0x0  }
0x46: {  	s8 =	rddreg [dreg:$0x7];
	[sflag:s18] =	ssyncadd.s32 $0xFFFFEC80  }
0x47: {  	[spmem:s20], [sflag:s6] =	dma.local [hbm:s8], $0x13C0  }
0x48: {  	_ =	swait.ge [sflag:s18], $0x13C0  }
0x49: {  	[sflag:s18] =	ssyncset.done $0x0  }
0x4a: {  	s7 =	rddreg [dreg:$0x8];
	[sflag:s18] =	ssyncadd.s32 $0xFFFFEC40  }
0x4b: {  	[spmem:s21], [sflag:s6] =	dma.local @!p0 [hbm:s7], $0x80  }
0x4c: {  	s7 =	simm.s32 @!p0 $0x7  }
0x4d: {  	_ =	swait.ge @!p0 [sflag:s7], $0x80  }
0x4e: {  	[sflag:s7] =	ssyncset.done @!p0 $0x0  }
0x4f: {  	[sflag:s7] =	ssyncadd.s32 @!p0 $0xFFFFFF80  }
0x50: {  	[bflag:$0x0] =	sbarrier.arrive $0xFFFF  }
0x51: {  	s9 =	rddreg [dreg:$0x9]  }
0x52: {  	[tilespmem:s22], [sflag:$0x4] =	stream.linear.gather [hbm4b:s9+s3], $0x80, $0x38;
	[tilespmem:$0x1EA40] =	vst v63  }
0x53: {  	_ = 	snop  }
0x54: {  	[tilespmem:s26], [sflag:$0x1] =	stream.indirect.gather [spmem:s1], $0x40, s3, s23, $0xb8;
	[tilespmem:$0x1EA40] =	vst v63  }
0x55: {  	s11 =	simm.s32 $0x4F00;
	s10 =	rddreg [dreg:$0xa]  }
0x56: {  	[tilespmem:s11], [sflag:$0x5] =	stream.linear.gather [hbm4b:s10+s3], $0x80, $0x38;
	[tilespmem:$0x1EA40] =	vst v63  }
0x57: {  	s12 =	simm.s32 $0x7000  }
0x58: {  	[tilespmem:s12], [sflag:$0x2] =	stream.indirect.gather [spmem:s1], $0x40, s23, s23, $0xb8;
	[tilespmem:$0x1EA40] =	vst v63  }
0x59: {  	s13 =	rddreg [dreg:$0xb]  }
0x5a: {  	[tilespmem:s30], [sflag:$0x6] =	stream.linear.gather [hbm4b:s13+s3], $0x80, $0x38;
	[tilespmem:$0x1EA40] =	vst v63  }
0x5b: {  	s14 =	simm.s32 $0x100;
	s8 =	simm.s32 $0x0;
	s7 =	simm.s32 $0x280  }
0x5c: {  	[tilespmem:s0], [sflag:$0x3] =	stream.indirect.gather [spmem:s1], $0x40, s14, s23, $0xb8;
	[tilespmem:$0x1EA40] =	vst v63  }
.LBB2_2:
0x5d: {  	_ =	swait.ge [sflag:s4], $0x2000  }
0x5e: {  	[sflag:s4] =	ssyncset.done $0x0  }
0x5f: {  	[sflag:s4] =	ssyncadd.s32 $0xFFFFE000  }
0x60: {  	_ =	swait.ge [sflag:s28], $0x80  }
0x61: {  	[sflag:s28] =	ssyncset.done $0x0  }
0x62: {  	[sflag:s28] =	ssyncadd.s32 $0xFFFFFF80  }
0x63: {  	[spmem:s2] =	stream.indirect.scatter.add.f32 [tilespmem:s26], [sflag:$0x7], $0x40, s22, s23, $0xb8;
	[tilespmem:$0x1EA40] =	vst v63  }
0x64: {  	_ =	swait.ge [sflag:s18], $0x2000  }
0x65: {  	p2 =	seq.s32 s8, $0x990;
	[sflag:s18] =	ssyncset.done $0x0  }
0x66: {  	s9 =	simm.s32 @p2 $0x2;
	[sflag:s18] =	ssyncadd.s32 $0xFFFFE000  }
0x67: {  	_ =	swait.ge @p2 [sflag:s9], $0x2000  }
0x68: {  	[sflag:s9] =	ssyncset.done @p2 $0x0  }
0x69: {  	[sflag:s9] =	ssyncadd.s32 @p2 $0xFFFFE000;
	s9 =	simm.s32 @p2 $0x5  }
0x6a: {  	_ =	swait.ge @p2 [sflag:s9], $0x80  }
0x6b: {  	s10 =	simm.s32 @p2 $0x4F00;
	[sflag:s9] =	ssyncset.done @p2 $0x0  }
0x6c: {  	s11 =	simm.s32 @p2 $0x7000;
	[sflag:s9] =	ssyncadd.s32 @p2 $0xFFFFFF80;
	s9 =	simm.s32 @p2 $0x80  }
0x6d: {  	[spmem:s2] =	stream.indirect.scatter.add.f32 @p2 [tilespmem:s11], [sflag:$0x7], $0x40, s10, s9, $0xb8;
	[tilespmem:$0x1EA40] =	vst v63  }
0x6e: {  	s9 =	simm.s32 @p2 $0x7  }
0x6f: {  	_ =	swait.ge @p2 [sflag:s9], $0x2000  }
0x70: {  	[sflag:s9] =	ssyncset.done @p2 $0x0  }
0x71: {  	[sflag:s9] =	ssyncadd.s32 @p2 $0xFFFFE000;
	s9 =	sadd.s32 @!p2 s8, s17  }
0x72: {  	s12 =	simm.s32 @!p2 $0x4E80;
	s11 =	simm.s32 @!p2 $0x0;
	s10 =	sadd.s32 @!p2 $0x9C70, s9  }
0x73: {  	[tilespmem:s12], [sflag:$0x4] =	stream.linear.gather @!p2 [hbm4b:s10+s11], $0x80, $0x38;
	[tilespmem:$0x1EA40] =	vst v63  }
0x74: {  	s13 =	simm.s32 @!p2 $0x5000;
	s10 =	sadd.s32 @!p2 $0xFFFFFF00, s7;
	s12 =	simm.s32 @!p2 $0x80  }
0x75: {  	[tilespmem:s13], [sflag:$0x1] =	stream.indirect.gather @!p2 [spmem:s1], $0x40, s10, s12, $0xb8;
	[tilespmem:$0x1EA40] =	vst v63  }
0x76: {  	s10 =	simm.s32 @!p2 $0x2  }
0x77: {  	_ =	swait.ge @!p2 [sflag:s10], $0x2000  }
0x78: {  	[sflag:s10] =	ssyncset.done @!p2 $0x0  }
0x79: {  	[sflag:s10] =	ssyncadd.s32 @!p2 $0xFFFFE000;
	s10 =	simm.s32 @!p2 $0x5  }
0x7a: {  	_ =	swait.ge @!p2 [sflag:s10], $0x80  }
0x7b: {  	s14 =	simm.s32 @!p2 $0x7;
	[sflag:s10] =	ssyncset.done @!p2 $0x0  }
0x7c: {  	s13 =	simm.s32 @!p2 $0x7000;
	[sflag:s10] =	ssyncadd.s32 @!p2 $0xFFFFFF80;
	s10 =	simm.s32 @!p2 $0x4F00  }
0x7d: {  	[spmem:s2] =	stream.indirect.scatter.add.f32 @!p2 [tilespmem:s13], [sflag:$0x7], $0x40, s10, s12, $0xb8;
	[tilespmem:$0x1EA40] =	vst v63  }
0x7e: {  	_ =	swait.ge @!p2 [sflag:s14], $0x2000  }
0x7f: {  	[sflag:s14] =	ssyncset.done @!p2 $0x0  }
0x80: {  	s9 =	sadd.s32 @!p2 $0x9C80, s9;
	[sflag:s14] =	ssyncadd.s32 @!p2 $0xFFFFE000  }
0x81: {  	[tilespmem:s10], [sflag:$0x5] =	stream.linear.gather @!p2 [hbm4b:s9+s11], $0x80, $0x38;
	[tilespmem:$0x1EA40] =	vst v63  }
0x82: {  	s9 =	sadd.s32 @!p2 $0xFFFFFF80, s7  }
0x83: {  	[tilespmem:s13], [sflag:$0x2] =	stream.indirect.gather @!p2 [spmem:s1], $0x40, s9, s12, $0xb8;
	[tilespmem:$0x1EA40] =	vst v63  }
0x84: {  	_ =	swait.ge [sflag:s29], $0x2000  }
0x85: {  	[sflag:s29] =	ssyncset.done $0x0  }
0x86: {  	[sflag:s29] =	ssyncadd.s32 $0xFFFFE000  }
0x87: {  	_ =	swait.ge [sflag:s31], $0x80  }
0x88: {  	[sflag:s31] =	ssyncset.done $0x0  }
.Ltmp2:
0x89: {  	[sflag:s31] =	ssyncadd.s32 $0xFFFFFF80;
	(pc) =	sbr.rel @p2 .LBB2_4-.Ltmp2, $4  }
0x8a: {  	[spmem:s2] =	stream.indirect.scatter.add.f32 [tilespmem:s0], [sflag:$0x7], $0x40, s30, s23, $0xb8;
	[tilespmem:$0x1EA40] =	vst v63  }
0x8b: {  	_ =	swait.ge [sflag:s18], $0x2000  }
0x8c: {  	[sflag:s18] =	ssyncset.done $0x0  }
0x8d: {  	[sflag:s18] =	ssyncadd.s32 $0xFFFFE000  }
0x8e: {  	s9 =	sadd.s32 s8, s17  }
.Ltmp3:
0x8f: {  	s9 =	sadd.s32 $0x9C90, s9;
	(pc) =	sbr.rel .LBB2_2-.Ltmp3, $4  }
0x90: {  	[tilespmem:s30], [sflag:$0x6] =	stream.linear.gather [hbm4b:s9+s3], $0x80, $0x38;
	[tilespmem:$0x1EA40] =	vst v63  }
0x91: {  	_ = 	snop  }
0x92: {  	[tilespmem:s0], [sflag:$0x3] =	stream.indirect.gather [spmem:s1], $0x40, s7, s23, $0xb8;
	[tilespmem:$0x1EA40] =	vst v63  }
0x93: {  	s8 =	sadd.s32 $0x30, s8;
	s7 =	sadd.s32 $0x180, s7  }
.LBB2_5:
0x94: {  	_ =	sfence.sel $0x180000  }
0x95: {  	[bflag:$0x0] =	sbarrier.arrive $0xFFFF  }
0x96: {  	_ =	strace $0x9000004A  }
0x97: {  	[bflag:$0x2] =	sbarrier.arrive $0xFFFF  }
0x98: {  	s0 =	rddreg [dreg:$0x3]  }
0x99: {  	s0 =	sadd.s32 @!p0 $0x100000, s0  }
0x9a: {  	[sflag:s0] =	ssyncadd.tile.s32 @!p0 $0x1;
	_ =	shalt  }
.Lfunc_end2:
_tile_overlayer_lowered:
.L_overlay_start_2:
0x9b: {  	(tag) =	ssettag $0x2  }
0x9c: {  	s0 =	rddreg [dreg:$0x0];
	s2 =	stileid.u32  }
0x9d: {  	s1 =	rddreg [dreg:$0x1];
	p0 =	sne.s32 s2, $0x0  }
0x9e: {  	s3 =	rddreg [dreg:$0x2];
	[bflag:$0x3] =	sbarrier.arrive $0xFFFF;
	s2 =	simm.s32 @!p0 $0x1C07  }
0x9f: {  	[timem:s3], [sflag:s2] =	dma.local @!p0 [hbm:s0], s1  }
0xa0: {  	s0 =	simm.s32 @!p0 $0x7  }
0xa1: {  	_ =	swait.ge @!p0 [sflag:s0], s1  }
0xa2: {  	s1 =	ssub.s32 @!p0 $0x0, s1;
	[sflag:s0] =	ssyncset.done @!p0 $0x0  }
0xa3: {  	[sflag:s0] =	ssyncadd.s32 @!p0 s1  }
0xa4: {  	[bflag:$0x3] =	sbarrier.arrive $0xFFFF  }
0xa5: {  	_ =	shalt  }

// kernel: kernel.14.cloned.1.call-start
scs
__scs_entry_jumppad:
0x0: {  	(pc) =	sbr.rel $0x88, $3  }
0x1: {  	(tag) =	ssettag $0x0;
	lr =	simm.s32 $0x1  }
0x2: {  	[smem:$0x3F95] =	sst lr;
	_ =	strace $0xD0000000  }
0x3: {  	_ = 	snop  }
0x4: {  	_ = 	snop  }
0x5: {  	_ = 	snop  }
0x6: {  	_ = 	snop  }
0x7: {  	_ = 	snop  }
__scs_overlays_trampoline_lowered:
0x8: {  	[smem:$0x3FA4] =	sst s0  }
0x9: {  	[smem:$0x3FA5] =	sst s1  }
0xa: {  	[smem:$0x3FA6] =	sst s2  }
0xb: {  	[smem:$0x3FA7] =	sst s3  }
0xc: {  	[smem:$0x3FA8] =	sst s4  }
0xd: {  	[smem:$0x3FA9] =	sst s5  }
0xe: {  	[smem:$0x3FAA] =	sst s6  }
0xf: {  	[smem:$0x3FAB] =	sst s7  }
0x10: {  	[smem:$0x3FAC] =	sst s8  }
0x11: {  	[smem:$0x3FAD] =	sst s9;
	s0 =	simm.s32 @!p0 $0x0  }
0x12: {  	s1 =	sld [smem:$0x3F93];
	s0 =	simm.s32 @p0 $0x1  }
0x13: {  	[smem:$0x3FAE] =	sst s0;
	s0 =	simm.s32 @!p1 $0x0  }
0x14: {  	s2 =	sld [smem:$0x3F92];
	s0 =	simm.s32 @p1 $0x1  }
0x15: {  	[smem:$0x3FAF] =	sst s0;
	s0 =	simm.s32 @!p2 $0x0  }
0x16: {  	s3 =	sld [smem:$0x3FDB];
	s0 =	simm.s32 @p2 $0x1  }
0x17: {  	s4 =	simm.s32 $0x1BF5;
	[smem:$0x3FB1] =	sst s0  }
0x18: {  	s0 =	sld [smem:$0x3F94];
	_ =	swait.ge [sflag:s4], $0x0  }
0x19: {  	s7 =	sld [smem:$0x3F95]  }
0x1a: {  	s8 =	sadd.s32 $0xFFFFE003, lr  }
0x1b: {  	s9 =	sadd.s32 $0xFFFFFEF7, lr;
	s5 =	simm.s32 $0xFFFFFFFF;
	p2 =	slt.u32 s8, $0xFFFFF086  }
0x1c: {  	p1 =	slt.u32 s9, $0xF7A;
	s5 =	simm.s32 @!p2 $0x0  }
0x1d: {  	s5 =	simm.s32 @p1 $0x1;
	p0 =	seq.s32 s7, s2  }
0x1e: {  	s7 =	smul.u32 @!p0 $0xF7A, s2;
	p2 =	seq.s32 @!p0 s5, $0x0  }
0x1f: {  	s9 =	smul.u32 $0xF7A, s1;
	s8 =	simm.s32 @!p0 $0x1BF5;
	p2 =	por !p2, p0  }
0x20: {  	[sflag:s8] =	ssyncset.s32 @!p0 $0xFFFFF086;
	s6 =	sadd.s32 @!p0 s3, s7;
	s7 =	simm.s32 @!p0 $0x108  }
0x21: {  	s3 =	sadd.s32 s3, s9;
	s6 =	sadd.s32 @!p0 $0x88, s6;
	s7 =	simm.s32 @p2 $0x1082  }
0x22: {  	[simem:s7], [sflag:s8] =	dma.local @!p0 [hbm:s6], $0xF7A  }
0x23: {  	s9 =	sor.u32 $0xD0000000, s2;
	s6 =	simm.s32 $0x108;
	_ =	swait.ge @!p0 [sflag:s8], $0x0  }
0x24: {  	s3 =	sadd.s32 $0x88, s3;
	s6 =	simm.s32 @!p1 $0x1082;
	[sflag:s4] =	ssyncset.s32 $0xFFFFF086  }
0x25: {  	[simem:s6], [sflag:s4] =	dma.local [hbm:s3], $0xF7A  }
0x26: {  	[smem:$0x3F95] =	sst s1;
	(tag) =	ssettag s2;
	_ =	strace s9  }
0x27: {  	s1 =	sld [smem:$0x3FA5]  }
0x28: {  	s2 =	sld [smem:$0x3FA6]  }
0x29: {  	s4 =	sld [smem:$0x3FA8]  }
0x2a: {  	p0 =	seq.s32 s5, $0x0;
	s5 =	sld [smem:$0x3FA9]  }
0x2b: {  	s6 =	sld [smem:$0x3FAA]  }
0x2c: {  	s7 =	sld [smem:$0x3FAB]  }
0x2d: {  	s3 =	simm.s32 $0x108;
	s8 =	sld [smem:$0x3FAC]  }
0x2e: {  	s3 =	simm.s32 @!p0 $0x1082;
	s9 =	sld [smem:$0x3FAD]  }
0x2f: {  	lr =	sadd.s32 s0, s3;
	s0 =	sld [smem:$0x3FA4]  }
0x30: {  	s3 =	sld [smem:$0x3FA7]  }
0x31: {  	[smem:$0x3FB0] =	sst s10  }
0x32: {  	s10 =	sld [smem:$0x3FAE];
	_ =	sdelay $0x3  }
0x33: {  	p0 =	seq.s32 s10, $0x1;
	s10 =	sld [smem:$0x3FB0];
	_ =	sdelay $0x3  }
0x34: {  	[smem:$0x3FB0] =	sst s10  }
0x35: {  	s10 =	sld [smem:$0x3FAF];
	_ =	sdelay $0x3  }
0x36: {  	p1 =	seq.s32 s10, $0x1;
	s10 =	sld [smem:$0x3FB0];
	_ =	sdelay $0x3  }
0x37: {  	[smem:$0x3FB0] =	sst s10  }
0x38: {  	s10 =	sld [smem:$0x3FB1]  }
0x39: {  	_ = 	snop;
	(pc) =	sbr.ind lr, $3  }
0x3a: {  	_ = 	snop  }
0x3b: {  	_ = 	snop  }
0x3c: {  	p2 =	seq.s32 s10, $0x1;
	s10 =	sld [smem:$0x3FB0]  }
0x3d: {  	_ =	shalt  }
0x3e: {  	_ =	shalt  }
0x3f: {  	_ =	shalt  }
0x40: {  	_ =	shalt  }
0x41: {  	_ =	shalt  }
0x42: {  	_ =	shalt  }
0x43: {  	_ =	shalt  }
0x44: {  	_ =	shalt  }
0x45: {  	_ =	shalt  }
0x46: {  	_ =	shalt  }
0x47: {  	_ =	shalt  }
0x48: {  	_ =	shalt  }
0x49: {  	_ =	shalt  }
0x4a: {  	_ =	shalt  }
0x4b: {  	_ =	shalt  }
0x4c: {  	_ =	shalt  }
0x4d: {  	_ =	shalt  }
0x4e: {  	_ =	shalt  }
0x4f: {  	_ =	shalt  }
0x50: {  	_ =	shalt  }
0x51: {  	_ =	shalt  }
0x52: {  	_ =	shalt  }
0x53: {  	_ =	shalt  }
0x54: {  	_ =	shalt  }
0x55: {  	_ =	shalt  }
0x56: {  	_ =	shalt  }
0x57: {  	_ =	shalt  }
0x58: {  	_ =	shalt  }
0x59: {  	_ =	shalt  }
0x5a: {  	_ =	shalt  }
0x5b: {  	_ =	shalt  }
0x5c: {  	_ =	shalt  }
0x5d: {  	_ =	shalt  }
0x5e: {  	_ =	shalt  }
0x5f: {  	_ =	shalt  }
0x60: {  	_ =	shalt  }
0x61: {  	_ =	shalt  }
0x62: {  	_ =	shalt  }
0x63: {  	_ =	shalt  }
0x64: {  	_ =	shalt  }
0x65: {  	_ =	shalt  }
0x66: {  	_ =	shalt  }
0x67: {  	_ =	shalt  }
0x68: {  	_ =	shalt  }
0x69: {  	_ =	shalt  }
0x6a: {  	_ =	shalt  }
0x6b: {  	_ =	shalt  }
0x6c: {  	_ =	shalt  }
0x6d: {  	_ =	shalt  }
0x6e: {  	_ =	shalt  }
0x6f: {  	_ =	shalt  }
0x70: {  	_ =	shalt  }
0x71: {  	_ =	shalt  }
0x72: {  	_ =	shalt  }
0x73: {  	_ =	shalt  }
0x74: {  	_ =	shalt  }
0x75: {  	_ =	shalt  }
0x76: {  	_ =	shalt  }
0x77: {  	_ =	shalt  }
0x78: {  	_ =	shalt  }
0x79: {  	_ =	shalt  }
0x7a: {  	_ =	shalt  }
0x7b: {  	_ =	shalt  }
0x7c: {  	_ =	shalt  }
0x7d: {  	_ =	shalt  }
0x7e: {  	_ =	shalt  }
0x7f: {  	_ =	shalt  }
0x80: {  	_ =	shalt  }
0x81: {  	_ =	shalt  }
0x82: {  	_ =	shalt  }
0x83: {  	_ =	shalt  }
0x84: {  	_ =	shalt  }
0x85: {  	_ =	shalt  }
0x86: {  	_ =	shalt  }
0x87: {  	_ =	shalt  }
.Lfunc_end0:
.L_simem_size_0:
called_computation.2_lowered:
.L_overlay_start_0:
0x88: {  	s2 =	sld [smem:$0x3FD9]  }
0x89: {  	s3 =	sld [smem:$0x3FFE];
	_ =	sdelay $0x1  }
0x8a: {  	s1 =	srdreg.scid  }
0x8b: {  	s0 =	sand.u32 $0x1, s1  }
0x8c: {  	s14 =	sshll.u32 s0, $0xA;
	s2 =	sadd.s32 s3, s2  }
0x8d: {  	s2 =	sadd.s32 s2, s14  }
0x8e: {  	[smem:$0x3FBC] =	sst s2  }
0x8f: {  	_ = 	snop  }
0x90: {  	s2 =	sld [smem:$0x3FD0];
	_ =	sdelay $0x2  }
0x91: {  	s15 =	simm.s32 $0xA;
	s4 =	simm.s32 $0x10  }
0x92: {  	[smem:s4], [sflag:s15] =	dma.local [hbm:s2], $0x1  }
0x93: {  	_ =	swait.eq [sflag:s15], $0x1  }
0x94: {  	[sflag:s15] =	ssyncset.done $0x0  }
0x95: {  	s16 =	sld [smem:$0x10];
	[sflag:s15] =	ssyncadd.s32 $0xFFFFFFFF  }
0x96: {  	s17 =	sld [smem:$0x11];
	(tm) =	ssettm $0x1  }
0x97: {  	s18 =	sld [smem:$0x3FFB];
	_ =	sdelay $0x3  }
0x98: {  	_ =	strace s18  }
0x99: {  	s4 =	sld [smem:$0x3FFC];
	_ =	sdelay $0x3  }
0x9a: {  	_ =	strace s4  }
0x9b: {  	s4 =	sld [smem:$0x3FFD];
	_ =	sdelay $0x3  }
0x9c: {  	_ =	strace s4  }
0x9d: {  	_ =	strace $0x8FFFFFFF  }
0x9e: {  	s19 =	sld [smem:$0x3FDB];
	_ =	sdelay $0x1  }
0x9f: {  	s5 =	simm.s32 $_scs_section_size  }
0xa0: {  	s6 =	simm.s32 $_size__tile_overlayer_lowered;
	s7 =	simm.s32 $_tile_overlayer_lowered  }
0xa1: {  	s22 =	simm.s32 $0x1BFF;
	s21 =	sshll.u32 s7, $0x1;
	s4 =	sadd.s32 s5, s19  }
0xa2: {  	s8 =	simm.s32 $0x0;
	s20 =	sshll.u32 s6, $0x1;
	s6 =	sadd.s32 s21, s4  }
0xa3: {  	[timem:s8], [sflag:s22] =	dma.local [hbm:s6], s20  }
0xa4: {  	_ =	swait.ge [sflag:s22], s20  }
0xa5: {  	s5 =	ssub.s32 $0x0, s20;
	[sflag:s22] =	ssyncset.done $0x0  }
0xa6: {  	[sflag:s22] =	ssyncadd.s32 s5;
	_ =	sdelay $0x1  }
0xa7: {  	s23 =	simm.s32 $0x1B8B  }
0xa8: {  	_ =	swait.ge [sflag:s23], $0x1  }
0xa9: {  	[sflag:s23] =	ssyncset.done $0x0  }
0xaa: {  	s25 =	simm.s32 $0x1B8E;
	s24 =	sld [smem:$0x3FFE];
	[sflag:s23] =	ssyncadd.s32 $0xFFFFFFFF  }
0xab: {  	s26 =	simm.s32 $execute0_lowered;
	[smem:$0x3FD2] =	sst s25  }
0xac: {  	s6 =	sshll.u32 s26, $0x1;
	_ =	strace $0x8000004C;
	[dreg:$0x1] =	wrdreg $0xFFFFFFFF  }
0xad: {  	s28 =	simm.s32 $_size_execute0_lowered;
	s4 =	sadd.s32 s4, s6;
	[dreg:$0x0] =	wrdreg $0x0  }
0xae: {  	s6 =	sshll.u32 s28, $0x1;
	[dreg:$0x2] =	wrdreg s4  }
0xaf: {  	[dreg:$0x3] =	wrdreg s6  }
0xb0: {  	[dreg:$0x4] =	wrdreg $0xC0  }
0xb1: {  	_ =	task [dreg:s8], $0x5FFFF  }
0xb2: {  	[dreg:$0x1] =	wrdreg $0xFFFFFFFF  }
0xb3: {  	[dreg:$0x0] =	wrdreg $0x60  }
0xb4: {  	[dreg:$0x2] =	wrdreg s24  }
0xb5: {  	[dreg:$0x3] =	wrdreg s16  }
0xb6: {  	[dreg:$0x4] =	wrdreg s17  }
0xb7: {  	[dreg:$0x5] =	wrdreg $0x9  }
0xb8: {  	_ =	task.clear_ibuf [dreg:s8], $0x6FFFF;
	_ =	strace $0x9000004C  }
0xb9: {  	s29 =	simm.s32 $0x9;
	_ =	strace $0x8000004E  }
0xba: {  	_ =	swait.ge [sflag:s29], $0x1  }
0xbb: {  	[sflag:s29] =	ssyncadd.s32 $0xFFFFFFFF  }
0xbc: {  	_ =	strace $0x9000004E  }
0xbd: {  	_ =	sfence  }
0xbe: {  	s30 =	sld [smem:$0x0];
	_ =	sdelay $0x2  }
0xbf: {  	s31 =	sshll.u32 s1, $0xD;
	s1 =	sshrl.u32 s1, $0x2  }
0xc0: {  	s3 =	sand.u32 $0x4000, s31;
	s1 =	sadd.s32 s1, s30  }
0xc1: {  	s0 =	sor.u32 s3, s0;
	s1 =	sshll.u32 s1, $0x11  }
0xc2: {  	s0 =	sor.u32 s1, s0  }
0xc3: {  	s0 =	sadd.s32 $0x8F2B, s0  }
0xc4: {  	[sflag:s0] =	ssyncadd.remote.s32 $0x1  }
0xc5: {  	_ =	sfence.sel $0xFFFF  }
0xc6: {  	[dreg:$0x0] =	wrdreg $0xFFFFFFFF;
	(pc) =	sbr.abs _section_cstart, $3  }
0xc7: {  	[dreg:$0x1] =	wrdreg $0xFFFFFFFF  }
0xc8: {  	_ =	task.clear_ibuf [dreg:s8], $0x2FFFF;
	_ =	strace $0x9FFFFFFF  }
0xc9: {  	(tm) =	ssettm $0x7FFFFFFF  }
tec
execute0_lowered:
.L_overlay_start_1:
0x0: {  	(tag) =	ssettag $0x1  }
0x1: {  	s5 =	rddreg [dreg:$0x0]  }
0x2: {  	s7 =	rddreg [dreg:$0x1];
	s1 =	srdreg.scid  }
0x3: {  	s0 =	stileid.u32;
	s8 =	rddreg [dreg:$0x2]  }
0x4: {  	s2 =	simm.s32 $0x0;
	s12 =	simm.s32 $0x4E20;
	s13 =	simm.s32 $0x7530  }
0x5: {  	s14 =	simm.s32 $0x9C40;
	s3 =	sand.u32 $0x1, s1;
	s4 =	sshll.u32 s0, $0x1  }
0x6: {  	s15 =	simm.s32 $0xC350;
	s16 =	simm.s32 $0x0;
	s4 =	sor.u32 s3, s4  }
0x7: {  	[smem:$0x7FF] =	sst s2;
	s6 =	ssub.s32 $0x2, s3;
	s4 =	smul.u32 $0x2710, s4  }
0x8: {  	s1 =	rddreg [dreg:$0x3];
	_ =	strace $0x8000004D;
	s10 =	sshrl.u32 s6, $0x1  }
0x9: {  	s3 =	sadd.s32 $0x17000, s5;
	s10 =	ssub.s32 s6, s10;
	s9 =	sshrl.u32 s4, $0x3  }
0xa: {  	s4 =	sadd.s32 $0x17600, s5;
	s11 =	sadd.s32 s9, s5;
	s7 =	sadd.s32 s7, s9  }
0xb: {  	s8 =	sadd.s32 s8, s9;
	s9 =	smax.u32 s10, $0x1;
	s10 =	simm.s32 $0x1  }
0xc: {  	s5 =	sadd.s32 $0x3600, s11;
	s6 =	sadd.s32 $0xD240, s11;
	s11 =	simm.s32 $0x2710  }
.LBB2_1:
0xd: {  	[tilespmem:s2], [sflag:$0x1] =	stream.linear.gather [hbm4b:s5+s2], $0x2710, $0x38;
	[tilespmem:$0xEA60] =	vst v63  }
0xe: {  	_ =	swait.ge [sflag:s10], $0x2710  }
0xf: {  	[sflag:s10] =	ssyncset.done $0x0  }
0x10: {  	[sflag:s10] =	ssyncadd.s32 $0xFFFFD8F0  }
0x11: {  	[tilespmem:s11], [sflag:$0x1] =	stream.linear.gather [hbm4b:s6+s2], $0x2710, $0x38;
	[tilespmem:$0xEA60] =	vst v63  }
0x12: {  	_ =	swait.ge [sflag:s10], $0x2710  }
0x13: {  	[sflag:s10] =	ssyncset.done $0x0  }
0x14: {  	[sflag:s10] =	ssyncadd.s32 $0xFFFFD8F0  }
0x15: {  	[tilespmem:s12], [sflag:$0x1] =	stream.linear.gather [hbm4b:s3+s2], $0x2710, $0x38;
	[tilespmem:$0xEA60] =	vst v63  }
0x16: {  	_ =	swait.ge [sflag:s10], $0x2710  }
0x17: {  	[sflag:s10] =	ssyncset.done $0x0  }
0x18: {  	[sflag:s10] =	ssyncadd.s32 $0xFFFFD8F0  }
0x19: {  	[tilespmem:s13], [sflag:$0x1] =	stream.linear.gather [hbm4b:s4+s2], $0x2710, $0x38;
	[tilespmem:$0xEA60] =	vst v63  }
0x1a: {  	_ =	swait.ge [sflag:s10], $0x2710  }
0x1b: {  	[sflag:s10] =	ssyncset.done $0x0  }
0x1c: {  	s17 =	simm.s32 $0x0;
	[sflag:s10] =	ssyncadd.s32 $0xFFFFD8F0  }
0x1d: {  	v0 =	vld [tilespmem:s17+$0x2710]  }
0x1e: {  	v1 =	vld [tilespmem:s17+$0x0];
	_ =	sdelay $0x6  }
0x1f: {  	v0 =	vld.idx.msk [tilespmem:v0+s13+$0x0], $0xffff  }
0x20: {  	v1 =	vld.idx.msk [tilespmem:v1+s12+$0x0], $0xffff;
	_ =	sdelay $0x4  }
0x21: {  	v0 =	vadd.f32 v0, v1;
	_ =	sdelay $0x1  }
0x22: {  	v1 =	vsub.f32 $0.0e+00, v0;
	_ =	sdelay $0x1  }
0x23: {  	v1 =	vmul.f32 $1.442695020e+00, v1;
	_ =	sdelay $0x1  }
0x24: {  	(erf) = vpow2.f32 v1;
	_ =	sdelay $0x8  }
0x25: {  	v1 =	vpop (erf)  }
0x26: {  	v1 =	vadd.f32 $1.000000000e+00, v1;
	_ =	sdelay $0x1  }
0x27: {  	(erf) = vrcp.f32 v1;
	_ =	sdelay $0x1  }
0x28: {  	s19 =	simm.s32 $0x10;
	[tilespmem:s17+$0x9C40] =	vst v0  }
0x29: {  	s18 =	simm.s32 $0x80;
	v0 =	vld [tilespmem:s19+$0x2710]  }
.LBB2_2:
0x2a: {  	p0 =	sne.s32 s18, $0x9C00;
	v1 =	vld [tilespmem:s19+$0x0];
	_ =	sdelay $0x4  }
0x2b: {  	v2 =	vpop (erf)  }
0x2c: {  	[tilespmem:s17+$0xC350] =	vst v2;
	s17 =	smov.u32 s19  }
0x2d: {  	v0 =	vld.idx.msk [tilespmem:v0+s13+$0x0], $0xffff  }
0x2e: {  	v1 =	vld.idx.msk [tilespmem:v1+s12+$0x0], $0xffff;
	_ =	sdelay $0x5  }
0x2f: {  	v0 =	vadd.f32 v0, v1;
	_ =	sdelay $0x1  }
0x30: {  	[tilespmem:s17+$0x9C40] =	vst v0;
	v0 =	vsub.f32 $0.0e+00, v0;
	_ =	sdelay $0x1  }
0x31: {  	v0 =	vmul.f32 $1.442695020e+00, v0;
	_ =	sdelay $0x1  }
0x32: {  	(erf) = vpow2.f32 v0;
	_ =	sdelay $0x8  }
0x33: {  	v0 =	vpop (erf)  }
0x34: {  	v0 =	vadd.f32 $1.000000000e+00, v0  }
.Ltmp0:
0x35: {  	(pc) =	sbr.rel @p0 .LBB2_2-.Ltmp0, $3  }
0x36: {  	(erf) = vrcp.f32 v0;
	_ =	sdelay $0x1  }
0x37: {  	s19 =	sshra.s32 s18, $0x2  }
0x38: {  	s18 =	sadd.s32 $0x40, s18;
	v0 =	vld [tilespmem:s19+$0x2710]  }
0x39: {  	_ = 	snop  }
0x3a: {  	v1 =	vld [tilespmem:s19+$0x0];
	_ =	sdelay $0x4  }
0x3b: {  	v2 =	vpop (erf)  }
0x3c: {  	[tilespmem:s17+$0xC350] =	vst v2  }
0x3d: {  	v0 =	vld.idx.msk [tilespmem:v0+s13+$0x0], $0xffff  }
0x3e: {  	v1 =	vld.idx.msk [tilespmem:v1+s12+$0x0], $0xffff;
	_ =	sdelay $0x4  }
0x3f: {  	v0 =	vadd.f32 v0, v1;
	_ =	sdelay $0x1  }
0x40: {  	v1 =	vsub.f32 $0.0e+00, v0;
	_ =	sdelay $0x1  }
0x41: {  	v1 =	vmul.f32 $1.442695020e+00, v1;
	_ =	sdelay $0x1  }
0x42: {  	(erf) = vpow2.f32 v1;
	_ =	sdelay $0x8  }
0x43: {  	v1 =	vpop (erf)  }
0x44: {  	v1 =	vadd.f32 $1.000000000e+00, v1;
	_ =	sdelay $0x1  }
0x45: {  	(erf) = vrcp.f32 v1;
	_ =	sdelay $0x8  }
0x46: {  	[tilespmem:s19+$0x9C40] =	vst v0;
	v63 =	vpop (erf)  }
0x47: {  	[tilespmem:s19+$0xC350] =	vst v63  }
0x48: {  	[hbm4b:s7+s2] =	stream.linear.scatter [tilespmem:s14], [sflag:$0x1], $0x2710, $0x38;
	[tilespmem:$0xEA60] =	vst v63  }
0x49: {  	s16 =	sadd.s32 $0x1, s16;
	_ =	swait.ge [sflag:s10], $0x2710  }
0x4a: {  	p0 =	sne.s32 s16, s9;
	[sflag:s10] =	ssyncset.done $0x0  }
.Ltmp1:
0x4b: {  	[sflag:s10] =	ssyncadd.s32 $0xFFFFD8F0;
	(pc) =	sbr.rel @p0 .LBB2_1-.Ltmp1, $4  }
0x4c: {  	[hbm4b:s8+s2] =	stream.linear.scatter [tilespmem:s15], [sflag:$0x1], $0x2710, $0x38;
	[tilespmem:$0xEA60] =	vst v63  }
0x4d: {  	_ =	swait.ge [sflag:s10], $0x2710  }
0x4e: {  	[sflag:s10] =	ssyncset.done $0x0  }
0x4f: {  	[sflag:s10] =	ssyncadd.s32 $0xFFFFD8F0  }
0x50: {  	_ =	sfence.sel $0x180000  }
0x51: {  	[bflag:$0x0] =	sbarrier.arrive $0xFFFF  }
0x52: {  	p0 =	sne.s32 s0, $0x0;
	_ =	strace $0x9000004D  }
0x53: {  	s0 =	sadd.s32 @!p0 $0x100000, s1;
	[bflag:$0x2] =	sbarrier.arrive $0xFFFF  }
0x54: {  	[sflag:s0] =	ssyncadd.tile.s32 @!p0 $0x1;
	_ =	shalt  }
.Lfunc_end2:
_tile_overlayer_lowered:
.L_overlay_start_2:
0x55: {  	(tag) =	ssettag $0x2  }
0x56: {  	s0 =	rddreg [dreg:$0x0];
	s2 =	stileid.u32  }
0x57: {  	s1 =	rddreg [dreg:$0x1];
	p0 =	sne.s32 s2, $0x0  }
0x58: {  	s3 =	rddreg [dreg:$0x2];
	[bflag:$0x3] =	sbarrier.arrive $0xFFFF;
	s2 =	simm.s32 @!p0 $0x1C01  }
0x59: {  	[timem:s3], [sflag:s2] =	dma.local @!p0 [hbm:s0], s1  }
0x5a: {  	s0 =	simm.s32 @!p0 $0x1  }
0x5b: {  	_ =	swait.ge @!p0 [sflag:s0], s1  }
0x5c: {  	s1 =	ssub.s32 @!p0 $0x0, s1;
	[sflag:s0] =	ssyncset.done @!p0 $0x0  }
0x5d: {  	[sflag:s0] =	ssyncadd.s32 @!p0 s1  }
0x5e: {  	[bflag:$0x3] =	sbarrier.arrive $0xFFFF  }
0x5f: {  	_ =	shalt  }

// kernel: kernel.8.cloned.1.call-start
scs
__scs_entry_jumppad:
0x0: {  	(pc) =	sbr.rel $0x88, $3  }
0x1: {  	(tag) =	ssettag $0x0;
	lr =	simm.s32 $0x1  }
0x2: {  	[smem:$0x3F95] =	sst lr;
	_ =	strace $0xD0000000  }
0x3: {  	_ = 	snop  }
0x4: {  	_ = 	snop  }
0x5: {  	_ = 	snop  }
0x6: {  	_ = 	snop  }
0x7: {  	_ = 	snop  }
__scs_overlays_trampoline_lowered:
0x8: {  	[smem:$0x3FA4] =	sst s0  }
0x9: {  	[smem:$0x3FA5] =	sst s1  }
0xa: {  	[smem:$0x3FA6] =	sst s2  }
0xb: {  	[smem:$0x3FA7] =	sst s3  }
0xc: {  	[smem:$0x3FA8] =	sst s4  }
0xd: {  	[smem:$0x3FA9] =	sst s5  }
0xe: {  	[smem:$0x3FAA] =	sst s6  }
0xf: {  	[smem:$0x3FAB] =	sst s7  }
0x10: {  	[smem:$0x3FAC] =	sst s8  }
0x11: {  	[smem:$0x3FAD] =	sst s9;
	s0 =	simm.s32 @!p0 $0x0  }
0x12: {  	s1 =	sld [smem:$0x3F93];
	s0 =	simm.s32 @p0 $0x1  }
0x13: {  	[smem:$0x3FAE] =	sst s0;
	s0 =	simm.s32 @!p1 $0x0  }
0x14: {  	s2 =	sld [smem:$0x3F92];
	s0 =	simm.s32 @p1 $0x1  }
0x15: {  	[smem:$0x3FAF] =	sst s0;
	s0 =	simm.s32 @!p2 $0x0  }
0x16: {  	s3 =	sld [smem:$0x3FDB];
	s0 =	simm.s32 @p2 $0x1  }
0x17: {  	s4 =	simm.s32 $0x1BF5;
	[smem:$0x3FB1] =	sst s0  }
0x18: {  	s0 =	sld [smem:$0x3F94];
	_ =	swait.ge [sflag:s4], $0x0  }
0x19: {  	s7 =	sld [smem:$0x3F95]  }
0x1a: {  	s8 =	sadd.s32 $0xFFFFE003, lr  }
0x1b: {  	s9 =	sadd.s32 $0xFFFFFEF7, lr;
	s5 =	simm.s32 $0xFFFFFFFF;
	p2 =	slt.u32 s8, $0xFFFFF086  }
0x1c: {  	p1 =	slt.u32 s9, $0xF7A;
	s5 =	simm.s32 @!p2 $0x0  }
0x1d: {  	s5 =	simm.s32 @p1 $0x1;
	p0 =	seq.s32 s7, s2  }
0x1e: {  	s7 =	smul.u32 @!p0 $0xF7A, s2;
	p2 =	seq.s32 @!p0 s5, $0x0  }
0x1f: {  	s9 =	smul.u32 $0xF7A, s1;
	s8 =	simm.s32 @!p0 $0x1BF5;
	p2 =	por !p2, p0  }
0x20: {  	[sflag:s8] =	ssyncset.s32 @!p0 $0xFFFFF086;
	s6 =	sadd.s32 @!p0 s3, s7;
	s7 =	simm.s32 @!p0 $0x108  }
0x21: {  	s3 =	sadd.s32 s3, s9;
	s6 =	sadd.s32 @!p0 $0x88, s6;
	s7 =	simm.s32 @p2 $0x1082  }
0x22: {  	[simem:s7], [sflag:s8] =	dma.local @!p0 [hbm:s6], $0xF7A  }
0x23: {  	s9 =	sor.u32 $0xD0000000, s2;
	s6 =	simm.s32 $0x108;
	_ =	swait.ge @!p0 [sflag:s8], $0x0  }
0x24: {  	s3 =	sadd.s32 $0x88, s3;
	s6 =	simm.s32 @!p1 $0x1082;
	[sflag:s4] =	ssyncset.s32 $0xFFFFF086  }
0x25: {  	[simem:s6], [sflag:s4] =	dma.local [hbm:s3], $0xF7A  }
0x26: {  	[smem:$0x3F95] =	sst s1;
	(tag) =	ssettag s2;
	_ =	strace s9  }
0x27: {  	s1 =	sld [smem:$0x3FA5]  }
0x28: {  	s2 =	sld [smem:$0x3FA6]  }
0x29: {  	s4 =	sld [smem:$0x3FA8]  }
0x2a: {  	p0 =	seq.s32 s5, $0x0;
	s5 =	sld [smem:$0x3FA9]  }
0x2b: {  	s6 =	sld [smem:$0x3FAA]  }
0x2c: {  	s7 =	sld [smem:$0x3FAB]  }
0x2d: {  	s3 =	simm.s32 $0x108;
	s8 =	sld [smem:$0x3FAC]  }
0x2e: {  	s3 =	simm.s32 @!p0 $0x1082;
	s9 =	sld [smem:$0x3FAD]  }
0x2f: {  	lr =	sadd.s32 s0, s3;
	s0 =	sld [smem:$0x3FA4]  }
0x30: {  	s3 =	sld [smem:$0x3FA7]  }
0x31: {  	[smem:$0x3FB0] =	sst s10  }
0x32: {  	s10 =	sld [smem:$0x3FAE];
	_ =	sdelay $0x3  }
0x33: {  	p0 =	seq.s32 s10, $0x1;
	s10 =	sld [smem:$0x3FB0];
	_ =	sdelay $0x3  }
0x34: {  	[smem:$0x3FB0] =	sst s10  }
0x35: {  	s10 =	sld [smem:$0x3FAF];
	_ =	sdelay $0x3  }
0x36: {  	p1 =	seq.s32 s10, $0x1;
	s10 =	sld [smem:$0x3FB0];
	_ =	sdelay $0x3  }
0x37: {  	[smem:$0x3FB0] =	sst s10  }
0x38: {  	s10 =	sld [smem:$0x3FB1]  }
0x39: {  	_ = 	snop;
	(pc) =	sbr.ind lr, $3  }
0x3a: {  	_ = 	snop  }
0x3b: {  	_ = 	snop  }
0x3c: {  	p2 =	seq.s32 s10, $0x1;
	s10 =	sld [smem:$0x3FB0]  }
0x3d: {  	_ =	shalt  }
0x3e: {  	_ =	shalt  }
0x3f: {  	_ =	shalt  }
0x40: {  	_ =	shalt  }
0x41: {  	_ =	shalt  }
0x42: {  	_ =	shalt  }
0x43: {  	_ =	shalt  }
0x44: {  	_ =	shalt  }
0x45: {  	_ =	shalt  }
0x46: {  	_ =	shalt  }
0x47: {  	_ =	shalt  }
0x48: {  	_ =	shalt  }
0x49: {  	_ =	shalt  }
0x4a: {  	_ =	shalt  }
0x4b: {  	_ =	shalt  }
0x4c: {  	_ =	shalt  }
0x4d: {  	_ =	shalt  }
0x4e: {  	_ =	shalt  }
0x4f: {  	_ =	shalt  }
0x50: {  	_ =	shalt  }
0x51: {  	_ =	shalt  }
0x52: {  	_ =	shalt  }
0x53: {  	_ =	shalt  }
0x54: {  	_ =	shalt  }
0x55: {  	_ =	shalt  }
0x56: {  	_ =	shalt  }
0x57: {  	_ =	shalt  }
0x58: {  	_ =	shalt  }
0x59: {  	_ =	shalt  }
0x5a: {  	_ =	shalt  }
0x5b: {  	_ =	shalt  }
0x5c: {  	_ =	shalt  }
0x5d: {  	_ =	shalt  }
0x5e: {  	_ =	shalt  }
0x5f: {  	_ =	shalt  }
0x60: {  	_ =	shalt  }
0x61: {  	_ =	shalt  }
0x62: {  	_ =	shalt  }
0x63: {  	_ =	shalt  }
0x64: {  	_ =	shalt  }
0x65: {  	_ =	shalt  }
0x66: {  	_ =	shalt  }
0x67: {  	_ =	shalt  }
0x68: {  	_ =	shalt  }
0x69: {  	_ =	shalt  }
0x6a: {  	_ =	shalt  }
0x6b: {  	_ =	shalt  }
0x6c: {  	_ =	shalt  }
0x6d: {  	_ =	shalt  }
0x6e: {  	_ =	shalt  }
0x6f: {  	_ =	shalt  }
0x70: {  	_ =	shalt  }
0x71: {  	_ =	shalt  }
0x72: {  	_ =	shalt  }
0x73: {  	_ =	shalt  }
0x74: {  	_ =	shalt  }
0x75: {  	_ =	shalt  }
0x76: {  	_ =	shalt  }
0x77: {  	_ =	shalt  }
0x78: {  	_ =	shalt  }
0x79: {  	_ =	shalt  }
0x7a: {  	_ =	shalt  }
0x7b: {  	_ =	shalt  }
0x7c: {  	_ =	shalt  }
0x7d: {  	_ =	shalt  }
0x7e: {  	_ =	shalt  }
0x7f: {  	_ =	shalt  }
0x80: {  	_ =	shalt  }
0x81: {  	_ =	shalt  }
0x82: {  	_ =	shalt  }
0x83: {  	_ =	shalt  }
0x84: {  	_ =	shalt  }
0x85: {  	_ =	shalt  }
0x86: {  	_ =	shalt  }
0x87: {  	_ =	shalt  }
.Lfunc_end0:
.L_simem_size_0:
called_computation_lowered:
.L_overlay_start_0:
0x88: {  	s2 =	sld [smem:$0x3FD9]  }
0x89: {  	s3 =	sld [smem:$0x3FFE];
	_ =	sdelay $0x1  }
0x8a: {  	s1 =	srdreg.scid  }
0x8b: {  	s0 =	sand.u32 $0x1, s1  }
0x8c: {  	s14 =	sshll.u32 s0, $0xA;
	s2 =	sadd.s32 s3, s2  }
0x8d: {  	s2 =	sadd.s32 s2, s14  }
0x8e: {  	[smem:$0x3FBC] =	sst s2  }
0x8f: {  	_ = 	snop  }
0x90: {  	s2 =	sld [smem:$0x3FD0];
	_ =	sdelay $0x2  }
0x91: {  	s15 =	simm.s32 $0xA;
	s4 =	simm.s32 $0x10  }
0x92: {  	[smem:s4], [sflag:s15] =	dma.local [hbm:s2], $0x1  }
0x93: {  	_ =	swait.eq [sflag:s15], $0x1  }
0x94: {  	[sflag:s15] =	ssyncset.done $0x0  }
0x95: {  	s16 =	sld [smem:$0x10];
	[sflag:s15] =	ssyncadd.s32 $0xFFFFFFFF  }
0x96: {  	s17 =	sld [smem:$0x11];
	(tm) =	ssettm $0x1  }
0x97: {  	s18 =	sld [smem:$0x3FFB];
	_ =	sdelay $0x3  }
0x98: {  	_ =	strace s18  }
0x99: {  	s4 =	sld [smem:$0x3FFC];
	_ =	sdelay $0x3  }
0x9a: {  	_ =	strace s4  }
0x9b: {  	s4 =	sld [smem:$0x3FFD];
	_ =	sdelay $0x3  }
0x9c: {  	_ =	strace s4  }
0x9d: {  	_ =	strace $0x8FFFFFFF  }
0x9e: {  	s19 =	sld [smem:$0x3FDB];
	_ =	sdelay $0x1  }
0x9f: {  	s5 =	simm.s32 $_scs_section_size  }
0xa0: {  	s6 =	simm.s32 $_size__tile_overlayer_lowered;
	s7 =	simm.s32 $_tile_overlayer_lowered  }
0xa1: {  	s22 =	simm.s32 $0x1BFF;
	s21 =	sshll.u32 s7, $0x1;
	s4 =	sadd.s32 s5, s19  }
0xa2: {  	s8 =	simm.s32 $0x0;
	s20 =	sshll.u32 s6, $0x1;
	s6 =	sadd.s32 s21, s4  }
0xa3: {  	[timem:s8], [sflag:s22] =	dma.local [hbm:s6], s20  }
0xa4: {  	_ =	swait.ge [sflag:s22], s20  }
0xa5: {  	s5 =	ssub.s32 $0x0, s20;
	[sflag:s22] =	ssyncset.done $0x0  }
0xa6: {  	[sflag:s22] =	ssyncadd.s32 s5;
	_ =	sdelay $0x1  }
0xa7: {  	s23 =	simm.s32 $0x1B8B  }
0xa8: {  	_ =	swait.ge [sflag:s23], $0x1  }
0xa9: {  	[sflag:s23] =	ssyncset.done $0x0  }
0xaa: {  	s25 =	simm.s32 $0x1B8E;
	s24 =	sld [smem:$0x3FFE];
	[sflag:s23] =	ssyncadd.s32 $0xFFFFFFFF  }
0xab: {  	s26 =	simm.s32 $execute0_lowered;
	[smem:$0x3FD2] =	sst s25  }
0xac: {  	s6 =	sshll.u32 s26, $0x1;
	_ =	strace $0x80000046;
	[dreg:$0x1] =	wrdreg $0xFFFFFFFF  }
0xad: {  	s28 =	simm.s32 $_size_execute0_lowered;
	s4 =	sadd.s32 s4, s6;
	[dreg:$0x0] =	wrdreg $0x0  }
0xae: {  	s6 =	sshll.u32 s28, $0x1;
	[dreg:$0x2] =	wrdreg s4  }
0xaf: {  	[dreg:$0x3] =	wrdreg s6  }
0xb0: {  	[dreg:$0x4] =	wrdreg $0xC0  }
0xb1: {  	_ =	task [dreg:s8], $0x5FFFF  }
0xb2: {  	[dreg:$0x1] =	wrdreg $0xFFFFFFFF  }
0xb3: {  	[dreg:$0x0] =	wrdreg $0x60  }
0xb4: {  	[dreg:$0x2] =	wrdreg s24  }
0xb5: {  	[dreg:$0x3] =	wrdreg s17  }
0xb6: {  	[dreg:$0x4] =	wrdreg s16  }
0xb7: {  	[dreg:$0x5] =	wrdreg $0x6F000  }
0xb8: {  	[dreg:$0x6] =	wrdreg $0x96100  }
0xb9: {  	[dreg:$0x7] =	wrdreg $0xBD900  }
0xba: {  	[dreg:$0x8] =	wrdreg $0x9  }
0xbb: {  	_ =	task.clear_ibuf [dreg:s8], $0x9FFFF;
	_ =	strace $0x90000046  }
0xbc: {  	s29 =	simm.s32 $0x9;
	_ =	strace $0x80000048  }
0xbd: {  	_ =	swait.ge [sflag:s29], $0x1  }
0xbe: {  	[sflag:s29] =	ssyncadd.s32 $0xFFFFFFFF  }
0xbf: {  	_ =	strace $0x90000048  }
0xc0: {  	_ =	sfence  }
0xc1: {  	s30 =	sld [smem:$0x0];
	_ =	sdelay $0x2  }
0xc2: {  	s31 =	sshll.u32 s1, $0xD;
	s1 =	sshrl.u32 s1, $0x2  }
0xc3: {  	s3 =	sand.u32 $0x4000, s31;
	s1 =	sadd.s32 s1, s30  }
0xc4: {  	s0 =	sor.u32 s3, s0;
	s1 =	sshll.u32 s1, $0x11  }
0xc5: {  	s0 =	sor.u32 s1, s0  }
0xc6: {  	s0 =	sadd.s32 $0x8F2B, s0  }
0xc7: {  	[sflag:s0] =	ssyncadd.remote.s32 $0x1  }
0xc8: {  	_ =	sfence.sel $0xFFFF  }
0xc9: {  	[dreg:$0x0] =	wrdreg $0xFFFFFFFF;
	(pc) =	sbr.abs _section_cstart, $3  }
0xca: {  	[dreg:$0x1] =	wrdreg $0xFFFFFFFF  }
0xcb: {  	_ =	task.clear_ibuf [dreg:s8], $0x2FFFF;
	_ =	strace $0x9FFFFFFF  }
0xcc: {  	(tm) =	ssettm $0x7FFFFFFF  }
0xcd: {  	_ =	shalt  }
tec
execute0_lowered:
.L_overlay_start_1:
0x0: {  	(tag) =	ssettag $0x1  }
0x1: {  	s2 =	rddreg [dreg:$0x0]  }
0x2: {  	s4 =	rddreg [dreg:$0x1]  }
0x3: {  	s5 =	rddreg [dreg:$0x2]  }
0x4: {  	s0 =	rddreg [dreg:$0x3]  }
0x5: {  	s1 =	rddreg [dreg:$0x4]  }
0x6: {  	s6 =	srdreg.scid;
	s3 =	rddreg [dreg:$0x5]  }
0x7: {  	s17 =	stileid.u32;
	s9 =	simm.s32 $0x0;
	s29 =	simm.s32 $0x80  }
0x8: {  	s30 =	simm.s32 $0x4F00;
	s31 =	simm.s32 $0x5700;
	s8 =	smul.u32 $0x4E, s17  }
0x9: {  	s28 =	simm.s32 $0x5F00;
	s6 =	sand.u32 $0x1, s6;
	s26 =	smul.u32 $0x2700, s17  }
0xa: {  	[smem:$0x7FF] =	sst s9;
	s13 =	smax.u32 s17, $0xE;
	s12 =	smul.u32 $0x2780, s17  }
0xb: {  	p1 =	slt.u32 s17, $0xE;
	p0 =	sne.s32 s17, $0x0;
	s9 =	simm.s32 $0x4E00  }
0xc: {  	s7 =	smul.u32 $0x4E2, s6;
	_ =	strace $0x80000047;
	s15 =	ssub.s32 $0x2, s6  }
0xd: {  	s6 =	smul.u32 $0x27100, s6;
	s10 =	sshrl.u32 s26, $0x3;
	s11 =	sshrl.u32 s12, $0x3  }
0xe: {  	s20 =	sadd.s32 s26, s0;
	s21 =	sadd.s32 s12, s1;
	s12 =	sadd.s32 s12, s3  }
0xf: {  	s25 =	sadd.s32 s26, s1;
	s7 =	sadd.s32 s8, s7;
	s14 =	sadd.s32 s10, s2  }
0x10: {  	s11 =	sadd.s32 s11, s2;
	s22 =	sadd.s32 s26, s6;
	s24 =	sshrl.u32 s6, $0x3  }
0x11: {  	s6 =	simm.s32 $0x3;
	s7 =	sadd.s32 s7, s13;
	s13 =	sshrl.u32 s15, $0x1  }
0x12: {  	s8 =	sadd.s32 $0x17000, s14;
	s11 =	sadd.s32 $0x1C000, s11;
	s7 =	sshll.u32 s7, $0x4  }
0x13: {  	s10 =	ssub.s32 s15, s13;
	[dreg:$0xb] =	wrdreg s8;
	s13 =	sshrl.u32 s22, $0x3  }
0x14: {  	s15 =	sadd.s32 s26, s3;
	s7 =	sadd.s32 s2, s7;
	s2 =	sadd.s32 $0x1BE00, s2  }
0x15: {  	s8 =	simm.s32 $0x4D80;
	s23 =	sadd.s32 s4, s13;
	[dreg:$0xc] =	wrdreg s2  }
0x16: {  	s14 =	sadd.s32 s5, s13;
	s26 =	smax.u32 s10, $0x1;
	[dreg:$0xd] =	wrdreg s23  }
0x17: {  	s10 =	simm.s32 $0x0;
	s16 =	sadd.s32 $0x3520, s7;
	[dreg:$0x10] =	wrdreg s26  }
0x18: {  	s18 =	sadd.s32 $0xD160, s7;
	s19 =	sadd.s32 $0x3A00, s7;
	[dreg:$0x7] =	wrdreg s16  }
0x19: {  	s7 =	sadd.s32 $0xD640, s7;
	s2 =	sadd.s32 $0x4E00, s24;
	[dreg:$0x8] =	wrdreg s18  }
0x1a: {  	s23 =	sshrl.u32 s25, $0x3;
	s26 =	simm.s32 $0x4;
	[dreg:$0x9] =	wrdreg s19  }
0x1b: {  	[dreg:$0xa] =	wrdreg s7;
	s16 =	sadd.s32 $0x27000, s0;
	s4 =	sadd.s32 s4, s2  }
0x1c: {  	s2 =	sadd.s32 s5, s2;
	s19 =	sshrl.u32 s20, $0x3;
	s20 =	sshrl.u32 s21, $0x3  }
0x1d: {  	s21 =	sshrl.u32 s12, $0x3;
	s5 =	simm.s32 $0x2;
	[dreg:$0xe] =	wrdreg s4  }
0x1e: {  	s7 =	simm.s32 $0x4D00;
	s4 =	sadd.s32 $0x27000, s1;
	[dreg:$0xf] =	wrdreg s2  }
0x1f: {  	v0 =	vimm.f32 $0.0e+00;
	vm0 =	vcmask $0x300;
	s2 =	sadd.s32 $0x27000, s3;
	s22 =	sshrl.u32 @!p0 s16, $0x3;
	s24 =	sshrl.u32 @!p0 s4, $0x3  }
0x20: {  	v0 =	vsel vm0, $0x3F800000, v0;
	s25 =	sshrl.u32 @!p0 s2, $0x3;
	s4 =	simm.s32 $0x1;
	s2 =	simm.s32 $0x6700  }
.LBB2_1:
0x21: {  	s12 =	simm.s32 $0x0;
	s13 =	rddreg [dreg:$0x7]  }
0x22: {  	[tilespmem:s12], [sflag:$0x4] =	stream.linear.gather [hbm4b:s13+s12], $0x2700, $0x38;
	[tilespmem:$0xE510] =	vst v63  }
0x23: {  	_ =	swait.ge [sflag:s26], $0x2700  }
0x24: {  	[sflag:s26] =	ssyncset.done $0x0  }
0x25: {  	s16 =	simm.s32 $0x2780;
	s18 =	rddreg [dreg:$0x8];
	[sflag:s26] =	ssyncadd.s32 $0xFFFFD900  }
0x26: {  	[tilespmem:s16], [sflag:$0x4] =	stream.linear.gather [hbm4b:s18+s12], $0x2700, $0x38;
	[tilespmem:$0xE510] =	vst v63  }
0x27: {  	_ =	swait.ge [sflag:s26], $0x2700  }
0x28: {  	s13 =	simm.s32 @!p1 $0x2700;
	[sflag:s26] =	ssyncset.done $0x0  }
0x29: {  	s12 =	simm.s32 @!p1 $0x0;
	s16 =	rddreg [dreg:$0x9];
	[sflag:s26] =	ssyncadd.s32 $0xFFFFD900  }
0x2a: {  	[tilespmem:s13], [sflag:$0x4] =	stream.linear.gather @!p1 [hbm4b:s16+s12], $0x80, $0x38;
	[tilespmem:$0xE510] =	vst v63  }
0x2b: {  	s13 =	simm.s32 @!p1 $0x4  }
0x2c: {  	_ =	swait.ge @!p1 [sflag:s13], $0x80  }
0x2d: {  	[sflag:s13] =	ssyncset.done @!p1 $0x0  }
0x2e: {  	s16 =	simm.s32 @!p1 $0x4E80;
	s17 =	rddreg [dreg:$0xa];
	[sflag:s13] =	ssyncadd.s32 @!p1 $0xFFFFFF80  }
0x2f: {  	[tilespmem:s16], [sflag:$0x4] =	stream.linear.gather @!p1 [hbm4b:s17+s12], $0x80, $0x38;
	[tilespmem:$0xE510] =	vst v63  }
0x30: {  	s17 =	stileid.u32;
	_ =	swait.ge @!p1 [sflag:s13], $0x80  }
0x31: {  	s12 =	sshll.u32 s17, $0x6;
	[sflag:s13] =	ssyncset.done @!p1 $0x0  }
0x32: {  	s12 =	sor.u32 $0x1C04, s12;
	s18 =	rddreg [dreg:$0xb];
	[sflag:s13] =	ssyncadd.s32 @!p1 $0xFFFFFF80  }
0x33: {  	[spmem:s19], [sflag:s12] =	dma.local [hbm:s18], $0x4E0  }
0x34: {  	_ =	swait.ge [sflag:s26], $0x4E0  }
0x35: {  	[sflag:s26] =	ssyncset.done $0x0  }
0x36: {  	[sflag:s26] =	ssyncadd.s32 $0xFFFFFB20  }
0x37: {  	[spmem:s20], [sflag:s12] =	dma.local [hbm:s11], $0x4F0  }
0x38: {  	_ =	swait.ge [sflag:s26], $0x4F0  }
0x39: {  	[sflag:s26] =	ssyncset.done $0x0  }
0x3a: {  	[sflag:s26] =	ssyncadd.s32 $0xFFFFFB10  }
0x3b: {  	[spmem:s21], [sflag:s12] =	dma.local [hbm:s11], $0x4F0  }
0x3c: {  	_ =	swait.ge [sflag:s26], $0x4F0  }
0x3d: {  	[sflag:s26] =	ssyncset.done $0x0  }
0x3e: {  	s13 =	rddreg [dreg:$0xc];
	[sflag:s26] =	ssyncadd.s32 $0xFFFFFB10  }
0x3f: {  	[spmem:s22], [sflag:s12] =	dma.local @!p0 [hbm:s13], $0x20  }
0x40: {  	s13 =	simm.s32 @!p0 $0x4  }
0x41: {  	_ =	swait.ge @!p0 [sflag:s13], $0x20  }
0x42: {  	[sflag:s13] =	ssyncset.done @!p0 $0x0  }
0x43: {  	s16 =	simm.s32 $0x0;
	[sflag:s13] =	ssyncadd.s32 @!p0 $0xFFFFFFE0;
	s13 =	simm.s32 $0x40  }
.LBB2_2:
0x44: {  	p2 =	sne.s32 s13, $0x1FC0;
	[tilespmem:s16+$0x6700] =	vst v0;
	s16 =	smov.u32 s13;
	s13 =	sadd.s32 $0x40, s13  }
.Ltmp0:
0x45: {  	(pc) =	sbr.rel @p2 .LBB2_2-.Ltmp0, $2  }
0x46: {  	_ =	sdelay $0x2  }
0x47: {  	s16 =	sshra.s32 s16, $0x2  }
0x48: {  	[tilespmem:s16+$0x6700] =	vst v0  }
0x49: {  	s13 =	simm.s32 $0x0;
	[bflag:$0x0] =	sbarrier.arrive $0xFFFF  }
0x4a: {  	[tilespmem:s30], [sflag:$0x1] =	stream.indirect.gather [spmem:s0], $0x10, s13, s29, $0xb8;
	[tilespmem:$0xE510] =	vst v63  }
0x4b: {  	_ = 	snop  }
0x4c: {  	[tilespmem:s31], [sflag:$0x2] =	stream.indirect.gather [spmem:s0], $0x10, s29, s29, $0xb8;
	[tilespmem:$0xE510] =	vst v63  }
0x4d: {  	s16 =	simm.s32 $0x100  }
0x4e: {  	[tilespmem:s28], [sflag:$0x3] =	stream.indirect.gather [spmem:s0], $0x10, s16, s29, $0xb8;
	[tilespmem:$0xE510] =	vst v63  }
0x4f: {  	_ =	swait.ge [sflag:s4], $0x800  }
0x50: {  	[sflag:s4] =	ssyncset.done $0x0  }
0x51: {  	s17 =	simm.s32 $0x2780;
	[sflag:s4] =	ssyncadd.s32 $0xFFFFF800  }
0x52: {  	[spmem:s1] =	stream.indirect.scatter.add.f32 [tilespmem:s30], [sflag:$0x4], $0x10, s17, s29, $0xb8;
	[tilespmem:$0xE510] =	vst v63  }
0x53: {  	_ =	swait.ge [sflag:s26], $0x800  }
0x54: {  	[sflag:s26] =	ssyncset.done $0x0  }
0x55: {  	[sflag:s26] =	ssyncadd.s32 $0xFFFFF800  }
0x56: {  	[spmem:s3] =	stream.indirect.scatter.add.f32 [tilespmem:s2], [sflag:$0x4], $0x10, s17, s29, $0xb8;
	[tilespmem:$0xE510] =	vst v63  }
0x57: {  	_ =	swait.ge [sflag:s26], $0x800  }
0x58: {  	[sflag:s26] =	ssyncset.done $0x0  }
0x59: {  	s18 =	simm.s32 $0x180;
	[sflag:s26] =	ssyncadd.s32 $0xFFFFF800  }
0x5a: {  	[tilespmem:s30], [sflag:$0x1] =	stream.indirect.gather [spmem:s0], $0x10, s18, s29, $0xb8;
	[tilespmem:$0xE510] =	vst v63  }
0x5b: {  	_ =	swait.ge [sflag:s5], $0x800  }
0x5c: {  	[sflag:s5] =	ssyncset.done $0x0  }
0x5d: {  	s16 =	simm.s32 $0x2800;
	[sflag:s5] =	ssyncadd.s32 $0xFFFFF800  }
0x5e: {  	[spmem:s1] =	stream.indirect.scatter.add.f32 [tilespmem:s31], [sflag:$0x4], $0x10, s16, s29, $0xb8;
	[tilespmem:$0xE510] =	vst v63  }
0x5f: {  	_ =	swait.ge [sflag:s26], $0x800  }
0x60: {  	[sflag:s26] =	ssyncset.done $0x0  }
0x61: {  	[sflag:s26] =	ssyncadd.s32 $0xFFFFF800  }
0x62: {  	[spmem:s3] =	stream.indirect.scatter.add.f32 [tilespmem:s2], [sflag:$0x4], $0x10, s16, s29, $0xb8;
	[tilespmem:$0xE510] =	vst v63  }
0x63: {  	_ =	swait.ge [sflag:s26], $0x800  }
0x64: {  	[sflag:s26] =	ssyncset.done $0x0  }
0x65: {  	s17 =	simm.s32 $0x200;
	[sflag:s26] =	ssyncadd.s32 $0xFFFFF800  }
0x66: {  	[tilespmem:s31], [sflag:$0x2] =	stream.indirect.gather [spmem:s0], $0x10, s17, s29, $0xb8;
	[tilespmem:$0xE510] =	vst v63  }
0x67: {  	_ =	swait.ge [sflag:s6], $0x800  }
0x68: {  	[sflag:s6] =	ssyncset.done $0x0  }
0x69: {  	s18 =	simm.s32 $0x2880;
	[sflag:s6] =	ssyncadd.s32 $0xFFFFF800  }
0x6a: {  	[spmem:s1] =	stream.indirect.scatter.add.f32 [tilespmem:s28], [sflag:$0x4], $0x10, s18, s29, $0xb8;
	[tilespmem:$0xE510] =	vst v63  }
0x6b: {  	_ =	swait.ge [sflag:s26], $0x800  }
0x6c: {  	[sflag:s26] =	ssyncset.done $0x0  }
0x6d: {  	[sflag:s26] =	ssyncadd.s32 $0xFFFFF800  }
0x6e: {  	[spmem:s3] =	stream.indirect.scatter.add.f32 [tilespmem:s2], [sflag:$0x4], $0x10, s18, s29, $0xb8;
	[tilespmem:$0xE510] =	vst v63  }
0x6f: {  	_ =	swait.ge [sflag:s26], $0x800  }
0x70: {  	[sflag:s26] =	ssyncset.done $0x0  }
0x71: {  	s13 =	simm.s32 $0x600;
	s16 =	simm.s32 $0x280;
	[sflag:s26] =	ssyncadd.s32 $0xFFFFF800  }
.LBB2_4:
0x72: {  	[tilespmem:s28], [sflag:$0x3] =	stream.indirect.gather [spmem:s0], $0x10, s16, s29, $0xb8;
	[tilespmem:$0xE510] =	vst v63  }
0x73: {  	s16 =	smov.u32 s13  }
0x74: {  	p2 =	sne.s32 s13, $0x9000;
	s13 =	sadd.s32 $0x600, s13;
	_ =	swait.ge [sflag:s4], $0x800  }
0x75: {  	s16 =	sshra.s32 s16, $0x2;
	[sflag:s4] =	ssyncset.done $0x0  }
0x76: {  	s17 =	sadd.s32 $0x2780, s16;
	[sflag:s4] =	ssyncadd.s32 $0xFFFFF800  }
0x77: {  	[spmem:s1] =	stream.indirect.scatter.add.f32 [tilespmem:s30], [sflag:$0x4], $0x10, s17, s29, $0xb8;
	[tilespmem:$0xE510] =	vst v63  }
0x78: {  	_ =	swait.ge [sflag:s26], $0x800  }
0x79: {  	[sflag:s26] =	ssyncset.done $0x0  }
0x7a: {  	[sflag:s26] =	ssyncadd.s32 $0xFFFFF800  }
0x7b: {  	[spmem:s3] =	stream.indirect.scatter.add.f32 [tilespmem:s2], [sflag:$0x4], $0x10, s17, s29, $0xb8;
	[tilespmem:$0xE510] =	vst v63  }
0x7c: {  	_ =	swait.ge [sflag:s26], $0x800  }
0x7d: {  	[sflag:s26] =	ssyncset.done $0x0  }
0x7e: {  	s17 =	sadd.s32 $0x180, s16;
	[sflag:s26] =	ssyncadd.s32 $0xFFFFF800  }
0x7f: {  	[tilespmem:s30], [sflag:$0x1] =	stream.indirect.gather [spmem:s0], $0x10, s17, s29, $0xb8;
	[tilespmem:$0xE510] =	vst v63  }
0x80: {  	_ =	swait.ge [sflag:s5], $0x800  }
0x81: {  	[sflag:s5] =	ssyncset.done $0x0  }
0x82: {  	s17 =	sadd.s32 $0x2800, s16;
	[sflag:s5] =	ssyncadd.s32 $0xFFFFF800  }
0x83: {  	[spmem:s1] =	stream.indirect.scatter.add.f32 [tilespmem:s31], [sflag:$0x4], $0x10, s17, s29, $0xb8;
	[tilespmem:$0xE510] =	vst v63  }
0x84: {  	_ =	swait.ge [sflag:s26], $0x800  }
0x85: {  	[sflag:s26] =	ssyncset.done $0x0  }
0x86: {  	[sflag:s26] =	ssyncadd.s32 $0xFFFFF800  }
0x87: {  	[spmem:s3] =	stream.indirect.scatter.add.f32 [tilespmem:s2], [sflag:$0x4], $0x10, s17, s29, $0xb8;
	[tilespmem:$0xE510] =	vst v63  }
0x88: {  	_ =	swait.ge [sflag:s26], $0x800  }
0x89: {  	[sflag:s26] =	ssyncset.done $0x0  }
0x8a: {  	s17 =	sadd.s32 $0x200, s16;
	[sflag:s26] =	ssyncadd.s32 $0xFFFFF800  }
0x8b: {  	[tilespmem:s31], [sflag:$0x2] =	stream.indirect.gather [spmem:s0], $0x10, s17, s29, $0xb8;
	[tilespmem:$0xE510] =	vst v63  }
0x8c: {  	_ =	swait.ge [sflag:s6], $0x800  }
0x8d: {  	[sflag:s6] =	ssyncset.done $0x0  }
0x8e: {  	s17 =	sadd.s32 $0x2880, s16;
	[sflag:s6] =	ssyncadd.s32 $0xFFFFF800  }
0x8f: {  	[spmem:s1] =	stream.indirect.scatter.add.f32 [tilespmem:s28], [sflag:$0x4], $0x10, s17, s29, $0xb8;
	[tilespmem:$0xE510] =	vst v63  }
0x90: {  	_ =	swait.ge [sflag:s26], $0x800  }
0x91: {  	[sflag:s26] =	ssyncset.done $0x0  }
.Ltmp1:
0x92: {  	[sflag:s26] =	ssyncadd.s32 $0xFFFFF800;
	(pc) =	sbr.rel @p2 .LBB2_4-.Ltmp1, $4  }
0x93: {  	[spmem:s3] =	stream.indirect.scatter.add.f32 [tilespmem:s2], [sflag:$0x4], $0x10, s17, s29, $0xb8;
	[tilespmem:$0xE510] =	vst v63  }
0x94: {  	_ =	swait.ge [sflag:s26], $0x800  }
0x95: {  	[sflag:s26] =	ssyncset.done $0x0  }
0x96: {  	s16 =	sadd.s32 $0x280, s16;
	[sflag:s26] =	ssyncadd.s32 $0xFFFFF800  }
0x97: {  	[tilespmem:s28], [sflag:$0x3] =	stream.indirect.gather [spmem:s0], $0x10, s16, s29, $0xb8;
	[tilespmem:$0xE510] =	vst v63  }
0x98: {  	_ =	swait.ge [sflag:s4], $0x800  }
0x99: {  	[sflag:s4] =	ssyncset.done $0x0  }
0x9a: {  	[sflag:s4] =	ssyncadd.s32 $0xFFFFF800  }
0x9b: {  	[spmem:s1] =	stream.indirect.scatter.add.f32 [tilespmem:s30], [sflag:$0x4], $0x10, s7, s29, $0xb8;
	[tilespmem:$0xE510] =	vst v63  }
0x9c: {  	_ =	swait.ge [sflag:s26], $0x800  }
0x9d: {  	[sflag:s26] =	ssyncset.done $0x0  }
0x9e: {  	[sflag:s26] =	ssyncadd.s32 $0xFFFFF800  }
0x9f: {  	[spmem:s3] =	stream.indirect.scatter.add.f32 [tilespmem:s2], [sflag:$0x4], $0x10, s7, s29, $0xb8;
	[tilespmem:$0xE510] =	vst v63  }
0xa0: {  	_ =	swait.ge [sflag:s26], $0x800  }
0xa1: {  	[sflag:s26] =	ssyncset.done $0x0  }
0xa2: {  	[sflag:s26] =	ssyncadd.s32 $0xFFFFF800  }
0xa3: {  	_ =	swait.ge [sflag:s5], $0x800  }
0xa4: {  	[sflag:s5] =	ssyncset.done $0x0  }
0xa5: {  	[sflag:s5] =	ssyncadd.s32 $0xFFFFF800  }
0xa6: {  	[spmem:s1] =	stream.indirect.scatter.add.f32 [tilespmem:s31], [sflag:$0x4], $0x10, s8, s29, $0xb8;
	[tilespmem:$0xE510] =	vst v63  }
0xa7: {  	_ =	swait.ge [sflag:s26], $0x800  }
0xa8: {  	[sflag:s26] =	ssyncset.done $0x0  }
0xa9: {  	[sflag:s26] =	ssyncadd.s32 $0xFFFFF800  }
0xaa: {  	[spmem:s3] =	stream.indirect.scatter.add.f32 [tilespmem:s2], [sflag:$0x4], $0x10, s8, s29, $0xb8;
	[tilespmem:$0xE510] =	vst v63  }
0xab: {  	_ =	swait.ge [sflag:s26], $0x800  }
0xac: {  	[sflag:s26] =	ssyncset.done $0x0  }
0xad: {  	[sflag:s26] =	ssyncadd.s32 $0xFFFFF800  }
0xae: {  	_ =	swait.ge [sflag:s6], $0x800  }
0xaf: {  	[sflag:s6] =	ssyncset.done $0x0  }
0xb0: {  	[sflag:s6] =	ssyncadd.s32 $0xFFFFF800  }
0xb1: {  	[spmem:s1] =	stream.indirect.scatter.add.f32 [tilespmem:s28], [sflag:$0x4], $0x10, s9, s29, $0xb8;
	[tilespmem:$0xE510] =	vst v63  }
0xb2: {  	_ =	swait.ge [sflag:s26], $0x800  }
0xb3: {  	[sflag:s26] =	ssyncset.done $0x0  }
0xb4: {  	[sflag:s26] =	ssyncadd.s32 $0xFFFFF800  }
0xb5: {  	[spmem:s3] =	stream.indirect.scatter.add.f32 [tilespmem:s2], [sflag:$0x4], $0x10, s9, s29, $0xb8;
	[tilespmem:$0xE510] =	vst v63  }
0xb6: {  	_ =	swait.ge [sflag:s26], $0x800  }
0xb7: {  	s13 =	simm.s32 @!p1 $0x80;
	[sflag:s26] =	ssyncset.done $0x0  }
0xb8: {  	s16 =	simm.s32 @!p1 $0x2700;
	s17 =	simm.s32 @!p1 $0x4F00;
	[sflag:s26] =	ssyncadd.s32 $0xFFFFF800  }
0xb9: {  	[tilespmem:s17], [sflag:$0x1] =	stream.indirect.gather @!p1 [spmem:s0], $0x10, s16, s13, $0xb8;
	[tilespmem:$0xE510] =	vst v63  }
0xba: {  	s16 =	simm.s32 @!p1 $0x1  }
0xbb: {  	_ =	swait.ge @!p1 [sflag:s16], $0x800  }
0xbc: {  	[sflag:s16] =	ssyncset.done @!p1 $0x0  }
0xbd: {  	[sflag:s16] =	ssyncadd.s32 @!p1 $0xFFFFF800;
	s16 =	simm.s32 @!p1 $0x4E80  }
0xbe: {  	[spmem:s1] =	stream.indirect.scatter.add.f32 @!p1 [tilespmem:s17], [sflag:$0x4], $0x10, s16, s13, $0xb8;
	[tilespmem:$0xE510] =	vst v63  }
0xbf: {  	s17 =	simm.s32 @!p1 $0x4  }
0xc0: {  	_ =	swait.ge @!p1 [sflag:s17], $0x800  }
0xc1: {  	[sflag:s17] =	ssyncset.done @!p1 $0x0  }
0xc2: {  	s18 =	simm.s32 @!p1 $0x6700;
	[sflag:s17] =	ssyncadd.s32 @!p1 $0xFFFFF800  }
0xc3: {  	[spmem:s3] =	stream.indirect.scatter.add.f32 @!p1 [tilespmem:s18], [sflag:$0x4], $0x10, s16, s13, $0xb8;
	[tilespmem:$0xE510] =	vst v63  }
0xc4: {  	_ =	swait.ge @!p1 [sflag:s17], $0x800  }
0xc5: {  	[sflag:s17] =	ssyncset.done @!p1 $0x0  }
0xc6: {  	[sflag:s17] =	ssyncadd.s32 @!p1 $0xFFFFF800  }
0xc7: {  	[bflag:$0x0] =	sbarrier.arrive $0xFFFF  }
0xc8: {  	s17 =	rddreg [dreg:$0xd]  }
0xc9: {  	[hbm:s17], [sflag:s12] =	dma.local [spmem:s23], $0x4E0  }
0xca: {  	_ =	swait.ge [sflag:s26], $0x4E0  }
0xcb: {  	[sflag:s26] =	ssyncset.done $0x0  }
0xcc: {  	s13 =	sshrl.u32 @p0 s15, $0x3;
	[sflag:s26] =	ssyncadd.s32 $0xFFFFFB20  }
0xcd: {  	[hbm:s14], [sflag:s12] =	dma.local @p0 [spmem:s13], $0x4E0  }
0xce: {  	s13 =	simm.s32 @p0 $0x4  }
0xcf: {  	_ =	swait.ge @p0 [sflag:s13], $0x4E0  }
0xd0: {  	[sflag:s13] =	ssyncset.done @p0 $0x0  }
0xd1: {  	[sflag:s13] =	ssyncadd.s32 @p0 $0xFFFFFB20;
	s13 =	rddreg [dreg:$0xe]  }
0xd2: {  	[hbm:s13], [sflag:s12] =	dma.local @!p0 [spmem:s24], $0x20  }
0xd3: {  	s13 =	simm.s32 @!p0 $0x4  }
0xd4: {  	_ =	swait.ge @!p0 [sflag:s13], $0x20  }
0xd5: {  	[sflag:s13] =	ssyncset.done @!p0 $0x0  }
0xd6: {  	s16 =	sshrl.u32 @!p0 s15, $0x3;
	[sflag:s13] =	ssyncadd.s32 @!p0 $0xFFFFFFE0  }
0xd7: {  	[hbm:s14], [sflag:s12] =	dma.local @!p0 [spmem:s16], $0x4E0  }
0xd8: {  	_ =	swait.ge @!p0 [sflag:s13], $0x4E0  }
0xd9: {  	[sflag:s13] =	ssyncset.done @!p0 $0x0  }
0xda: {  	s16 =	rddreg [dreg:$0xf];
	[sflag:s13] =	ssyncadd.s32 @!p0 $0xFFFFFB20  }
0xdb: {  	[hbm:s16], [sflag:s12] =	dma.local @!p0 [spmem:s25], $0x20  }
0xdc: {  	_ =	swait.ge @!p0 [sflag:s13], $0x20  }
0xdd: {  	s10 =	sadd.s32 $0x1, s10;
	s18 =	rddreg [dreg:$0x10]  }
0xde: {  	p2 =	sne.s32 s10, s18  }
.Ltmp2:
0xdf: {  	_ = 	snop;
	(pc) =	sbr.rel @p2 .LBB2_1-.Ltmp2, $3  }
0xe0: {  	_ =	sdelay $0x1  }
0xe1: {  	[sflag:s13] =	ssyncset.done @!p0 $0x0  }
0xe2: {  	[sflag:s13] =	ssyncadd.s32 @!p0 $0xFFFFFFE0  }
0xe3: {  	_ =	sfence.sel $0x180000  }
0xe4: {  	[bflag:$0x0] =	sbarrier.arrive $0xFFFF  }
0xe5: {  	_ =	strace $0x90000047  }
0xe6: {  	[bflag:$0x2] =	sbarrier.arrive $0xFFFF  }
0xe7: {  	s0 =	rddreg [dreg:$0x6]  }
0xe8: {  	s0 =	sadd.s32 @!p0 $0x100000, s0  }
0xe9: {  	[sflag:s0] =	ssyncadd.tile.s32 @!p0 $0x1;
	_ =	shalt  }
.Lfunc_end2:
_tile_overlayer_lowered:
.L_overlay_start_2:
0xea: {  	(tag) =	ssettag $0x2  }
0xeb: {  	s0 =	rddreg [dreg:$0x0];
	s2 =	stileid.u32  }
0xec: {  	s1 =	rddreg [dreg:$0x1];
	p0 =	sne.s32 s2, $0x0  }
0xed: {  	s3 =	rddreg [dreg:$0x2];
	[bflag:$0x3] =	sbarrier.arrive $0xFFFF;
	s2 =	simm.s32 @!p0 $0x1C04  }
0xee: {  	[timem:s3], [sflag:s2] =	dma.local @!p0 [hbm:s0], s1  }
0xef: {  	s0 =	simm.s32 @!p0 $0x4  }
0xf0: {  	_ =	swait.ge @!p0 [sflag:s0], s1  }
0xf1: {  	s1 =	ssub.s32 @!p0 $0x0, s1;
	[sflag:s0] =	ssyncset.done @!p0 $0x0  }
0xf2: {  	[sflag:s0] =	ssyncadd.s32 @!p0 s1  }
0xf3: {  	[bflag:$0x3] =	sbarrier.arrive $0xFFFF  }
0xf4: {  	_ =	shalt  }

</sc_bundles>
